<compile_context>
chip_gen: v7x
topology: tpu7x:2x2x1
jax: 0.10.2.dev20260603
libtpu: 0.0.44.dev20260713+nightly
codegen_flags: <defaults>
</compile_context>

<pallas_src>
import functools
import jax
import jax.numpy as jnp
from jax import lax
from jax.experimental import pallas as pl
from jax.experimental.pallas import tpu as pltpu
from jax.experimental.pallas import tpu_sc as plsc

_N = 10000
_E = 320000

_NC = 2
_NS = 16
_NW = _NC * _NS

_NPAD = 10112
_RPT = _NPAD // _NS
_W = 32
_H = 16
_CH = 128
_PCH = 160
_NBUF = 4
_EPAD = _NS * _PCH * _CH
_EPT = _E // _NW
_FCH = _EPT // _CH
_FTAIL = _EPT - _FCH * _CH

_mesh = plsc.VectorSubcoreMesh(
    core_axis_name="c", subcore_axis_name="s",
    num_cores=_NC, num_subcores=_NS)

_sc_params = pltpu.CompilerParams(use_tc_tiling_on_sc=False,
                                  needs_layout_passes=False)

_f32 = jnp.float32


def _rsqrt16(v):
  x2 = v * 0.5
  i = plsc.bitcast(v, jnp.int32)
  i = jnp.int32(0x5F3759DF) - lax.shift_right_arithmetic(i, 1)
  y = plsc.bitcast(i, _f32)
  for _ in range(3):
    y = y * (1.5 - x2 * y * y)
  return y


def _tanh16(z):
  return 1.0 - 2.0 / (jnp.exp(2.0 * z) + 1.0)


def _ring_prop(table, src_v, dst_v, acc_sh, rows, gsem, ssem):
  for b in range(_NBUF):
    pltpu.async_copy(table.at[src_v.at[b]], rows[b], gsem[b])

  nround = _PCH // _NBUF

  def round_(k, carry):
    j0 = k * _NBUF
    for b in range(_NBUF):
      pltpu.make_async_copy(table.at[src_v.at[j0 + b]], rows[b],
                            gsem[b]).wait()
      pltpu.async_copy(rows[b], acc_sh.at[dst_v.at[j0 + b]], ssem[b],
                       add=True)
    for b in range(_NBUF):
      @pl.when(k < nround - 1)
      def _():
        pltpu.make_async_copy(rows[b], acc_sh.at[dst_v.at[j0 + b]],
                              ssem[b]).wait()
        pltpu.async_copy(table.at[src_v.at[j0 + _NBUF + b]], rows[b],
                         gsem[b])
    return carry

  lax.fori_loop(0, nround, round_, 0)
  for b in range(_NBUF):
    j = _PCH - _NBUF + b
    pltpu.make_async_copy(rows[b], acc_sh.at[dst_v.at[j]], ssem[b]).wait()


def _zero_acc(zeros_hbm, acc_sh, sid):
  pltpu.sync_copy(zeros_hbm.at[pl.ds(sid * _RPT, _RPT)],
                  acc_sh.at[pl.ds(sid * _RPT, _RPT)])


@functools.partial(
    pl.kernel,
    out_type=(jax.ShapeDtypeStruct((_NC, _NPAD, _H), _f32),
              jax.ShapeDtypeStruct((_NC, _NPAD, _H), _f32),
              jax.ShapeDtypeStruct((_NPAD, _H), _f32),
              jax.ShapeDtypeStruct((_NC, _NPAD, _H), _f32)),
    mesh=_mesh,
    scratch_types=[
        pltpu.VMEM((_PCH, _CH), jnp.int32),
        pltpu.VMEM((_PCH, _CH), jnp.int32),
        pltpu.VMEM((_CH, _H), _f32),
        pltpu.VMEM((_RPT, _H), _f32),
        pltpu.VMEM((_RPT, _H), _f32),
        pltpu.VMEM((_RPT, _H), _f32),
        pltpu.VMEM((1, _H), _f32),
        pltpu.VMEM_SHARED((_NPAD, _H), _f32),
        [pltpu.VMEM((_CH, _H), _f32)] * _NBUF,
        [pltpu.SemaphoreType.DMA] * _NBUF,
        [pltpu.SemaphoreType.DMA] * _NBUF,
        pltpu.SemaphoreType.DMA,
    ],
    compiler_params=_sc_params,
)
def _mega_kernel(h0h_hbm, srcp_hbm, dstp_hbm, ones_hbm, zeros_hbm, b1h_hbm,
                 s2_hbm, g2h_hbm, dinv_hbm, g1h_hbm,
                 src_v, dst_v, ones_v, dinv_v, wa, wb, b1_v,
                 acc_sh, rows, gsem, ssem, sem):
  cid = lax.axis_index("c")
  sid = lax.axis_index("s")
  rsl = pl.ds(sid * _RPT, _RPT)

  pltpu.sync_copy(srcp_hbm.at[sid], src_v)
  pltpu.sync_copy(dstp_hbm.at[sid], dst_v)
  pltpu.sync_copy(ones_hbm, ones_v)
  pltpu.sync_copy(b1h_hbm.at[cid], b1_v)
  _zero_acc(zeros_hbm, acc_sh, sid)
  plsc.subcore_barrier()

  def dfire(j, carry):
    pltpu.async_copy(ones_v, acc_sh.at[dst_v.at[j]], sem, add=True)
    return carry

  lax.fori_loop(0, _PCH, dfire, 0)

  def ddrain(j, carry):
    pltpu.make_async_copy(ones_v, acc_sh.at[dst_v.at[j]], sem).wait()
    return carry

  lax.fori_loop(0, _PCH, ddrain, 0)
  plsc.subcore_barrier()

  pltpu.sync_copy(acc_sh.at[rsl], dinv_v)

  def dinv_row(r, carry):
    dinv_v[r, :] = _rsqrt16(dinv_v[r, :] + 1.0)
    return carry

  lax.fori_loop(0, _RPT, dinv_row, 0)

  @pl.when(cid == 0)
  def _():
    pltpu.sync_copy(dinv_v, dinv_hbm.at[rsl])

  pltpu.sync_copy(h0h_hbm.at[cid, rsl], wa)

  def g1_row(r, carry):
    wa[r, :] = wa[r, :] * dinv_v[r, :]
    return carry

  lax.fori_loop(0, _RPT, g1_row, 0)
  pltpu.sync_copy(wa, g1h_hbm.at[cid, rsl])

  _zero_acc(zeros_hbm, acc_sh, sid)
  plsc.subcore_barrier()

  _ring_prop(g1h_hbm.at[cid], src_v, dst_v, acc_sh, rows, gsem, ssem)
  plsc.subcore_barrier()

  b1row = b1_v[0, :]
  pltpu.sync_copy(acc_sh.at[rsl], wb)

  def g2_row(r, carry):
    d = dinv_v[r, :]
    ph = d * (wb[r, :] + wa[r, :]) + b1row
    wb[r, :] = d * _tanh16(ph)
    return carry

  lax.fori_loop(0, _RPT, g2_row, 0)
  pltpu.sync_copy(wb, g2h_hbm.at[cid, rsl])

  _zero_acc(zeros_hbm, acc_sh, sid)
  plsc.subcore_barrier()

  _ring_prop(g2h_hbm.at[cid], src_v, dst_v, acc_sh, rows, gsem, ssem)
  plsc.subcore_barrier()

  pltpu.sync_copy(acc_sh.at[rsl], s2_hbm.at[cid, rsl])


@functools.partial(
    pl.kernel,
    out_type=jax.ShapeDtypeStruct((_NC, _NPAD, _H), _f32),
    mesh=_mesh,
    scratch_types=[
        pltpu.VMEM((_PCH, _CH), jnp.int32),
        pltpu.VMEM((_PCH, _CH), jnp.int32),
        pltpu.VMEM_SHARED((_NPAD, _H), _f32),
        [pltpu.VMEM((_CH, _H), _f32)] * _NBUF,
        [pltpu.SemaphoreType.DMA] * _NBUF,
        [pltpu.SemaphoreType.DMA] * _NBUF,
    ],
    compiler_params=_sc_params,
)
def _prop_kernel(gh_hbm, srcp_hbm, dstp_hbm, zeros_hbm, out_hbm,
                 src_v, dst_v, acc_sh, rows, gsem, ssem):
  cid = lax.axis_index("c")
  sid = lax.axis_index("s")
  rsl = pl.ds(sid * _RPT, _RPT)
  pltpu.sync_copy(srcp_hbm.at[sid], src_v)
  pltpu.sync_copy(dstp_hbm.at[sid], dst_v)
  _zero_acc(zeros_hbm, acc_sh, sid)
  plsc.subcore_barrier()
  _ring_prop(gh_hbm.at[cid], src_v, dst_v, acc_sh, rows, gsem, ssem)
  plsc.subcore_barrier()
  pltpu.sync_copy(acc_sh.at[rsl], out_hbm.at[cid, rsl])


@functools.partial(
    pl.kernel,
    out_type=jax.ShapeDtypeStruct((_E, 32), _f32),
    mesh=_mesh,
    scratch_types=[
        pltpu.VMEM((_EPT,), jnp.int32),
        pltpu.VMEM((_EPT,), jnp.int32),
        [pltpu.VMEM((_CH, 16), _f32)] * 2,
        [pltpu.VMEM((_CH, 16), _f32)] * 2,
        [pltpu.SemaphoreType.DMA] * 2,
        [pltpu.SemaphoreType.DMA] * 2,
    ],
    compiler_params=_sc_params,
)
def _edge_kernel(t_hbm, src_hbm, dst_hbm, ee_hbm,
                 src_v, dst_v, a_v, b_v, asem, bsem):
  wid = lax.axis_index("s") * _NC + lax.axis_index("c")
  base = wid * _EPT

  pltpu.sync_copy(src_hbm.at[pl.ds(base, _EPT)], src_v)
  pltpu.sync_copy(dst_hbm.at[pl.ds(base, _EPT)], dst_v)

  def chunk(j, b, nrows):
    row0 = base + j * _CH
    sidx = src_v.at[pl.ds(j * _CH, nrows)]
    didx = dst_v.at[pl.ds(j * _CH, nrows)]
    ga = pltpu.async_copy(t_hbm.at[sidx], a_v[b].at[pl.ds(0, nrows)],
                          asem[b])
    gb = pltpu.async_copy(t_hbm.at[didx], b_v[b].at[pl.ds(0, nrows)],
                          bsem[b])
    ga.wait()
    pltpu.sync_copy(a_v[b].at[pl.ds(0, nrows)],
                    ee_hbm.at[pl.ds(row0, nrows), pl.ds(0, 16)])
    gb.wait()
    pltpu.sync_copy(b_v[b].at[pl.ds(0, nrows)],
                    ee_hbm.at[pl.ds(row0, nrows), pl.ds(16, 16)])

  def body(j, carry):
    chunk(j, 0, _CH)
    return carry

  lax.fori_loop(0, _FCH, body, 0)
  chunk(_FCH, 1, _FTAIL)


_TCG = 8
_RBLK = _NPAD // _TCG


def _rblk(minor):
  return pl.BlockSpec((_RBLK, minor), lambda i: (i, 0))


def _rblk3(minor):
  return pl.BlockSpec((2, _RBLK, minor), lambda i: (0, i, 0))


def _full(shape):
  nd = len(shape)
  return pl.BlockSpec(shape, lambda i: (0,) * nd)


def _tc_call(body, out_shapes, in_specs, out_specs):
  return pl.pallas_call(body, grid=(_TCG,), in_specs=in_specs,
                        out_specs=out_specs, out_shape=out_shapes)


def _k1_body(x_ref, w1_ref, h0h_ref):
  h = jnp.dot(x_ref[...], w1_ref[...], preferred_element_type=_f32)
  h0h_ref[0] = h[:, 0:16]
  h0h_ref[1] = jnp.concatenate(
      [h[:, 16:18], jnp.zeros((_RBLK, 14), _f32)], axis=1)


def _k3_body(s_ref, g2h_ref, dinv_ref, w2_ref, b2_ref, g3h_ref):
  dinv = dinv_ref[:, 0:1]
  sg = s_ref[0] + g2h_ref[0]
  sg1 = s_ref[1] + g2h_ref[1]
  ph = (dinv * jnp.concatenate([sg, sg1[:, 0:2]], axis=1))
  h2 = jnp.tanh(
      jnp.dot(ph, w2_ref[...], preferred_element_type=_f32) + b2_ref[...])
  g3 = dinv * h2
  g3h_ref[0] = g3[:, 0:16]
  g3h_ref[1] = jnp.concatenate(
      [g3[:, 16:24], jnp.zeros((_RBLK, 8), _f32)], axis=1)


def _k4_body(s_ref, g3h_ref, dinv_ref, w3_ref, b3_ref, l1w_ref, l1b_ref,
             l2w_ref, l2b_ref, l3w_ref, l3b_ref, t_ref):
  dinv = dinv_ref[:, 0:1]
  sg = s_ref[0] + g3h_ref[0]
  sg1 = s_ref[1] + g3h_ref[1]
  ph = dinv * jnp.concatenate([sg, sg1[:, 0:8]], axis=1)
  t3 = jnp.tanh(
      jnp.dot(ph, w3_ref[...], preferred_element_type=_f32) + b3_ref[...])
  t4 = jnp.tanh(
      jnp.dot(t3, l1w_ref[...], preferred_element_type=_f32) + l1b_ref[...])
  t5 = jnp.tanh(
      jnp.dot(t4, l2w_ref[...], preferred_element_type=_f32) + l2b_ref[...])
  h = jnp.tanh(
      jnp.dot(t5, l3w_ref[...], preferred_element_type=_f32) + l3b_ref[...])
  t_ref[...] = jnp.concatenate([h, jnp.zeros((_RBLK, 4), _f32)], axis=1)


def _k5_body(ee_ref, cw_ref, cb_ref, et_ref, ot_ref):
  e = jnp.concatenate([ee_ref[:, 0:12], ee_ref[:, 16:28]], axis=1)
  et_ref[...] = e.T
  o = jnp.dot(e, cw_ref[...], preferred_element_type=_f32) + cb_ref[...]
  ot_ref[...] = o.T


_K5_BLK = 6400
_K5_R8 = _K5_BLK * 16 // 128


def kernel(x, edge_index, batch, W1, b1, W2, b2, W3, b3,
           L1W, L1b, L2W, L2b, L3W, L3b, CW, Cb):
  del batch
  src = edge_index[0].astype(jnp.int32)
  dst = edge_index[1].astype(jnp.int32)

  sent = jnp.full((_EPAD - _E,), _N, jnp.int32)
  srcp = jnp.concatenate([src, sent]).reshape(_NS, _PCH, _CH)
  dstp = jnp.concatenate([dst, sent]).reshape(_NS, _PCH, _CH)

  xpad = jnp.zeros((_NPAD, 128), _f32).at[:_N].set(x)
  ones16 = jnp.ones((_CH, _H), _f32)
  zeros16 = jnp.zeros((_NPAD, _H), _f32)
  b1h = jnp.zeros((_NC, 1, _H), _f32).at[0, 0, :16].set(b1[:16]) \
      .at[1, 0, :2].set(b1[16:18])

  h0h = _tc_call(
      _k1_body, jax.ShapeDtypeStruct((_NC, _NPAD, _H), _f32),
      [_rblk(128), _full((128, 18))], _rblk3(_H))(xpad, W1)

  s2, g2h, dinv16, _g1h = _mega_kernel(h0h, srcp, dstp, ones16, zeros16,
                                       b1h)

  g3h = _tc_call(
      _k3_body, jax.ShapeDtypeStruct((_NC, _NPAD, _H), _f32),
      [_rblk3(_H), _rblk3(_H), _rblk(_H), _full((18, 24)), _full((1, 24))],
      _rblk3(_H))(s2, g2h, dinv16, W2, b2.reshape(1, 24))

  s3 = _prop_kernel(g3h, srcp, dstp, zeros16)

  t = _tc_call(
      _k4_body, jax.ShapeDtypeStruct((_NPAD, 16), _f32),
      [_rblk3(_H), _rblk3(_H), _rblk(_H), _full((24, 256)), _full((1, 256)),
       _full((256, 24)), _full((1, 24)), _full((24, 18)), _full((1, 18)),
       _full((18, 12)), _full((1, 12))],
      _rblk(16))(s3, g3h, dinv16, W3, b3.reshape(1, 256), L1W,
                 L1b.reshape(1, 24), L2W, L2b.reshape(1, 18), L3W,
                 L3b.reshape(1, 12))

  ee = _edge_kernel(t, src, dst)

  et, ot = pl.pallas_call(
      _k5_body,
      grid=(_E // _K5_BLK,),
      in_specs=[
          pl.BlockSpec((_K5_BLK, 32), lambda i: (i, 0)),
          pl.BlockSpec((24, 10), lambda i: (0, 0)),
          pl.BlockSpec((1, 10), lambda i: (0, 0)),
      ],
      out_specs=[
          pl.BlockSpec((24, _K5_BLK), lambda i: (0, i)),
          pl.BlockSpec((10, _K5_BLK), lambda i: (0, i)),
      ],
      out_shape=[
          jax.ShapeDtypeStruct((24, _E), _f32),
          jax.ShapeDtypeStruct((10, _E), _f32),
      ],
  )(ee, CW, Cb.reshape(1, 10))

  return (ot.T, et.T)

# --- scband reference (transcript-rebuilt; emitter-appended) ---
"""Pipeline reference for scband-simple-gcn-31602369364481 (READ-ONLY COPY).

The authoritative reference and input builder live on the scoring server;
editing this copy changes nothing except your own understanding.
"""

import jax, jax.numpy as jnp
import numpy as np

N = 10000
E = 320000
F_IN = 128
N_CLASSES = 10

def _init_linear(key, fan_in, fan_out):
    k1, k2 = jax.random.split(key)
    lim = 1.0 / np.sqrt(fan_in)
    W = jax.random.uniform(k1, (fan_in, fan_out), jnp.float32, -lim, lim)
    b = jax.random.uniform(k2, (fan_out,), jnp.float32, -lim, lim)
    return W, b

def setup_inputs(seed: int = 0):
    key = jax.random.key(seed)
    ks = jax.random.split(key, 10)
    x = jax.random.normal(ks[0], (N, F_IN), dtype=jnp.float32)
    edge_index = jax.random.randint(ks[1], (2, E), 0, N, dtype=jnp.int32)
    batch = jnp.zeros((N,), dtype=jnp.int32)
    W1, b1 = _init_linear(ks[2], F_IN, 18)
    W2, b2 = _init_linear(ks[3], 18, 24)
    W3, b3 = _init_linear(ks[4], 24, F_IN * 2)
    L1W, L1b = _init_linear(ks[5], F_IN * 2, 24)
    L2W, L2b = _init_linear(ks[6], 24, 18)
    L3W, L3b = _init_linear(ks[7], 18, 12)
    CW, Cb = _init_linear(ks[8], 24, N_CLASSES)
    return {"x": x, "edge_index": edge_index, "batch": batch,
            "W1": W1, "b1": b1, "W2": W2, "b2": b2, "W3": W3, "b3": b3,
            "L1W": L1W, "L1b": L1b, "L2W": L2W, "L2b": L2b,
            "L3W": L3W, "L3b": L3b, "CW": CW, "Cb": Cb}

def _gcn_conv(x, edge_index, W, b):
    # torch_geometric GCNConv: add self-loops, symmetric normalization, scatter-add
    n = x.shape[0]
    loop = jnp.arange(n, dtype=edge_index.dtype)
    src = jnp.concatenate([edge_index[0], loop])
    dst = jnp.concatenate([edge_index[1], loop])
    h = x @ W
    deg = jnp.zeros((n,), h.dtype).at[dst].add(1.0)
    dinv = jnp.where(deg > 0, jax.lax.rsqrt(deg), 0.0)
    norm = dinv[src] * dinv[dst]
    msg = h[src] * norm[:, None]
    out = jnp.zeros((n, h.shape[1]), h.dtype).at[dst].add(msg)
    return out + b

def reference(x, edge_index, batch, W1, b1, W2, b2, W3, b3, L1W, L1b, L2W, L2b, L3W, L3b, CW, Cb):
    h = jnp.tanh(_gcn_conv(x, edge_index, W1, b1))
    h = jnp.tanh(_gcn_conv(h, edge_index, W2, b2))
    h = jnp.tanh(_gcn_conv(h, edge_index, W3, b3))
    h = jnp.tanh(h @ L1W + L1b)
    h = jnp.tanh(h @ L2W + L2b)
    h = jnp.tanh(h @ L3W + L3b)
    e = jnp.concatenate([h[edge_index[0]], h[edge_index[1]]], axis=1)
    out = e @ CW + Cb
    return (out, e)

if __name__ == "__main__":
    import jax
    _d = setup_inputs()
    print(jax.jit(kernel)(*tuple(_d.values())))

</pallas_src>

<mosaic_0001>
#map = affine_map<(d0, d1) -> (0, 0, 0)>
#map1 = affine_map<(d0, d1) -> (0, 0)>
module attributes {stable_mosaic.version = 14 : i64} {
  func.func @_prop_kernel(%arg0: i32, %arg1: i32, %arg2: memref<2x10112x16xf32, #tpu.memory_space<hbm>>, %arg3: memref<16x160x128xi32, #tpu.memory_space<hbm>>, %arg4: memref<16x160x128xi32, #tpu.memory_space<hbm>>, %arg5: memref<10112x16xf32, #tpu.memory_space<hbm>>, %arg6: memref<2x10112x16xf32, #tpu.memory_space<hbm>>, %arg7: memref<160x128xi32, #tpu.memory_space<vmem>>, %arg8: memref<160x128xi32, #tpu.memory_space<vmem>>, %arg9: memref<10112x16xf32, #tpu.memory_space<vmem_shared>>, %arg10: memref<128x16xf32, #tpu.memory_space<vmem>>, %arg11: memref<128x16xf32, #tpu.memory_space<vmem>>, %arg12: memref<128x16xf32, #tpu.memory_space<vmem>>, %arg13: memref<128x16xf32, #tpu.memory_space<vmem>>, %arg14: memref<!tpu.dma_semaphore, #tpu.memory_space<semaphore_mem>>, %arg15: memref<!tpu.dma_semaphore, #tpu.memory_space<semaphore_mem>>, %arg16: memref<!tpu.dma_semaphore, #tpu.memory_space<semaphore_mem>>, %arg17: memref<!tpu.dma_semaphore, #tpu.memory_space<semaphore_mem>>, %arg18: memref<!tpu.dma_semaphore, #tpu.memory_space<semaphore_mem>>, %arg19: memref<!tpu.dma_semaphore, #tpu.memory_space<semaphore_mem>>, %arg20: memref<!tpu.dma_semaphore, #tpu.memory_space<semaphore_mem>>, %arg21: memref<!tpu.dma_semaphore, #tpu.memory_space<semaphore_mem>>) attributes {dimension_semantics = [#tpu.dimension_semantics<core_parallel>, #tpu.dimension_semantics<subcore_parallel>], iteration_bounds = array<i64: 2, 16>, scalar_prefetch = 0 : i64, scratch_operands = 15 : i64, tpu.core_type = #tpu.core_type<sc_vector_subcore>, window_params = [{transform_indices = #map}, {transform_indices = #map}, {transform_indices = #map}, {transform_indices = #map1}, {transform_indices = #map}]} {
    %mul3A = arith.constant 632 : i32
    %mul3A_0 = arith.muli %arg1, %mul3A : i32
    "tpu.region"() ({
      %run_scoped3A = tpu.sem_alloc : memref<!tpu.dma_semaphore, #tpu.memory_space<semaphore_mem>>
      %dma_start3A_81 = arith.constant 0 : i32
      %dma_start3A_82 = arith.constant 0 : i32
      %dma_start3A_83 = tpu.memref_slice %arg3[%arg1, %dma_start3A_81, %dma_start3A_82] : memref<16x160x128xi32, #tpu.memory_space<hbm>> -> memref<1x160x128xi32, #tpu.memory_space<hbm>>
      %dma_start3A_84 = tpu.memref_squeeze %dma_start3A_83 : memref<1x160x128xi32, #tpu.memory_space<hbm>> -> memref<160x128xi32, #tpu.memory_space<hbm>>
      %dma_start3A_85 = arith.constant 0 : i32
      %dma_start3A_86 = arith.constant 0 : i32
      %dma_start3A_87 = tpu.memref_slice %arg3[%arg1, %dma_start3A_85, %dma_start3A_86] : memref<16x160x128xi32, #tpu.memory_space<hbm>> -> memref<1x160x128xi32, #tpu.memory_space<hbm>>
      %dma_start3A_88 = tpu.memref_squeeze %dma_start3A_87 : memref<1x160x128xi32, #tpu.memory_space<hbm>> -> memref<160x128xi32, #tpu.memory_space<hbm>>
      tpu.enqueue_dma source(%dma_start3A_88 : memref<160x128xi32, #tpu.memory_space<hbm>>) target(%arg7 : memref<160x128xi32, #tpu.memory_space<vmem>>) target_semaphore(%run_scoped3A : memref<!tpu.dma_semaphore, #tpu.memory_space<semaphore_mem>>)
      %dma_wait3A_89 = arith.constant 0 : i32
      %dma_wait3A_90 = arith.constant 0 : i32
      %dma_wait3A_91 = tpu.memref_slice %arg3[%arg1, %dma_wait3A_89, %dma_wait3A_90] : memref<16x160x128xi32, #tpu.memory_space<hbm>> -> memref<1x160x128xi32, #tpu.memory_space<hbm>>
      %dma_wait3A_92 = tpu.memref_squeeze %dma_wait3A_91 : memref<1x160x128xi32, #tpu.memory_space<hbm>> -> memref<160x128xi32, #tpu.memory_space<hbm>>
      %dma_wait3A_93 = arith.constant 0 : i32
      %dma_wait3A_94 = arith.constant 0 : i32
      %dma_wait3A_95 = tpu.memref_slice %arg3[%arg1, %dma_wait3A_93, %dma_wait3A_94] : memref<16x160x128xi32, #tpu.memory_space<hbm>> -> memref<1x160x128xi32, #tpu.memory_space<hbm>>
      %dma_wait3A_96 = tpu.memref_squeeze %dma_wait3A_95 : memref<1x160x128xi32, #tpu.memory_space<hbm>> -> memref<160x128xi32, #tpu.memory_space<hbm>>
      tpu.wait_dma2 semaphore(%run_scoped3A : memref<!tpu.dma_semaphore, #tpu.memory_space<semaphore_mem>>) src(%dma_wait3A_96 : memref<160x128xi32, #tpu.memory_space<hbm>>) dst(%arg7 : memref<160x128xi32, #tpu.memory_space<vmem>>)
      tpu.yield
    }) : () -> ()
    "tpu.region"() ({
      %run_scoped3A = tpu.sem_alloc : memref<!tpu.dma_semaphore, #tpu.memory_space<semaphore_mem>>
      %dma_start3A_81 = arith.constant 0 : i32
      %dma_start3A_82 = arith.constant 0 : i32
      %dma_start3A_83 = tpu.memref_slice %arg4[%arg1, %dma_start3A_81, %dma_start3A_82] : memref<16x160x128xi32, #tpu.memory_space<hbm>> -> memref<1x160x128xi32, #tpu.memory_space<hbm>>
      %dma_start3A_84 = tpu.memref_squeeze %dma_start3A_83 : memref<1x160x128xi32, #tpu.memory_space<hbm>> -> memref<160x128xi32, #tpu.memory_space<hbm>>
      %dma_start3A_85 = arith.constant 0 : i32
      %dma_start3A_86 = arith.constant 0 : i32
      %dma_start3A_87 = tpu.memref_slice %arg4[%arg1, %dma_start3A_85, %dma_start3A_86] : memref<16x160x128xi32, #tpu.memory_space<hbm>> -> memref<1x160x128xi32, #tpu.memory_space<hbm>>
      %dma_start3A_88 = tpu.memref_squeeze %dma_start3A_87 : memref<1x160x128xi32, #tpu.memory_space<hbm>> -> memref<160x128xi32, #tpu.memory_space<hbm>>
      tpu.enqueue_dma source(%dma_start3A_88 : memref<160x128xi32, #tpu.memory_space<hbm>>) target(%arg8 : memref<160x128xi32, #tpu.memory_space<vmem>>) target_semaphore(%run_scoped3A : memref<!tpu.dma_semaphore, #tpu.memory_space<semaphore_mem>>)
      %dma_wait3A_89 = arith.constant 0 : i32
      %dma_wait3A_90 = arith.constant 0 : i32
      %dma_wait3A_91 = tpu.memref_slice %arg4[%arg1, %dma_wait3A_89, %dma_wait3A_90] : memref<16x160x128xi32, #tpu.memory_space<hbm>> -> memref<1x160x128xi32, #tpu.memory_space<hbm>>
      %dma_wait3A_92 = tpu.memref_squeeze %dma_wait3A_91 : memref<1x160x128xi32, #tpu.memory_space<hbm>> -> memref<160x128xi32, #tpu.memory_space<hbm>>
      %dma_wait3A_93 = arith.constant 0 : i32
      %dma_wait3A_94 = arith.constant 0 : i32
      %dma_wait3A_95 = tpu.memref_slice %arg4[%arg1, %dma_wait3A_93, %dma_wait3A_94] : memref<16x160x128xi32, #tpu.memory_space<hbm>> -> memref<1x160x128xi32, #tpu.memory_space<hbm>>
      %dma_wait3A_96 = tpu.memref_squeeze %dma_wait3A_95 : memref<1x160x128xi32, #tpu.memory_space<hbm>> -> memref<160x128xi32, #tpu.memory_space<hbm>>
      tpu.wait_dma2 semaphore(%run_scoped3A : memref<!tpu.dma_semaphore, #tpu.memory_space<semaphore_mem>>) src(%dma_wait3A_96 : memref<160x128xi32, #tpu.memory_space<hbm>>) dst(%arg8 : memref<160x128xi32, #tpu.memory_space<vmem>>)
      tpu.yield
    }) : () -> ()
    %mul3A_1 = arith.constant 632 : i32
    %mul3A_2 = arith.muli %arg1, %mul3A_1 : i32
    %mul3A_3 = arith.constant 632 : i32
    %mul3A_4 = arith.muli %arg1, %mul3A_3 : i32
    "tpu.region"() ({
      %run_scoped3A = tpu.sem_alloc : memref<!tpu.dma_semaphore, #tpu.memory_space<semaphore_mem>>
      %dma_start3A_81 = arith.constant 0 : i32
      %dma_start3A_82 = tpu.memref_slice %arg9[%mul3A_4, %dma_start3A_81] : memref<10112x16xf32, #tpu.memory_space<vmem_shared>> -> memref<632x16xf32, #tpu.memory_space<vmem_shared>>
      %dma_start3A_83 = arith.constant 0 : i32
      %dma_start3A_84 = tpu.memref_slice %arg5[%mul3A_2, %dma_start3A_83] : memref<10112x16xf32, #tpu.memory_space<hbm>> -> memref<632x16xf32, #tpu.memory_space<hbm>>
      tpu.enqueue_dma source(%dma_start3A_84 : memref<632x16xf32, #tpu.memory_space<hbm>>) target(%dma_start3A_82 : memref<632x16xf32, #tpu.memory_space<vmem_shared>>) target_semaphore(%run_scoped3A : memref<!tpu.dma_semaphore, #tpu.memory_space<semaphore_mem>>)
      %dma_wait3A_85 = arith.constant 0 : i32
      %dma_wait3A_86 = tpu.memref_slice %arg9[%mul3A_4, %dma_wait3A_85] : memref<10112x16xf32, #tpu.memory_space<vmem_shared>> -> memref<632x16xf32, #tpu.memory_space<vmem_shared>>
      %dma_wait3A_87 = arith.constant 0 : i32
      %dma_wait3A_88 = tpu.memref_slice %arg5[%mul3A_2, %dma_wait3A_87] : memref<10112x16xf32, #tpu.memory_space<hbm>> -> memref<632x16xf32, #tpu.memory_space<hbm>>
      tpu.wait_dma2 semaphore(%run_scoped3A : memref<!tpu.dma_semaphore, #tpu.memory_space<semaphore_mem>>) src(%dma_wait3A_88 : memref<632x16xf32, #tpu.memory_space<hbm>>) dst(%dma_wait3A_86 : memref<632x16xf32, #tpu.memory_space<vmem_shared>>)
      tpu.yield
    }) : () -> ()
    %barrier3A = arith.constant 0 : index
    tpu.barrier barrier_id(%barrier3A)
    %dma_start3A = arith.constant 0 : i32
    %dma_start3A_5 = arith.constant 0 : i32
    %dma_start3A_6 = tpu.memref_slice %arg7[%dma_start3A, %dma_start3A_5] : memref<160x128xi32, #tpu.memory_space<vmem>> -> memref<1x128xi32, #tpu.memory_space<vmem>>
    %dma_start3A_7 = tpu.memref_squeeze %dma_start3A_6 : memref<1x128xi32, #tpu.memory_space<vmem>> -> memref<128xi32, #tpu.memory_space<vmem>>
    %dma_start3A_8 = arith.constant 0 : i32
    %dma_start3A_9 = arith.constant 0 : i32
    %dma_start3A_10 = tpu.memref_slice %arg2[%arg0, %dma_start3A_8, %dma_start3A_9] : memref<2x10112x16xf32, #tpu.memory_space<hbm>> -> memref<1x10112x16xf32, #tpu.memory_space<hbm>>
    %dma_start3A_11 = tpu.memref_squeeze %dma_start3A_10 : memref<1x10112x16xf32, #tpu.memory_space<hbm>> -> memref<10112x16xf32, #tpu.memory_space<hbm>>
    %dma_start3A_12 = arith.constant 0 : i32
    %dma_start3A_13 = arith.constant 0 : i32
    %dma_start3A_14 = tpu.memref_slice %dma_start3A_11[%dma_start3A_12, %dma_start3A_13] : memref<10112x16xf32, #tpu.memory_space<hbm>> -> memref<10112x16xf32, #tpu.memory_space<hbm>>
    tpu.enqueue_indirect_dma source(%dma_start3A_14 : memref<10112x16xf32, #tpu.memory_space<hbm>>) target(%arg10 : memref<128x16xf32, #tpu.memory_space<vmem>>) offsets(%dma_start3A_7 : memref<128xi32, #tpu.memory_space<vmem>>) semaphore(%arg14 : memref<!tpu.dma_semaphore, #tpu.memory_space<semaphore_mem>>)
    %dma_start3A_15 = arith.constant 1 : i32
    %dma_start3A_16 = arith.constant 0 : i32
    %dma_start3A_17 = tpu.memref_slice %arg7[%dma_start3A_15, %dma_start3A_16] : memref<160x128xi32, #tpu.memory_space<vmem>> -> memref<1x128xi32, #tpu.memory_space<vmem>>
    %dma_start3A_18 = tpu.memref_squeeze %dma_start3A_17 : memref<1x128xi32, #tpu.memory_space<vmem>> -> memref<128xi32, #tpu.memory_space<vmem>>
    %dma_start3A_19 = arith.constant 0 : i32
    %dma_start3A_20 = arith.constant 0 : i32
    %dma_start3A_21 = tpu.memref_slice %arg2[%arg0, %dma_start3A_19, %dma_start3A_20] : memref<2x10112x16xf32, #tpu.memory_space<hbm>> -> memref<1x10112x16xf32, #tpu.memory_space<hbm>>
    %dma_start3A_22 = tpu.memref_squeeze %dma_start3A_21 : memref<1x10112x16xf32, #tpu.memory_space<hbm>> -> memref<10112x16xf32, #tpu.memory_space<hbm>>
    %dma_start3A_23 = arith.constant 0 : i32
    %dma_start3A_24 = arith.constant 0 : i32
    %dma_start3A_25 = tpu.memref_slice %dma_start3A_22[%dma_start3A_23, %dma_start3A_24] : memref<10112x16xf32, #tpu.memory_space<hbm>> -> memref<10112x16xf32, #tpu.memory_space<hbm>>
    tpu.enqueue_indirect_dma source(%dma_start3A_25 : memref<10112x16xf32, #tpu.memory_space<hbm>>) target(%arg11 : memref<128x16xf32, #tpu.memory_space<vmem>>) offsets(%dma_start3A_18 : memref<128xi32, #tpu.memory_space<vmem>>) semaphore(%arg15 : memref<!tpu.dma_semaphore, #tpu.memory_space<semaphore_mem>>)
    %dma_start3A_26 = arith.constant 2 : i32
    %dma_start3A_27 = arith.constant 0 : i32
    %dma_start3A_28 = tpu.memref_slice %arg7[%dma_start3A_26, %dma_start3A_27] : memref<160x128xi32, #tpu.memory_space<vmem>> -> memref<1x128xi32, #tpu.memory_space<vmem>>
    %dma_start3A_29 = tpu.memref_squeeze %dma_start3A_28 : memref<1x128xi32, #tpu.memory_space<vmem>> -> memref<128xi32, #tpu.memory_space<vmem>>
    %dma_start3A_30 = arith.constant 0 : i32
    %dma_start3A_31 = arith.constant 0 : i32
    %dma_start3A_32 = tpu.memref_slice %arg2[%arg0, %dma_start3A_30, %dma_start3A_31] : memref<2x10112x16xf32, #tpu.memory_space<hbm>> -> memref<1x10112x16xf32, #tpu.memory_space<hbm>>
    %dma_start3A_33 = tpu.memref_squeeze %dma_start3A_32 : memref<1x10112x16xf32, #tpu.memory_space<hbm>> -> memref<10112x16xf32, #tpu.memory_space<hbm>>
    %dma_start3A_34 = arith.constant 0 : i32
    %dma_start3A_35 = arith.constant 0 : i32
    %dma_start3A_36 = tpu.memref_slice %dma_start3A_33[%dma_start3A_34, %dma_start3A_35] : memref<10112x16xf32, #tpu.memory_space<hbm>> -> memref<10112x16xf32, #tpu.memory_space<hbm>>
    tpu.enqueue_indirect_dma source(%dma_start3A_36 : memref<10112x16xf32, #tpu.memory_space<hbm>>) target(%arg12 : memref<128x16xf32, #tpu.memory_space<vmem>>) offsets(%dma_start3A_29 : memref<128xi32, #tpu.memory_space<vmem>>) semaphore(%arg16 : memref<!tpu.dma_semaphore, #tpu.memory_space<semaphore_mem>>)
    %dma_start3A_37 = arith.constant 3 : i32
    %dma_start3A_38 = arith.constant 0 : i32
    %dma_start3A_39 = tpu.memref_slice %arg7[%dma_start3A_37, %dma_start3A_38] : memref<160x128xi32, #tpu.memory_space<vmem>> -> memref<1x128xi32, #tpu.memory_space<vmem>>
    %dma_start3A_40 = tpu.memref_squeeze %dma_start3A_39 : memref<1x128xi32, #tpu.memory_space<vmem>> -> memref<128xi32, #tpu.memory_space<vmem>>
    %dma_start3A_41 = arith.constant 0 : i32
    %dma_start3A_42 = arith.constant 0 : i32
    %dma_start3A_43 = tpu.memref_slice %arg2[%arg0, %dma_start3A_41, %dma_start3A_42] : memref<2x10112x16xf32, #tpu.memory_space<hbm>> -> memref<1x10112x16xf32, #tpu.memory_space<hbm>>
    %dma_start3A_44 = tpu.memref_squeeze %dma_start3A_43 : memref<1x10112x16xf32, #tpu.memory_space<hbm>> -> memref<10112x16xf32, #tpu.memory_space<hbm>>
    %dma_start3A_45 = arith.constant 0 : i32
    %dma_start3A_46 = arith.constant 0 : i32
    %dma_start3A_47 = tpu.memref_slice %dma_start3A_44[%dma_start3A_45, %dma_start3A_46] : memref<10112x16xf32, #tpu.memory_space<hbm>> -> memref<10112x16xf32, #tpu.memory_space<hbm>>
    tpu.enqueue_indirect_dma source(%dma_start3A_47 : memref<10112x16xf32, #tpu.memory_space<hbm>>) target(%arg13 : memref<128x16xf32, #tpu.memory_space<vmem>>) offsets(%dma_start3A_40 : memref<128xi32, #tpu.memory_space<vmem>>) semaphore(%arg17 : memref<!tpu.dma_semaphore, #tpu.memory_space<semaphore_mem>>)
    %scan3A = arith.constant 0 : i32
    %scan3A_48 = arith.constant 0 : i32
    %scan3A_49 = arith.constant 40 : i32
    %scan3A_50 = arith.addi %scan3A_48, %scan3A_49 : i32
    %scan3A_51 = arith.constant 1 : i32
    scf.for %scan3A_81 = %scan3A_48 to %scan3A_50 step %scan3A_51  : i32 {
      %mul3A_82 = arith.constant 4 : i32
      %mul3A_83 = arith.muli %scan3A_81, %mul3A_82 : i32
      %add3A = arith.constant 0 : i32
      %add3A_84 = arith.addi %mul3A_83, %add3A : i32
      %dma_wait3A_85 = arith.constant 0 : i32
      %dma_wait3A_86 = tpu.memref_slice %arg7[%add3A_84, %dma_wait3A_85] : memref<160x128xi32, #tpu.memory_space<vmem>> -> memref<1x128xi32, #tpu.memory_space<vmem>>
      %dma_wait3A_87 = tpu.memref_squeeze %dma_wait3A_86 : memref<1x128xi32, #tpu.memory_space<vmem>> -> memref<128xi32, #tpu.memory_space<vmem>>
      %dma_wait3A_88 = arith.constant 0 : i32
      %dma_wait3A_89 = arith.constant 0 : i32
      %dma_wait3A_90 = tpu.memref_slice %arg2[%arg0, %dma_wait3A_88, %dma_wait3A_89] : memref<2x10112x16xf32, #tpu.memory_space<hbm>> -> memref<1x10112x16xf32, #tpu.memory_space<hbm>>
      %dma_wait3A_91 = tpu.memref_squeeze %dma_wait3A_90 : memref<1x10112x16xf32, #tpu.memory_space<hbm>> -> memref<10112x16xf32, #tpu.memory_space<hbm>>
      %dma_wait3A_92 = arith.constant 0 : i32
      %dma_wait3A_93 = arith.constant 0 : i32
      %dma_wait3A_94 = tpu.memref_slice %dma_wait3A_91[%dma_wait3A_92, %dma_wait3A_93] : memref<10112x16xf32, #tpu.memory_space<hbm>> -> memref<10112x16xf32, #tpu.memory_space<hbm>>
      tpu.wait_indirect_dma semaphore(%arg14 : memref<!tpu.dma_semaphore, #tpu.memory_space<semaphore_mem>>) src(%dma_wait3A_94 : memref<10112x16xf32, #tpu.memory_space<hbm>>) dst(%arg10 : memref<128x16xf32, #tpu.memory_space<vmem>>)
      %add3A_95 = arith.constant 0 : i32
      %add3A_96 = arith.addi %mul3A_83, %add3A_95 : i32
      %dma_start3A_97 = arith.constant 0 : i32
      %dma_start3A_98 = tpu.memref_slice %arg8[%add3A_96, %dma_start3A_97] : memref<160x128xi32, #tpu.memory_space<vmem>> -> memref<1x128xi32, #tpu.memory_space<vmem>>
      %dma_start3A_99 = tpu.memref_squeeze %dma_start3A_98 : memref<1x128xi32, #tpu.memory_space<vmem>> -> memref<128xi32, #tpu.memory_space<vmem>>
      %dma_start3A_100 = arith.constant 0 : i32
      %dma_start3A_101 = arith.constant 0 : i32
      %dma_start3A_102 = tpu.memref_slice %arg9[%dma_start3A_100, %dma_start3A_101] : memref<10112x16xf32, #tpu.memory_space<vmem_shared>> -> memref<10112x16xf32, #tpu.memory_space<vmem_shared>>
      tpu.enqueue_indirect_dma source(%arg10 : memref<128x16xf32, #tpu.memory_space<vmem>>) target(%dma_start3A_102 : memref<10112x16xf32, #tpu.memory_space<vmem_shared>>) offsets(%dma_start3A_99 : memref<128xi32, #tpu.memory_space<vmem>>) semaphore(%arg18 : memref<!tpu.dma_semaphore, #tpu.memory_space<semaphore_mem>>) {add = true}
      %add3A_103 = arith.constant 1 : i32
      %add3A_104 = arith.addi %mul3A_83, %add3A_103 : i32
      %dma_wait3A_105 = arith.constant 0 : i32
      %dma_wait3A_106 = tpu.memref_slice %arg7[%add3A_104, %dma_wait3A_105] : memref<160x128xi32, #tpu.memory_space<vmem>> -> memref<1x128xi32, #tpu.memory_space<vmem>>
      %dma_wait3A_107 = tpu.memref_squeeze %dma_wait3A_106 : memref<1x128xi32, #tpu.memory_space<vmem>> -> memref<128xi32, #tpu.memory_space<vmem>>
      %dma_wait3A_108 = arith.constant 0 : i32
      %dma_wait3A_109 = arith.constant 0 : i32
      %dma_wait3A_110 = tpu.memref_slice %arg2[%arg0, %dma_wait3A_108, %dma_wait3A_109] : memref<2x10112x16xf32, #tpu.memory_space<hbm>> -> memref<1x10112x16xf32, #tpu.memory_space<hbm>>
      %dma_wait3A_111 = tpu.memref_squeeze %dma_wait3A_110 : memref<1x10112x16xf32, #tpu.memory_space<hbm>> -> memref<10112x16xf32, #tpu.memory_space<hbm>>
      %dma_wait3A_112 = arith.constant 0 : i32
      %dma_wait3A_113 = arith.constant 0 : i32
      %dma_wait3A_114 = tpu.memref_slice %dma_wait3A_111[%dma_wait3A_112, %dma_wait3A_113] : memref<10112x16xf32, #tpu.memory_space<hbm>> -> memref<10112x16xf32, #tpu.memory_space<hbm>>
      tpu.wait_indirect_dma semaphore(%arg15 : memref<!tpu.dma_semaphore, #tpu.memory_space<semaphore_mem>>) src(%dma_wait3A_114 : memref<10112x16xf32, #tpu.memory_space<hbm>>) dst(%arg11 : memref<128x16xf32, #tpu.memory_space<vmem>>)
      %add3A_115 = arith.constant 1 : i32
      %add3A_116 = arith.addi %mul3A_83, %add3A_115 : i32
      %dma_start3A_117 = arith.constant 0 : i32
      %dma_start3A_118 = tpu.memref_slice %arg8[%add3A_116, %dma_start3A_117] : memref<160x128xi32, #tpu.memory_space<vmem>> -> memref<1x128xi32, #tpu.memory_space<vmem>>
      %dma_start3A_119 = tpu.memref_squeeze %dma_start3A_118 : memref<1x128xi32, #tpu.memory_space<vmem>> -> memref<128xi32, #tpu.memory_space<vmem>>
      %dma_start3A_120 = arith.constant 0 : i32
      %dma_start3A_121 = arith.constant 0 : i32
      %dma_start3A_122 = tpu.memref_slice %arg9[%dma_start3A_120, %dma_start3A_121] : memref<10112x16xf32, #tpu.memory_space<vmem_shared>> -> memref<10112x16xf32, #tpu.memory_space<vmem_shared>>
      tpu.enqueue_indirect_dma source(%arg11 : memref<128x16xf32, #tpu.memory_space<vmem>>) target(%dma_start3A_122 : memref<10112x16xf32, #tpu.memory_space<vmem_shared>>) offsets(%dma_start3A_119 : memref<128xi32, #tpu.memory_space<vmem>>) semaphore(%arg19 : memref<!tpu.dma_semaphore, #tpu.memory_space<semaphore_mem>>) {add = true}
      %add3A_123 = arith.constant 2 : i32
      %add3A_124 = arith.addi %mul3A_83, %add3A_123 : i32
      %dma_wait3A_125 = arith.constant 0 : i32
      %dma_wait3A_126 = tpu.memref_slice %arg7[%add3A_124, %dma_wait3A_125] : memref<160x128xi32, #tpu.memory_space<vmem>> -> memref<1x128xi32, #tpu.memory_space<vmem>>
      %dma_wait3A_127 = tpu.memref_squeeze %dma_wait3A_126 : memref<1x128xi32, #tpu.memory_space<vmem>> -> memref<128xi32, #tpu.memory_space<vmem>>
      %dma_wait3A_128 = arith.constant 0 : i32
      %dma_wait3A_129 = arith.constant 0 : i32
      %dma_wait3A_130 = tpu.memref_slice %arg2[%arg0, %dma_wait3A_128, %dma_wait3A_129] : memref<2x10112x16xf32, #tpu.memory_space<hbm>> -> memref<1x10112x16xf32, #tpu.memory_space<hbm>>
      %dma_wait3A_131 = tpu.memref_squeeze %dma_wait3A_130 : memref<1x10112x16xf32, #tpu.memory_space<hbm>> -> memref<10112x16xf32, #tpu.memory_space<hbm>>
      %dma_wait3A_132 = arith.constant 0 : i32
      %dma_wait3A_133 = arith.constant 0 : i32
      %dma_wait3A_134 = tpu.memref_slice %dma_wait3A_131[%dma_wait3A_132, %dma_wait3A_133] : memref<10112x16xf32, #tpu.memory_space<hbm>> -> memref<10112x16xf32, #tpu.memory_space<hbm>>
      tpu.wait_indirect_dma semaphore(%arg16 : memref<!tpu.dma_semaphore, #tpu.memory_space<semaphore_mem>>) src(%dma_wait3A_134 : memref<10112x16xf32, #tpu.memory_space<hbm>>) dst(%arg12 : memref<128x16xf32, #tpu.memory_space<vmem>>)
      %add3A_135 = arith.constant 2 : i32
      %add3A_136 = arith.addi %mul3A_83, %add3A_135 : i32
      %dma_start3A_137 = arith.constant 0 : i32
      %dma_start3A_138 = tpu.memref_slice %arg8[%add3A_136, %dma_start3A_137] : memref<160x128xi32, #tpu.memory_space<vmem>> -> memref<1x128xi32, #tpu.memory_space<vmem>>
      %dma_start3A_139 = tpu.memref_squeeze %dma_start3A_138 : memref<1x128xi32, #tpu.memory_space<vmem>> -> memref<128xi32, #tpu.memory_space<vmem>>
      %dma_start3A_140 = arith.constant 0 : i32
      %dma_start3A_141 = arith.constant 0 : i32
      %dma_start3A_142 = tpu.memref_slice %arg9[%dma_start3A_140, %dma_start3A_141] : memref<10112x16xf32, #tpu.memory_space<vmem_shared>> -> memref<10112x16xf32, #tpu.memory_space<vmem_shared>>
      tpu.enqueue_indirect_dma source(%arg12 : memref<128x16xf32, #tpu.memory_space<vmem>>) target(%dma_start3A_142 : memref<10112x16xf32, #tpu.memory_space<vmem_shared>>) offsets(%dma_start3A_139 : memref<128xi32, #tpu.memory_space<vmem>>) semaphore(%arg20 : memref<!tpu.dma_semaphore, #tpu.memory_space<semaphore_mem>>) {add = true}
      %add3A_143 = arith.constant 3 : i32
      %add3A_144 = arith.addi %mul3A_83, %add3A_143 : i32
      %dma_wait3A_145 = arith.constant 0 : i32
      %dma_wait3A_146 = tpu.memref_slice %arg7[%add3A_144, %dma_wait3A_145] : memref<160x128xi32, #tpu.memory_space<vmem>> -> memref<1x128xi32, #tpu.memory_space<vmem>>
      %dma_wait3A_147 = tpu.memref_squeeze %dma_wait3A_146 : memref<1x128xi32, #tpu.memory_space<vmem>> -> memref<128xi32, #tpu.memory_space<vmem>>
      %dma_wait3A_148 = arith.constant 0 : i32
      %dma_wait3A_149 = arith.constant 0 : i32
      %dma_wait3A_150 = tpu.memref_slice %arg2[%arg0, %dma_wait3A_148, %dma_wait3A_149] : memref<2x10112x16xf32, #tpu.memory_space<hbm>> -> memref<1x10112x16xf32, #tpu.memory_space<hbm>>
      %dma_wait3A_151 = tpu.memref_squeeze %dma_wait3A_150 : memref<1x10112x16xf32, #tpu.memory_space<hbm>> -> memref<10112x16xf32, #tpu.memory_space<hbm>>
      %dma_wait3A_152 = arith.constant 0 : i32
      %dma_wait3A_153 = arith.constant 0 : i32
      %dma_wait3A_154 = tpu.memref_slice %dma_wait3A_151[%dma_wait3A_152, %dma_wait3A_153] : memref<10112x16xf32, #tpu.memory_space<hbm>> -> memref<10112x16xf32, #tpu.memory_space<hbm>>
      tpu.wait_indirect_dma semaphore(%arg17 : memref<!tpu.dma_semaphore, #tpu.memory_space<semaphore_mem>>) src(%dma_wait3A_154 : memref<10112x16xf32, #tpu.memory_space<hbm>>) dst(%arg13 : memref<128x16xf32, #tpu.memory_space<vmem>>)
      %add3A_155 = arith.constant 3 : i32
      %add3A_156 = arith.addi %mul3A_83, %add3A_155 : i32
      %dma_start3A_157 = arith.constant 0 : i32
      %dma_start3A_158 = tpu.memref_slice %arg8[%add3A_156, %dma_start3A_157] : memref<160x128xi32, #tpu.memory_space<vmem>> -> memref<1x128xi32, #tpu.memory_space<vmem>>
      %dma_start3A_159 = tpu.memref_squeeze %dma_start3A_158 : memref<1x128xi32, #tpu.memory_space<vmem>> -> memref<128xi32, #tpu.memory_space<vmem>>
      %dma_start3A_160 = arith.constant 0 : i32
      %dma_start3A_161 = arith.constant 0 : i32
      %dma_start3A_162 = tpu.memref_slice %arg9[%dma_start3A_160, %dma_start3A_161] : memref<10112x16xf32, #tpu.memory_space<vmem_shared>> -> memref<10112x16xf32, #tpu.memory_space<vmem_shared>>
      tpu.enqueue_indirect_dma source(%arg13 : memref<128x16xf32, #tpu.memory_space<vmem>>) target(%dma_start3A_162 : memref<10112x16xf32, #tpu.memory_space<vmem_shared>>) offsets(%dma_start3A_159 : memref<128xi32, #tpu.memory_space<vmem>>) semaphore(%arg21 : memref<!tpu.dma_semaphore, #tpu.memory_space<semaphore_mem>>) {add = true}
      %lt3A = arith.constant 39 : i32
      %lt3A_163 = arith.cmpi slt, %scan3A_81, %lt3A : i32
      %convert_element_type3A = arith.extui %lt3A_163 : i1 to i32
      %cond3A = arith.constant 0 : i32
      %cond3A_164 = arith.cmpi ne, %convert_element_type3A, %cond3A : i32
      scf.if %cond3A_164 {
        %add3A_180 = arith.constant 0 : i32
        %add3A_181 = arith.addi %mul3A_83, %add3A_180 : i32
        %dma_wait3A_182 = arith.constant 0 : i32
        %dma_wait3A_183 = tpu.memref_slice %arg8[%add3A_181, %dma_wait3A_182] : memref<160x128xi32, #tpu.memory_space<vmem>> -> memref<1x128xi32, #tpu.memory_space<vmem>>
        %dma_wait3A_184 = tpu.memref_squeeze %dma_wait3A_183 : memref<1x128xi32, #tpu.memory_space<vmem>> -> memref<128xi32, #tpu.memory_space<vmem>>
        %dma_wait3A_185 = arith.constant 0 : i32
        %dma_wait3A_186 = arith.constant 0 : i32
        %dma_wait3A_187 = tpu.memref_slice %arg9[%dma_wait3A_185, %dma_wait3A_186] : memref<10112x16xf32, #tpu.memory_space<vmem_shared>> -> memref<10112x16xf32, #tpu.memory_space<vmem_shared>>
        tpu.wait_indirect_dma semaphore(%arg18 : memref<!tpu.dma_semaphore, #tpu.memory_space<semaphore_mem>>) src(%arg10 : memref<128x16xf32, #tpu.memory_space<vmem>>) dst(%dma_wait3A_187 : memref<10112x16xf32, #tpu.memory_space<vmem_shared>>)
        %add3A_188 = arith.constant 4 : i32
        %add3A_189 = arith.addi %mul3A_83, %add3A_188 : i32
        %add3A_190 = arith.constant 0 : i32
        %add3A_191 = arith.addi %add3A_189, %add3A_190 : i32
        %dma_start3A_192 = arith.constant 0 : i32
        %dma_start3A_193 = tpu.memref_slice %arg7[%add3A_191, %dma_start3A_192] : memref<160x128xi32, #tpu.memory_space<vmem>> -> memref<1x128xi32, #tpu.memory_space<vmem>>
        %dma_start3A_194 = tpu.memref_squeeze %dma_start3A_193 : memref<1x128xi32, #tpu.memory_space<vmem>> -> memref<128xi32, #tpu.memory_space<vmem>>
        %dma_start3A_195 = arith.constant 0 : i32
        %dma_start3A_196 = arith.constant 0 : i32
        %dma_start3A_197 = tpu.memref_slice %arg2[%arg0, %dma_start3A_195, %dma_start3A_196] : memref<2x10112x16xf32, #tpu.memory_space<hbm>> -> memref<1x10112x16xf32, #tpu.memory_space<hbm>>
        %dma_start3A_198 = tpu.memref_squeeze %dma_start3A_197 : memref<1x10112x16xf32, #tpu.memory_space<hbm>> -> memref<10112x16xf32, #tpu.memory_space<hbm>>
        %dma_start3A_199 = arith.constant 0 : i32
        %dma_start3A_200 = arith.constant 0 : i32
        %dma_start3A_201 = tpu.memref_slice %dma_start3A_198[%dma_start3A_199, %dma_start3A_200] : memref<10112x16xf32, #tpu.memory_space<hbm>> -> memref<10112x16xf32, #tpu.memory_space<hbm>>
        tpu.enqueue_indirect_dma source(%dma_start3A_201 : memref<10112x16xf32, #tpu.memory_space<hbm>>) target(%arg10 : memref<128x16xf32, #tpu.memory_space<vmem>>) offsets(%dma_start3A_194 : memref<128xi32, #tpu.memory_space<vmem>>) semaphore(%arg14 : memref<!tpu.dma_semaphore, #tpu.memory_space<semaphore_mem>>)
      } else {
      }
      %lt3A_165 = arith.constant 39 : i32
      %lt3A_166 = arith.cmpi slt, %scan3A_81, %lt3A_165 : i32
      %convert_element_type3A_167 = arith.extui %lt3A_166 : i1 to i32
      %cond3A_168 = arith.constant 0 : i32
      %cond3A_169 = arith.cmpi ne, %convert_element_type3A_167, %cond3A_168 : i32
      scf.if %cond3A_169 {
        %add3A_180 = arith.constant 1 : i32
        %add3A_181 = arith.addi %mul3A_83, %add3A_180 : i32
        %dma_wait3A_182 = arith.constant 0 : i32
        %dma_wait3A_183 = tpu.memref_slice %arg8[%add3A_181, %dma_wait3A_182] : memref<160x128xi32, #tpu.memory_space<vmem>> -> memref<1x128xi32, #tpu.memory_space<vmem>>
        %dma_wait3A_184 = tpu.memref_squeeze %dma_wait3A_183 : memref<1x128xi32, #tpu.memory_space<vmem>> -> memref<128xi32, #tpu.memory_space<vmem>>
        %dma_wait3A_185 = arith.constant 0 : i32
        %dma_wait3A_186 = arith.constant 0 : i32
        %dma_wait3A_187 = tpu.memref_slice %arg9[%dma_wait3A_185, %dma_wait3A_186] : memref<10112x16xf32, #tpu.memory_space<vmem_shared>> -> memref<10112x16xf32, #tpu.memory_space<vmem_shared>>
        tpu.wait_indirect_dma semaphore(%arg19 : memref<!tpu.dma_semaphore, #tpu.memory_space<semaphore_mem>>) src(%arg11 : memref<128x16xf32, #tpu.memory_space<vmem>>) dst(%dma_wait3A_187 : memref<10112x16xf32, #tpu.memory_space<vmem_shared>>)
        %add3A_188 = arith.constant 4 : i32
        %add3A_189 = arith.addi %mul3A_83, %add3A_188 : i32
        %add3A_190 = arith.constant 1 : i32
        %add3A_191 = arith.addi %add3A_189, %add3A_190 : i32
        %dma_start3A_192 = arith.constant 0 : i32
        %dma_start3A_193 = tpu.memref_slice %arg7[%add3A_191, %dma_start3A_192] : memref<160x128xi32, #tpu.memory_space<vmem>> -> memref<1x128xi32, #tpu.memory_space<vmem>>
        %dma_start3A_194 = tpu.memref_squeeze %dma_start3A_193 : memref<1x128xi32, #tpu.memory_space<vmem>> -> memref<128xi32, #tpu.memory_space<vmem>>
        %dma_start3A_195 = arith.constant 0 : i32
        %dma_start3A_196 = arith.constant 0 : i32
        %dma_start3A_197 = tpu.memref_slice %arg2[%arg0, %dma_start3A_195, %dma_start3A_196] : memref<2x10112x16xf32, #tpu.memory_space<hbm>> -> memref<1x10112x16xf32, #tpu.memory_space<hbm>>
        %dma_start3A_198 = tpu.memref_squeeze %dma_start3A_197 : memref<1x10112x16xf32, #tpu.memory_space<hbm>> -> memref<10112x16xf32, #tpu.memory_space<hbm>>
        %dma_start3A_199 = arith.constant 0 : i32
        %dma_start3A_200 = arith.constant 0 : i32
        %dma_start3A_201 = tpu.memref_slice %dma_start3A_198[%dma_start3A_199, %dma_start3A_200] : memref<10112x16xf32, #tpu.memory_space<hbm>> -> memref<10112x16xf32, #tpu.memory_space<hbm>>
        tpu.enqueue_indirect_dma source(%dma_start3A_201 : memref<10112x16xf32, #tpu.memory_space<hbm>>) target(%arg11 : memref<128x16xf32, #tpu.memory_space<vmem>>) offsets(%dma_start3A_194 : memref<128xi32, #tpu.memory_space<vmem>>) semaphore(%arg15 : memref<!tpu.dma_semaphore, #tpu.memory_space<semaphore_mem>>)
      } else {
      }
      %lt3A_170 = arith.constant 39 : i32
      %lt3A_171 = arith.cmpi slt, %scan3A_81, %lt3A_170 : i32
      %convert_element_type3A_172 = arith.extui %lt3A_171 : i1 to i32
      %cond3A_173 = arith.constant 0 : i32
      %cond3A_174 = arith.cmpi ne, %convert_element_type3A_172, %cond3A_173 : i32
      scf.if %cond3A_174 {
        %add3A_180 = arith.constant 2 : i32
        %add3A_181 = arith.addi %mul3A_83, %add3A_180 : i32
        %dma_wait3A_182 = arith.constant 0 : i32
        %dma_wait3A_183 = tpu.memref_slice %arg8[%add3A_181, %dma_wait3A_182] : memref<160x128xi32, #tpu.memory_space<vmem>> -> memref<1x128xi32, #tpu.memory_space<vmem>>
        %dma_wait3A_184 = tpu.memref_squeeze %dma_wait3A_183 : memref<1x128xi32, #tpu.memory_space<vmem>> -> memref<128xi32, #tpu.memory_space<vmem>>
        %dma_wait3A_185 = arith.constant 0 : i32
        %dma_wait3A_186 = arith.constant 0 : i32
        %dma_wait3A_187 = tpu.memref_slice %arg9[%dma_wait3A_185, %dma_wait3A_186] : memref<10112x16xf32, #tpu.memory_space<vmem_shared>> -> memref<10112x16xf32, #tpu.memory_space<vmem_shared>>
        tpu.wait_indirect_dma semaphore(%arg20 : memref<!tpu.dma_semaphore, #tpu.memory_space<semaphore_mem>>) src(%arg12 : memref<128x16xf32, #tpu.memory_space<vmem>>) dst(%dma_wait3A_187 : memref<10112x16xf32, #tpu.memory_space<vmem_shared>>)
        %add3A_188 = arith.constant 4 : i32
        %add3A_189 = arith.addi %mul3A_83, %add3A_188 : i32
        %add3A_190 = arith.constant 2 : i32
        %add3A_191 = arith.addi %add3A_189, %add3A_190 : i32
        %dma_start3A_192 = arith.constant 0 : i32
        %dma_start3A_193 = tpu.memref_slice %arg7[%add3A_191, %dma_start3A_192] : memref<160x128xi32, #tpu.memory_space<vmem>> -> memref<1x128xi32, #tpu.memory_space<vmem>>
        %dma_start3A_194 = tpu.memref_squeeze %dma_start3A_193 : memref<1x128xi32, #tpu.memory_space<vmem>> -> memref<128xi32, #tpu.memory_space<vmem>>
        %dma_start3A_195 = arith.constant 0 : i32
        %dma_start3A_196 = arith.constant 0 : i32
        %dma_start3A_197 = tpu.memref_slice %arg2[%arg0, %dma_start3A_195, %dma_start3A_196] : memref<2x10112x16xf32, #tpu.memory_space<hbm>> -> memref<1x10112x16xf32, #tpu.memory_space<hbm>>
        %dma_start3A_198 = tpu.memref_squeeze %dma_start3A_197 : memref<1x10112x16xf32, #tpu.memory_space<hbm>> -> memref<10112x16xf32, #tpu.memory_space<hbm>>
        %dma_start3A_199 = arith.constant 0 : i32
        %dma_start3A_200 = arith.constant 0 : i32
        %dma_start3A_201 = tpu.memref_slice %dma_start3A_198[%dma_start3A_199, %dma_start3A_200] : memref<10112x16xf32, #tpu.memory_space<hbm>> -> memref<10112x16xf32, #tpu.memory_space<hbm>>
        tpu.enqueue_indirect_dma source(%dma_start3A_201 : memref<10112x16xf32, #tpu.memory_space<hbm>>) target(%arg12 : memref<128x16xf32, #tpu.memory_space<vmem>>) offsets(%dma_start3A_194 : memref<128xi32, #tpu.memory_space<vmem>>) semaphore(%arg16 : memref<!tpu.dma_semaphore, #tpu.memory_space<semaphore_mem>>)
      } else {
      }
      %lt3A_175 = arith.constant 39 : i32
      %lt3A_176 = arith.cmpi slt, %scan3A_81, %lt3A_175 : i32
      %convert_element_type3A_177 = arith.extui %lt3A_176 : i1 to i32
      %cond3A_178 = arith.constant 0 : i32
      %cond3A_179 = arith.cmpi ne, %convert_element_type3A_177, %cond3A_178 : i32
      scf.if %cond3A_179 {
        %add3A_180 = arith.constant 3 : i32
        %add3A_181 = arith.addi %mul3A_83, %add3A_180 : i32
        %dma_wait3A_182 = arith.constant 0 : i32
        %dma_wait3A_183 = tpu.memref_slice %arg8[%add3A_181, %dma_wait3A_182] : memref<160x128xi32, #tpu.memory_space<vmem>> -> memref<1x128xi32, #tpu.memory_space<vmem>>
        %dma_wait3A_184 = tpu.memref_squeeze %dma_wait3A_183 : memref<1x128xi32, #tpu.memory_space<vmem>> -> memref<128xi32, #tpu.memory_space<vmem>>
        %dma_wait3A_185 = arith.constant 0 : i32
        %dma_wait3A_186 = arith.constant 0 : i32
        %dma_wait3A_187 = tpu.memref_slice %arg9[%dma_wait3A_185, %dma_wait3A_186] : memref<10112x16xf32, #tpu.memory_space<vmem_shared>> -> memref<10112x16xf32, #tpu.memory_space<vmem_shared>>
        tpu.wait_indirect_dma semaphore(%arg21 : memref<!tpu.dma_semaphore, #tpu.memory_space<semaphore_mem>>) src(%arg13 : memref<128x16xf32, #tpu.memory_space<vmem>>) dst(%dma_wait3A_187 : memref<10112x16xf32, #tpu.memory_space<vmem_shared>>)
        %add3A_188 = arith.constant 4 : i32
        %add3A_189 = arith.addi %mul3A_83, %add3A_188 : i32
        %add3A_190 = arith.constant 3 : i32
        %add3A_191 = arith.addi %add3A_189, %add3A_190 : i32
        %dma_start3A_192 = arith.constant 0 : i32
        %dma_start3A_193 = tpu.memref_slice %arg7[%add3A_191, %dma_start3A_192] : memref<160x128xi32, #tpu.memory_space<vmem>> -> memref<1x128xi32, #tpu.memory_space<vmem>>
        %dma_start3A_194 = tpu.memref_squeeze %dma_start3A_193 : memref<1x128xi32, #tpu.memory_space<vmem>> -> memref<128xi32, #tpu.memory_space<vmem>>
        %dma_start3A_195 = arith.constant 0 : i32
        %dma_start3A_196 = arith.constant 0 : i32
        %dma_start3A_197 = tpu.memref_slice %arg2[%arg0, %dma_start3A_195, %dma_start3A_196] : memref<2x10112x16xf32, #tpu.memory_space<hbm>> -> memref<1x10112x16xf32, #tpu.memory_space<hbm>>
        %dma_start3A_198 = tpu.memref_squeeze %dma_start3A_197 : memref<1x10112x16xf32, #tpu.memory_space<hbm>> -> memref<10112x16xf32, #tpu.memory_space<hbm>>
        %dma_start3A_199 = arith.constant 0 : i32
        %dma_start3A_200 = arith.constant 0 : i32
        %dma_start3A_201 = tpu.memref_slice %dma_start3A_198[%dma_start3A_199, %dma_start3A_200] : memref<10112x16xf32, #tpu.memory_space<hbm>> -> memref<10112x16xf32, #tpu.memory_space<hbm>>
        tpu.enqueue_indirect_dma source(%dma_start3A_201 : memref<10112x16xf32, #tpu.memory_space<hbm>>) target(%arg13 : memref<128x16xf32, #tpu.memory_space<vmem>>) offsets(%dma_start3A_194 : memref<128xi32, #tpu.memory_space<vmem>>) semaphore(%arg17 : memref<!tpu.dma_semaphore, #tpu.memory_space<semaphore_mem>>)
      } else {
      }
    }
    %scan3A_52 = arith.constant 40 : i32
    %dma_wait3A = arith.constant 156 : i32
    %dma_wait3A_53 = arith.constant 0 : i32
    %dma_wait3A_54 = tpu.memref_slice %arg8[%dma_wait3A, %dma_wait3A_53] : memref<160x128xi32, #tpu.memory_space<vmem>> -> memref<1x128xi32, #tpu.memory_space<vmem>>
    %dma_wait3A_55 = tpu.memref_squeeze %dma_wait3A_54 : memref<1x128xi32, #tpu.memory_space<vmem>> -> memref<128xi32, #tpu.memory_space<vmem>>
    %dma_wait3A_56 = arith.constant 0 : i32
    %dma_wait3A_57 = arith.constant 0 : i32
    %dma_wait3A_58 = tpu.memref_slice %arg9[%dma_wait3A_56, %dma_wait3A_57] : memref<10112x16xf32, #tpu.memory_space<vmem_shared>> -> memref<10112x16xf32, #tpu.memory_space<vmem_shared>>
    tpu.wait_indirect_dma semaphore(%arg18 : memref<!tpu.dma_semaphore, #tpu.memory_space<semaphore_mem>>) src(%arg10 : memref<128x16xf32, #tpu.memory_space<vmem>>) dst(%dma_wait3A_58 : memref<10112x16xf32, #tpu.memory_space<vmem_shared>>)
    %dma_wait3A_59 = arith.constant 157 : i32
    %dma_wait3A_60 = arith.constant 0 : i32
    %dma_wait3A_61 = tpu.memref_slice %arg8[%dma_wait3A_59, %dma_wait3A_60] : memref<160x128xi32, #tpu.memory_space<vmem>> -> memref<1x128xi32, #tpu.memory_space<vmem>>
    %dma_wait3A_62 = tpu.memref_squeeze %dma_wait3A_61 : memref<1x128xi32, #tpu.memory_space<vmem>> -> memref<128xi32, #tpu.memory_space<vmem>>
    %dma_wait3A_63 = arith.constant 0 : i32
    %dma_wait3A_64 = arith.constant 0 : i32
    %dma_wait3A_65 = tpu.memref_slice %arg9[%dma_wait3A_63, %dma_wait3A_64] : memref<10112x16xf32, #tpu.memory_space<vmem_shared>> -> memref<10112x16xf32, #tpu.memory_space<vmem_shared>>
    tpu.wait_indirect_dma semaphore(%arg19 : memref<!tpu.dma_semaphore, #tpu.memory_space<semaphore_mem>>) src(%arg11 : memref<128x16xf32, #tpu.memory_space<vmem>>) dst(%dma_wait3A_65 : memref<10112x16xf32, #tpu.memory_space<vmem_shared>>)
    %dma_wait3A_66 = arith.constant 158 : i32
    %dma_wait3A_67 = arith.constant 0 : i32
    %dma_wait3A_68 = tpu.memref_slice %arg8[%dma_wait3A_66, %dma_wait3A_67] : memref<160x128xi32, #tpu.memory_space<vmem>> -> memref<1x128xi32, #tpu.memory_space<vmem>>
    %dma_wait3A_69 = tpu.memref_squeeze %dma_wait3A_68 : memref<1x128xi32, #tpu.memory_space<vmem>> -> memref<128xi32, #tpu.memory_space<vmem>>
    %dma_wait3A_70 = arith.constant 0 : i32
    %dma_wait3A_71 = arith.constant 0 : i32
    %dma_wait3A_72 = tpu.memref_slice %arg9[%dma_wait3A_70, %dma_wait3A_71] : memref<10112x16xf32, #tpu.memory_space<vmem_shared>> -> memref<10112x16xf32, #tpu.memory_space<vmem_shared>>
    tpu.wait_indirect_dma semaphore(%arg20 : memref<!tpu.dma_semaphore, #tpu.memory_space<semaphore_mem>>) src(%arg12 : memref<128x16xf32, #tpu.memory_space<vmem>>) dst(%dma_wait3A_72 : memref<10112x16xf32, #tpu.memory_space<vmem_shared>>)
    %dma_wait3A_73 = arith.constant 159 : i32
    %dma_wait3A_74 = arith.constant 0 : i32
    %dma_wait3A_75 = tpu.memref_slice %arg8[%dma_wait3A_73, %dma_wait3A_74] : memref<160x128xi32, #tpu.memory_space<vmem>> -> memref<1x128xi32, #tpu.memory_space<vmem>>
    %dma_wait3A_76 = tpu.memref_squeeze %dma_wait3A_75 : memref<1x128xi32, #tpu.memory_space<vmem>> -> memref<128xi32, #tpu.memory_space<vmem>>
    %dma_wait3A_77 = arith.constant 0 : i32
    %dma_wait3A_78 = arith.constant 0 : i32
    %dma_wait3A_79 = tpu.memref_slice %arg9[%dma_wait3A_77, %dma_wait3A_78] : memref<10112x16xf32, #tpu.memory_space<vmem_shared>> -> memref<10112x16xf32, #tpu.memory_space<vmem_shared>>
    tpu.wait_indirect_dma semaphore(%arg21 : memref<!tpu.dma_semaphore, #tpu.memory_space<semaphore_mem>>) src(%arg13 : memref<128x16xf32, #tpu.memory_space<vmem>>) dst(%dma_wait3A_79 : memref<10112x16xf32, #tpu.memory_space<vmem_shared>>)
    %barrier3A_80 = arith.constant 0 : index
    tpu.barrier barrier_id(%barrier3A_80)
    "tpu.region"() ({
      %run_scoped3A = tpu.sem_alloc : memref<!tpu.dma_semaphore, #tpu.memory_space<semaphore_mem>>
      %dma_start3A_81 = arith.constant 0 : i32
      %dma_start3A_82 = tpu.memref_slice %arg6[%arg0, %mul3A_0, %dma_start3A_81] : memref<2x10112x16xf32, #tpu.memory_space<hbm>> -> memref<1x632x16xf32, #tpu.memory_space<hbm>>
      %dma_start3A_83 = tpu.memref_squeeze %dma_start3A_82 : memref<1x632x16xf32, #tpu.memory_space<hbm>> -> memref<632x16xf32, #tpu.memory_space<hbm>>
      %dma_start3A_84 = arith.constant 0 : i32
      %dma_start3A_85 = tpu.memref_slice %arg9[%mul3A_0, %dma_start3A_84] : memref<10112x16xf32, #tpu.memory_space<vmem_shared>> -> memref<632x16xf32, #tpu.memory_space<vmem_shared>>
      tpu.enqueue_dma source(%dma_start3A_85 : memref<632x16xf32, #tpu.memory_space<vmem_shared>>) target(%dma_start3A_83 : memref<632x16xf32, #tpu.memory_space<hbm>>) target_semaphore(%run_scoped3A : memref<!tpu.dma_semaphore, #tpu.memory_space<semaphore_mem>>)
      %dma_wait3A_86 = arith.constant 0 : i32
      %dma_wait3A_87 = tpu.memref_slice %arg6[%arg0, %mul3A_0, %dma_wait3A_86] : memref<2x10112x16xf32, #tpu.memory_space<hbm>> -> memref<1x632x16xf32, #tpu.memory_space<hbm>>
      %dma_wait3A_88 = tpu.memref_squeeze %dma_wait3A_87 : memref<1x632x16xf32, #tpu.memory_space<hbm>> -> memref<632x16xf32, #tpu.memory_space<hbm>>
      %dma_wait3A_89 = arith.constant 0 : i32
      %dma_wait3A_90 = tpu.memref_slice %arg9[%mul3A_0, %dma_wait3A_89] : memref<10112x16xf32, #tpu.memory_space<vmem_shared>> -> memref<632x16xf32, #tpu.memory_space<vmem_shared>>
      tpu.wait_dma2 semaphore(%run_scoped3A : memref<!tpu.dma_semaphore, #tpu.memory_space<semaphore_mem>>) src(%dma_wait3A_90 : memref<632x16xf32, #tpu.memory_space<vmem_shared>>) dst(%dma_wait3A_88 : memref<632x16xf32, #tpu.memory_space<hbm>>)
      tpu.yield
    }) : () -> ()
    return
  }
}

#map = affine_map<(d0, d1) -> (0, 0, 0)>
#map1 = affine_map<(d0, d1) -> (0, 0)>
module attributes {stable_mosaic.version = 14 : i64} {
  func.func @_mega_kernel(%arg0: i32, %arg1: i32, %arg2: memref<2x10112x16xf32, #tpu.memory_space<hbm>>, %arg3: memref<16x160x128xi32, #tpu.memory_space<hbm>>, %arg4: memref<16x160x128xi32, #tpu.memory_space<hbm>>, %arg5: memref<128x16xf32, #tpu.memory_space<hbm>>, %arg6: memref<10112x16xf32, #tpu.memory_space<hbm>>, %arg7: memref<2x1x16xf32, #tpu.memory_space<hbm>>, %arg8: memref<2x10112x16xf32, #tpu.memory_space<hbm>>, %arg9: memref<2x10112x16xf32, #tpu.memory_space<hbm>>, %arg10: memref<10112x16xf32, #tpu.memory_space<hbm>>, %arg11: memref<2x10112x16xf32, #tpu.memory_space<hbm>>, %arg12: memref<160x128xi32, #tpu.memory_space<vmem>>, %arg13: memref<160x128xi32, #tpu.memory_space<vmem>>, %arg14: memref<128x16xf32, #tpu.memory_space<vmem>>, %arg15: memref<632x16xf32, #tpu.memory_space<vmem>>, %arg16: memref<632x16xf32, #tpu.memory_space<vmem>>, %arg17: memref<632x16xf32, #tpu.memory_space<vmem>>, %arg18: memref<1x16xf32, #tpu.memory_space<vmem>>, %arg19: memref<10112x16xf32, #tpu.memory_space<vmem_shared>>, %arg20: memref<128x16xf32, #tpu.memory_space<vmem>>, %arg21: memref<128x16xf32, #tpu.memory_space<vmem>>, %arg22: memref<128x16xf32, #tpu.memory_space<vmem>>, %arg23: memref<128x16xf32, #tpu.memory_space<vmem>>, %arg24: memref<!tpu.dma_semaphore, #tpu.memory_space<semaphore_mem>>, %arg25: memref<!tpu.dma_semaphore, #tpu.memory_space<semaphore_mem>>, %arg26: memref<!tpu.dma_semaphore, #tpu.memory_space<semaphore_mem>>, %arg27: memref<!tpu.dma_semaphore, #tpu.memory_space<semaphore_mem>>, %arg28: memref<!tpu.dma_semaphore, #tpu.memory_space<semaphore_mem>>, %arg29: memref<!tpu.dma_semaphore, #tpu.memory_space<semaphore_mem>>, %arg30: memref<!tpu.dma_semaphore, #tpu.memory_space<semaphore_mem>>, %arg31: memref<!tpu.dma_semaphore, #tpu.memory_space<semaphore_mem>>, %arg32: memref<!tpu.dma_semaphore, #tpu.memory_space<semaphore_mem>>) attributes {dimension_semantics = [#tpu.dimension_semantics<core_parallel>, #tpu.dimension_semantics<subcore_parallel>], iteration_bounds = array<i64: 2, 16>, scalar_prefetch = 0 : i64, scratch_operands = 21 : i64, tpu.core_type = #tpu.core_type<sc_vector_subcore>, window_params = [{transform_indices = #map}, {transform_indices = #map}, {transform_indices = #map}, {transform_indices = #map1}, {transform_indices = #map1}, {transform_indices = #map}, {transform_indices = #map}, {transform_indices = #map}, {transform_indices = #map1}, {transform_indices = #map}]} {
    %mul3A = arith.constant 632 : i32
    %mul3A_0 = arith.muli %arg1, %mul3A : i32
    "tpu.region"() ({
      %run_scoped3A = tpu.sem_alloc : memref<!tpu.dma_semaphore, #tpu.memory_space<semaphore_mem>>
      %dma_start3A_206 = arith.constant 0 : i32
      %dma_start3A_207 = arith.constant 0 : i32
      %dma_start3A_208 = tpu.memref_slice %arg3[%arg1, %dma_start3A_206, %dma_start3A_207] : memref<16x160x128xi32, #tpu.memory_space<hbm>> -> memref<1x160x128xi32, #tpu.memory_space<hbm>>
      %dma_start3A_209 = tpu.memref_squeeze %dma_start3A_208 : memref<1x160x128xi32, #tpu.memory_space<hbm>> -> memref<160x128xi32, #tpu.memory_space<hbm>>
      %dma_start3A_210 = arith.constant 0 : i32
      %dma_start3A_211 = arith.constant 0 : i32
      %dma_start3A_212 = tpu.memref_slice %arg3[%arg1, %dma_start3A_210, %dma_start3A_211] : memref<16x160x128xi32, #tpu.memory_space<hbm>> -> memref<1x160x128xi32, #tpu.memory_space<hbm>>
      %dma_start3A_213 = tpu.memref_squeeze %dma_start3A_212 : memref<1x160x128xi32, #tpu.memory_space<hbm>> -> memref<160x128xi32, #tpu.memory_space<hbm>>
      tpu.enqueue_dma source(%dma_start3A_213 : memref<160x128xi32, #tpu.memory_space<hbm>>) target(%arg12 : memref<160x128xi32, #tpu.memory_space<vmem>>) target_semaphore(%run_scoped3A : memref<!tpu.dma_semaphore, #tpu.memory_space<semaphore_mem>>)
      %dma_wait3A_214 = arith.constant 0 : i32
      %dma_wait3A_215 = arith.constant 0 : i32
      %dma_wait3A_216 = tpu.memref_slice %arg3[%arg1, %dma_wait3A_214, %dma_wait3A_215] : memref<16x160x128xi32, #tpu.memory_space<hbm>> -> memref<1x160x128xi32, #tpu.memory_space<hbm>>
      %dma_wait3A_217 = tpu.memref_squeeze %dma_wait3A_216 : memref<1x160x128xi32, #tpu.memory_space<hbm>> -> memref<160x128xi32, #tpu.memory_space<hbm>>
      %dma_wait3A_218 = arith.constant 0 : i32
      %dma_wait3A_219 = arith.constant 0 : i32
      %dma_wait3A_220 = tpu.memref_slice %arg3[%arg1, %dma_wait3A_218, %dma_wait3A_219] : memref<16x160x128xi32, #tpu.memory_space<hbm>> -> memref<1x160x128xi32, #tpu.memory_space<hbm>>
      %dma_wait3A_221 = tpu.memref_squeeze %dma_wait3A_220 : memref<1x160x128xi32, #tpu.memory_space<hbm>> -> memref<160x128xi32, #tpu.memory_space<hbm>>
      tpu.wait_dma2 semaphore(%run_scoped3A : memref<!tpu.dma_semaphore, #tpu.memory_space<semaphore_mem>>) src(%dma_wait3A_221 : memref<160x128xi32, #tpu.memory_space<hbm>>) dst(%arg12 : memref<160x128xi32, #tpu.memory_space<vmem>>)
      tpu.yield
    }) : () -> ()
    "tpu.region"() ({
      %run_scoped3A = tpu.sem_alloc : memref<!tpu.dma_semaphore, #tpu.memory_space<semaphore_mem>>
      %dma_start3A_206 = arith.constant 0 : i32
      %dma_start3A_207 = arith.constant 0 : i32
      %dma_start3A_208 = tpu.memref_slice %arg4[%arg1, %dma_start3A_206, %dma_start3A_207] : memref<16x160x128xi32, #tpu.memory_space<hbm>> -> memref<1x160x128xi32, #tpu.memory_space<hbm>>
      %dma_start3A_209 = tpu.memref_squeeze %dma_start3A_208 : memref<1x160x128xi32, #tpu.memory_space<hbm>> -> memref<160x128xi32, #tpu.memory_space<hbm>>
      %dma_start3A_210 = arith.constant 0 : i32
      %dma_start3A_211 = arith.constant 0 : i32
      %dma_start3A_212 = tpu.memref_slice %arg4[%arg1, %dma_start3A_210, %dma_start3A_211] : memref<16x160x128xi32, #tpu.memory_space<hbm>> -> memref<1x160x128xi32, #tpu.memory_space<hbm>>
      %dma_start3A_213 = tpu.memref_squeeze %dma_start3A_212 : memref<1x160x128xi32, #tpu.memory_space<hbm>> -> memref<160x128xi32, #tpu.memory_space<hbm>>
      tpu.enqueue_dma source(%dma_start3A_213 : memref<160x128xi32, #tpu.memory_space<hbm>>) target(%arg13 : memref<160x128xi32, #tpu.memory_space<vmem>>) target_semaphore(%run_scoped3A : memref<!tpu.dma_semaphore, #tpu.memory_space<semaphore_mem>>)
      %dma_wait3A_214 = arith.constant 0 : i32
      %dma_wait3A_215 = arith.constant 0 : i32
      %dma_wait3A_216 = tpu.memref_slice %arg4[%arg1, %dma_wait3A_214, %dma_wait3A_215] : memref<16x160x128xi32, #tpu.memory_space<hbm>> -> memref<1x160x128xi32, #tpu.memory_space<hbm>>
      %dma_wait3A_217 = tpu.memref_squeeze %dma_wait3A_216 : memref<1x160x128xi32, #tpu.memory_space<hbm>> -> memref<160x128xi32, #tpu.memory_space<hbm>>
      %dma_wait3A_218 = arith.constant 0 : i32
      %dma_wait3A_219 = arith.constant 0 : i32
      %dma_wait3A_220 = tpu.memref_slice %arg4[%arg1, %dma_wait3A_218, %dma_wait3A_219] : memref<16x160x128xi32, #tpu.memory_space<hbm>> -> memref<1x160x128xi32, #tpu.memory_space<hbm>>
      %dma_wait3A_221 = tpu.memref_squeeze %dma_wait3A_220 : memref<1x160x128xi32, #tpu.memory_space<hbm>> -> memref<160x128xi32, #tpu.memory_space<hbm>>
      tpu.wait_dma2 semaphore(%run_scoped3A : memref<!tpu.dma_semaphore, #tpu.memory_space<semaphore_mem>>) src(%dma_wait3A_221 : memref<160x128xi32, #tpu.memory_space<hbm>>) dst(%arg13 : memref<160x128xi32, #tpu.memory_space<vmem>>)
      tpu.yield
    }) : () -> ()
    "tpu.region"() ({
      %run_scoped3A = tpu.sem_alloc : memref<!tpu.dma_semaphore, #tpu.memory_space<semaphore_mem>>
      tpu.enqueue_dma source(%arg5 : memref<128x16xf32, #tpu.memory_space<hbm>>) target(%arg14 : memref<128x16xf32, #tpu.memory_space<vmem>>) target_semaphore(%run_scoped3A : memref<!tpu.dma_semaphore, #tpu.memory_space<semaphore_mem>>)
      tpu.wait_dma2 semaphore(%run_scoped3A : memref<!tpu.dma_semaphore, #tpu.memory_space<semaphore_mem>>) src(%arg5 : memref<128x16xf32, #tpu.memory_space<hbm>>) dst(%arg14 : memref<128x16xf32, #tpu.memory_space<vmem>>)
      tpu.yield
    }) : () -> ()
    "tpu.region"() ({
      %run_scoped3A = tpu.sem_alloc : memref<!tpu.dma_semaphore, #tpu.memory_space<semaphore_mem>>
      %dma_start3A_206 = arith.constant 0 : i32
      %dma_start3A_207 = arith.constant 0 : i32
      %dma_start3A_208 = tpu.memref_slice %arg7[%arg0, %dma_start3A_206, %dma_start3A_207] : memref<2x1x16xf32, #tpu.memory_space<hbm>> -> memref<1x1x16xf32, #tpu.memory_space<hbm>>
      %dma_start3A_209 = tpu.memref_squeeze %dma_start3A_208 : memref<1x1x16xf32, #tpu.memory_space<hbm>> -> memref<1x16xf32, #tpu.memory_space<hbm>>
      %dma_start3A_210 = arith.constant 0 : i32
      %dma_start3A_211 = arith.constant 0 : i32
      %dma_start3A_212 = tpu.memref_slice %arg7[%arg0, %dma_start3A_210, %dma_start3A_211] : memref<2x1x16xf32, #tpu.memory_space<hbm>> -> memref<1x1x16xf32, #tpu.memory_space<hbm>>
      %dma_start3A_213 = tpu.memref_squeeze %dma_start3A_212 : memref<1x1x16xf32, #tpu.memory_space<hbm>> -> memref<1x16xf32, #tpu.memory_space<hbm>>
      tpu.enqueue_dma source(%dma_start3A_213 : memref<1x16xf32, #tpu.memory_space<hbm>>) target(%arg18 : memref<1x16xf32, #tpu.memory_space<vmem>>) target_semaphore(%run_scoped3A : memref<!tpu.dma_semaphore, #tpu.memory_space<semaphore_mem>>)
      %dma_wait3A_214 = arith.constant 0 : i32
      %dma_wait3A_215 = arith.constant 0 : i32
      %dma_wait3A_216 = tpu.memref_slice %arg7[%arg0, %dma_wait3A_214, %dma_wait3A_215] : memref<2x1x16xf32, #tpu.memory_space<hbm>> -> memref<1x1x16xf32, #tpu.memory_space<hbm>>
      %dma_wait3A_217 = tpu.memref_squeeze %dma_wait3A_216 : memref<1x1x16xf32, #tpu.memory_space<hbm>> -> memref<1x16xf32, #tpu.memory_space<hbm>>
      %dma_wait3A_218 = arith.constant 0 : i32
      %dma_wait3A_219 = arith.constant 0 : i32
      %dma_wait3A_220 = tpu.memref_slice %arg7[%arg0, %dma_wait3A_218, %dma_wait3A_219] : memref<2x1x16xf32, #tpu.memory_space<hbm>> -> memref<1x1x16xf32, #tpu.memory_space<hbm>>
      %dma_wait3A_221 = tpu.memref_squeeze %dma_wait3A_220 : memref<1x1x16xf32, #tpu.memory_space<hbm>> -> memref<1x16xf32, #tpu.memory_space<hbm>>
      tpu.wait_dma2 semaphore(%run_scoped3A : memref<!tpu.dma_semaphore, #tpu.memory_space<semaphore_mem>>) src(%dma_wait3A_221 : memref<1x16xf32, #tpu.memory_space<hbm>>) dst(%arg18 : memref<1x16xf32, #tpu.memory_space<vmem>>)
      tpu.yield
    }) : () -> ()
    %mul3A_1 = arith.constant 632 : i32
    %mul3A_2 = arith.muli %arg1, %mul3A_1 : i32
    %mul3A_3 = arith.constant 632 : i32
    %mul3A_4 = arith.muli %arg1, %mul3A_3 : i32
    "tpu.region"() ({
      %run_scoped3A = tpu.sem_alloc : memref<!tpu.dma_semaphore, #tpu.memory_space<semaphore_mem>>
      %dma_start3A_206 = arith.constant 0 : i32
      %dma_start3A_207 = tpu.memref_slice %arg19[%mul3A_4, %dma_start3A_206] : memref<10112x16xf32, #tpu.memory_space<vmem_shared>> -> memref<632x16xf32, #tpu.memory_space<vmem_shared>>
      %dma_start3A_208 = arith.constant 0 : i32
      %dma_start3A_209 = tpu.memref_slice %arg6[%mul3A_2, %dma_start3A_208] : memref<10112x16xf32, #tpu.memory_space<hbm>> -> memref<632x16xf32, #tpu.memory_space<hbm>>
      tpu.enqueue_dma source(%dma_start3A_209 : memref<632x16xf32, #tpu.memory_space<hbm>>) target(%dma_start3A_207 : memref<632x16xf32, #tpu.memory_space<vmem_shared>>) target_semaphore(%run_scoped3A : memref<!tpu.dma_semaphore, #tpu.memory_space<semaphore_mem>>)
      %dma_wait3A_210 = arith.constant 0 : i32
      %dma_wait3A_211 = tpu.memref_slice %arg19[%mul3A_4, %dma_wait3A_210] : memref<10112x16xf32, #tpu.memory_space<vmem_shared>> -> memref<632x16xf32, #tpu.memory_space<vmem_shared>>
      %dma_wait3A_212 = arith.constant 0 : i32
      %dma_wait3A_213 = tpu.memref_slice %arg6[%mul3A_2, %dma_wait3A_212] : memref<10112x16xf32, #tpu.memory_space<hbm>> -> memref<632x16xf32, #tpu.memory_space<hbm>>
      tpu.wait_dma2 semaphore(%run_scoped3A : memref<!tpu.dma_semaphore, #tpu.memory_space<semaphore_mem>>) src(%dma_wait3A_213 : memref<632x16xf32, #tpu.memory_space<hbm>>) dst(%dma_wait3A_211 : memref<632x16xf32, #tpu.memory_space<vmem_shared>>)
      tpu.yield
    }) : () -> ()
    %barrier3A = arith.constant 0 : index
    tpu.barrier barrier_id(%barrier3A)
    %scan3A = arith.constant 0 : i32
    %scan3A_5 = arith.constant 0 : i32
    %scan3A_6 = arith.constant 160 : i32
    %scan3A_7 = arith.addi %scan3A_5, %scan3A_6 : i32
    %scan3A_8 = arith.constant 1 : i32
    scf.for %scan3A_206 = %scan3A_5 to %scan3A_7 step %scan3A_8  : i32 {
      %dma_start3A_207 = arith.constant 0 : i32
      %dma_start3A_208 = tpu.memref_slice %arg13[%scan3A_206, %dma_start3A_207] : memref<160x128xi32, #tpu.memory_space<vmem>> -> memref<1x128xi32, #tpu.memory_space<vmem>>
      %dma_start3A_209 = tpu.memref_squeeze %dma_start3A_208 : memref<1x128xi32, #tpu.memory_space<vmem>> -> memref<128xi32, #tpu.memory_space<vmem>>
      %dma_start3A_210 = arith.constant 0 : i32
      %dma_start3A_211 = arith.constant 0 : i32
      %dma_start3A_212 = tpu.memref_slice %arg19[%dma_start3A_210, %dma_start3A_211] : memref<10112x16xf32, #tpu.memory_space<vmem_shared>> -> memref<10112x16xf32, #tpu.memory_space<vmem_shared>>
      tpu.enqueue_indirect_dma source(%arg14 : memref<128x16xf32, #tpu.memory_space<vmem>>) target(%dma_start3A_212 : memref<10112x16xf32, #tpu.memory_space<vmem_shared>>) offsets(%dma_start3A_209 : memref<128xi32, #tpu.memory_space<vmem>>) semaphore(%arg32 : memref<!tpu.dma_semaphore, #tpu.memory_space<semaphore_mem>>) {add = true}
    }
    %scan3A_9 = arith.constant 160 : i32
    %scan3A_10 = arith.constant 0 : i32
    %scan3A_11 = arith.constant 0 : i32
    %scan3A_12 = arith.constant 160 : i32
    %scan3A_13 = arith.addi %scan3A_11, %scan3A_12 : i32
    %scan3A_14 = arith.constant 1 : i32
    scf.for %scan3A_206 = %scan3A_11 to %scan3A_13 step %scan3A_14  : i32 {
      %dma_wait3A_207 = arith.constant 0 : i32
      %dma_wait3A_208 = tpu.memref_slice %arg13[%scan3A_206, %dma_wait3A_207] : memref<160x128xi32, #tpu.memory_space<vmem>> -> memref<1x128xi32, #tpu.memory_space<vmem>>
      %dma_wait3A_209 = tpu.memref_squeeze %dma_wait3A_208 : memref<1x128xi32, #tpu.memory_space<vmem>> -> memref<128xi32, #tpu.memory_space<vmem>>
      %dma_wait3A_210 = arith.constant 0 : i32
      %dma_wait3A_211 = arith.constant 0 : i32
      %dma_wait3A_212 = tpu.memref_slice %arg19[%dma_wait3A_210, %dma_wait3A_211] : memref<10112x16xf32, #tpu.memory_space<vmem_shared>> -> memref<10112x16xf32, #tpu.memory_space<vmem_shared>>
      tpu.wait_indirect_dma semaphore(%arg32 : memref<!tpu.dma_semaphore, #tpu.memory_space<semaphore_mem>>) src(%arg14 : memref<128x16xf32, #tpu.memory_space<vmem>>) dst(%dma_wait3A_212 : memref<10112x16xf32, #tpu.memory_space<vmem_shared>>)
    }
    %scan3A_15 = arith.constant 160 : i32
    %barrier3A_16 = arith.constant 0 : index
    tpu.barrier barrier_id(%barrier3A_16)
    "tpu.region"() ({
      %run_scoped3A = tpu.sem_alloc : memref<!tpu.dma_semaphore, #tpu.memory_space<semaphore_mem>>
      %dma_start3A_206 = arith.constant 0 : i32
      %dma_start3A_207 = tpu.memref_slice %arg19[%mul3A_0, %dma_start3A_206] : memref<10112x16xf32, #tpu.memory_space<vmem_shared>> -> memref<632x16xf32, #tpu.memory_space<vmem_shared>>
      %dma_start3A_208 = arith.constant 0 : i32
      %dma_start3A_209 = tpu.memref_slice %arg19[%mul3A_0, %dma_start3A_208] : memref<10112x16xf32, #tpu.memory_space<vmem_shared>> -> memref<632x16xf32, #tpu.memory_space<vmem_shared>>
      tpu.enqueue_dma source(%dma_start3A_209 : memref<632x16xf32, #tpu.memory_space<vmem_shared>>) target(%arg15 : memref<632x16xf32, #tpu.memory_space<vmem>>) target_semaphore(%run_scoped3A : memref<!tpu.dma_semaphore, #tpu.memory_space<semaphore_mem>>)
      %dma_wait3A_210 = arith.constant 0 : i32
      %dma_wait3A_211 = tpu.memref_slice %arg19[%mul3A_0, %dma_wait3A_210] : memref<10112x16xf32, #tpu.memory_space<vmem_shared>> -> memref<632x16xf32, #tpu.memory_space<vmem_shared>>
      %dma_wait3A_212 = arith.constant 0 : i32
      %dma_wait3A_213 = tpu.memref_slice %arg19[%mul3A_0, %dma_wait3A_212] : memref<10112x16xf32, #tpu.memory_space<vmem_shared>> -> memref<632x16xf32, #tpu.memory_space<vmem_shared>>
      tpu.wait_dma2 semaphore(%run_scoped3A : memref<!tpu.dma_semaphore, #tpu.memory_space<semaphore_mem>>) src(%dma_wait3A_213 : memref<632x16xf32, #tpu.memory_space<vmem_shared>>) dst(%arg15 : memref<632x16xf32, #tpu.memory_space<vmem>>)
      tpu.yield
    }) : () -> ()
    %scan3A_17 = arith.constant 0 : i32
    %scan3A_18 = arith.constant 0 : i32
    %scan3A_19 = arith.constant 632 : i32
    %scan3A_20 = arith.addi %scan3A_18, %scan3A_19 : i32
    %scan3A_21 = arith.constant 1 : i32
    scf.for %scan3A_206 = %scan3A_18 to %scan3A_20 step %scan3A_21  : i32 {
      %get3A_207 = arith.index_cast %scan3A_206 : i32 to index
      %get3A_208 = arith.constant 0 : index
      %get3A_209 = tpu.vector_load %arg15[%get3A_207, %get3A_208] {strides = array<i32>} : memref<632x16xf32, #tpu.memory_space<vmem>>, vector<16xf32>,
      %add3A = arith.constant 1.000000e+00 : f32
      %add3A_210 = vector.broadcast %add3A : f32 to vector<16xf32>
      %add3A_211 = arith.addf %get3A_209, %add3A_210 : vector<16xf32>
      %mul3A_212 = arith.constant 5.000000e-01 : f32
      %mul3A_213 = vector.broadcast %mul3A_212 : f32 to vector<16xf32>
      %mul3A_214 = arith.mulf %add3A_211, %mul3A_213 : vector<16xf32>
      %bitcast3A = vector.bitcast %add3A_211 : vector<16xf32> to vector<16xi32>
      %shift_right_arithmetic3A = arith.constant 1 : i32
      %shift_right_arithmetic3A_215 = vector.broadcast %shift_right_arithmetic3A : i32 to vector<16xi32>
      %shift_right_arithmetic3A_216 = arith.shrsi %bitcast3A, %shift_right_arithmetic3A_215 : vector<16xi32>
      %sub3A = arith.constant 1597463007 : i32
      %sub3A_217 = vector.broadcast %sub3A : i32 to vector<16xi32>
      %sub3A_218 = arith.subi %sub3A_217, %shift_right_arithmetic3A_216 : vector<16xi32>
      %bitcast3A_219 = vector.bitcast %sub3A_218 : vector<16xi32> to vector<16xf32>
      %mul3A_220 = arith.mulf %mul3A_214, %bitcast3A_219 : vector<16xf32>
      %mul3A_221 = arith.mulf %mul3A_220, %bitcast3A_219 : vector<16xf32>
      %sub3A_222 = arith.constant 1.500000e+00 : f32
      %sub3A_223 = vector.broadcast %sub3A_222 : f32 to vector<16xf32>
      %sub3A_224 = arith.subf %sub3A_223, %mul3A_221 : vector<16xf32>
      %mul3A_225 = arith.mulf %bitcast3A_219, %sub3A_224 : vector<16xf32>
      %mul3A_226 = arith.mulf %mul3A_214, %mul3A_225 : vector<16xf32>
      %mul3A_227 = arith.mulf %mul3A_226, %mul3A_225 : vector<16xf32>
      %sub3A_228 = arith.constant 1.500000e+00 : f32
      %sub3A_229 = vector.broadcast %sub3A_228 : f32 to vector<16xf32>
      %sub3A_230 = arith.subf %sub3A_229, %mul3A_227 : vector<16xf32>
      %mul3A_231 = arith.mulf %mul3A_225, %sub3A_230 : vector<16xf32>
      %mul3A_232 = arith.mulf %mul3A_214, %mul3A_231 : vector<16xf32>
      %mul3A_233 = arith.mulf %mul3A_232, %mul3A_231 : vector<16xf32>
      %sub3A_234 = arith.constant 1.500000e+00 : f32
      %sub3A_235 = vector.broadcast %sub3A_234 : f32 to vector<16xf32>
      %sub3A_236 = arith.subf %sub3A_235, %mul3A_233 : vector<16xf32>
      %mul3A_237 = arith.mulf %mul3A_231, %sub3A_236 : vector<16xf32>
      %swap3A = arith.index_cast %scan3A_206 : i32 to index
      %swap3A_238 = arith.constant 0 : index
      %swap3A_239 = tpu.vector_load %arg15[%swap3A, %swap3A_238] {strides = array<i32>} : memref<632x16xf32, #tpu.memory_space<vmem>>, vector<16xf32>,
      tpu.vector_store %arg15[%swap3A, %swap3A_238], %mul3A_237 {strides = array<i32>} : memref<632x16xf32, #tpu.memory_space<vmem>>, vector<16xf32>,
    }
    %scan3A_22 = arith.constant 632 : i32
    %eq3A = arith.constant 0 : i32
    %eq3A_23 = arith.cmpi eq, %arg0, %eq3A : i32
    %convert_element_type3A = arith.extui %eq3A_23 : i1 to i32
    %cond3A = arith.constant 0 : i32
    %cond3A_24 = arith.cmpi ne, %convert_element_type3A, %cond3A : i32
    scf.if %cond3A_24 {
      "tpu.region"() ({
        %run_scoped3A = tpu.sem_alloc : memref<!tpu.dma_semaphore, #tpu.memory_space<semaphore_mem>>
        %dma_start3A_206 = arith.constant 0 : i32
        %dma_start3A_207 = tpu.memref_slice %arg10[%mul3A_0, %dma_start3A_206] : memref<10112x16xf32, #tpu.memory_space<hbm>> -> memref<632x16xf32, #tpu.memory_space<hbm>>
        %dma_start3A_208 = arith.constant 0 : i32
        %dma_start3A_209 = tpu.memref_slice %arg10[%mul3A_0, %dma_start3A_208] : memref<10112x16xf32, #tpu.memory_space<hbm>> -> memref<632x16xf32, #tpu.memory_space<hbm>>
        tpu.enqueue_dma source(%arg15 : memref<632x16xf32, #tpu.memory_space<vmem>>) target(%dma_start3A_209 : memref<632x16xf32, #tpu.memory_space<hbm>>) target_semaphore(%run_scoped3A : memref<!tpu.dma_semaphore, #tpu.memory_space<semaphore_mem>>)
        %dma_wait3A_210 = arith.constant 0 : i32
        %dma_wait3A_211 = tpu.memref_slice %arg10[%mul3A_0, %dma_wait3A_210] : memref<10112x16xf32, #tpu.memory_space<hbm>> -> memref<632x16xf32, #tpu.memory_space<hbm>>
        %dma_wait3A_212 = arith.constant 0 : i32
        %dma_wait3A_213 = tpu.memref_slice %arg10[%mul3A_0, %dma_wait3A_212] : memref<10112x16xf32, #tpu.memory_space<hbm>> -> memref<632x16xf32, #tpu.memory_space<hbm>>
        tpu.wait_dma2 semaphore(%run_scoped3A : memref<!tpu.dma_semaphore, #tpu.memory_space<semaphore_mem>>) src(%arg15 : memref<632x16xf32, #tpu.memory_space<vmem>>) dst(%dma_wait3A_213 : memref<632x16xf32, #tpu.memory_space<hbm>>)
        tpu.yield
      }) : () -> ()
    } else {
    }
    "tpu.region"() ({
      %run_scoped3A = tpu.sem_alloc : memref<!tpu.dma_semaphore, #tpu.memory_space<semaphore_mem>>
      %dma_start3A_206 = arith.constant 0 : i32
      %dma_start3A_207 = tpu.memref_slice %arg2[%arg0, %mul3A_0, %dma_start3A_206] : memref<2x10112x16xf32, #tpu.memory_space<hbm>> -> memref<1x632x16xf32, #tpu.memory_space<hbm>>
      %dma_start3A_208 = tpu.memref_squeeze %dma_start3A_207 : memref<1x632x16xf32, #tpu.memory_space<hbm>> -> memref<632x16xf32, #tpu.memory_space<hbm>>
      %dma_start3A_209 = arith.constant 0 : i32
      %dma_start3A_210 = tpu.memref_slice %arg2[%arg0, %mul3A_0, %dma_start3A_209] : memref<2x10112x16xf32, #tpu.memory_space<hbm>> -> memref<1x632x16xf32, #tpu.memory_space<hbm>>
      %dma_start3A_211 = tpu.memref_squeeze %dma_start3A_210 : memref<1x632x16xf32, #tpu.memory_space<hbm>> -> memref<632x16xf32, #tpu.memory_space<hbm>>
      tpu.enqueue_dma source(%dma_start3A_211 : memref<632x16xf32, #tpu.memory_space<hbm>>) target(%arg16 : memref<632x16xf32, #tpu.memory_space<vmem>>) target_semaphore(%run_scoped3A : memref<!tpu.dma_semaphore, #tpu.memory_space<semaphore_mem>>)
      %dma_wait3A_212 = arith.constant 0 : i32
      %dma_wait3A_213 = tpu.memref_slice %arg2[%arg0, %mul3A_0, %dma_wait3A_212] : memref<2x10112x16xf32, #tpu.memory_space<hbm>> -> memref<1x632x16xf32, #tpu.memory_space<hbm>>
      %dma_wait3A_214 = tpu.memref_squeeze %dma_wait3A_213 : memref<1x632x16xf32, #tpu.memory_space<hbm>> -> memref<632x16xf32, #tpu.memory_space<hbm>>
      %dma_wait3A_215 = arith.constant 0 : i32
      %dma_wait3A_216 = tpu.memref_slice %arg2[%arg0, %mul3A_0, %dma_wait3A_215] : memref<2x10112x16xf32, #tpu.memory_space<hbm>> -> memref<1x632x16xf32, #tpu.memory_space<hbm>>
      %dma_wait3A_217 = tpu.memref_squeeze %dma_wait3A_216 : memref<1x632x16xf32, #tpu.memory_space<hbm>> -> memref<632x16xf32, #tpu.memory_space<hbm>>
      tpu.wait_dma2 semaphore(%run_scoped3A : memref<!tpu.dma_semaphore, #tpu.memory_space<semaphore_mem>>) src(%dma_wait3A_217 : memref<632x16xf32, #tpu.memory_space<hbm>>) dst(%arg16 : memref<632x16xf32, #tpu.memory_space<vmem>>)
      tpu.yield
    }) : () -> ()
    %scan3A_25 = arith.constant 0 : i32
    %scan3A_26 = arith.constant 0 : i32
    %scan3A_27 = arith.constant 632 : i32
    %scan3A_28 = arith.addi %scan3A_26, %scan3A_27 : i32
    %scan3A_29 = arith.constant 1 : i32
    scf.for %scan3A_206 = %scan3A_26 to %scan3A_28 step %scan3A_29  : i32 {
      %get3A_207 = arith.index_cast %scan3A_206 : i32 to index
      %get3A_208 = arith.constant 0 : index
      %get3A_209 = tpu.vector_load %arg16[%get3A_207, %get3A_208] {strides = array<i32>} : memref<632x16xf32, #tpu.memory_space<vmem>>, vector<16xf32>,
      %get3A_210 = arith.index_cast %scan3A_206 : i32 to index
      %get3A_211 = arith.constant 0 : index
      %get3A_212 = tpu.vector_load %arg15[%get3A_210, %get3A_211] {strides = array<i32>} : memref<632x16xf32, #tpu.memory_space<vmem>>, vector<16xf32>,
      %mul3A_213 = arith.mulf %get3A_209, %get3A_212 : vector<16xf32>
      %swap3A = arith.index_cast %scan3A_206 : i32 to index
      %swap3A_214 = arith.constant 0 : index
      %swap3A_215 = tpu.vector_load %arg16[%swap3A, %swap3A_214] {strides = array<i32>} : memref<632x16xf32, #tpu.memory_space<vmem>>, vector<16xf32>,
      tpu.vector_store %arg16[%swap3A, %swap3A_214], %mul3A_213 {strides = array<i32>} : memref<632x16xf32, #tpu.memory_space<vmem>>, vector<16xf32>,
    }
    %scan3A_30 = arith.constant 632 : i32
    "tpu.region"() ({
      %run_scoped3A = tpu.sem_alloc : memref<!tpu.dma_semaphore, #tpu.memory_space<semaphore_mem>>
      %dma_start3A_206 = arith.constant 0 : i32
      %dma_start3A_207 = tpu.memref_slice %arg11[%arg0, %mul3A_0, %dma_start3A_206] : memref<2x10112x16xf32, #tpu.memory_space<hbm>> -> memref<1x632x16xf32, #tpu.memory_space<hbm>>
      %dma_start3A_208 = tpu.memref_squeeze %dma_start3A_207 : memref<1x632x16xf32, #tpu.memory_space<hbm>> -> memref<632x16xf32, #tpu.memory_space<hbm>>
      %dma_start3A_209 = arith.constant 0 : i32
      %dma_start3A_210 = tpu.memref_slice %arg11[%arg0, %mul3A_0, %dma_start3A_209] : memref<2x10112x16xf32, #tpu.memory_space<hbm>> -> memref<1x632x16xf32, #tpu.memory_space<hbm>>
      %dma_start3A_211 = tpu.memref_squeeze %dma_start3A_210 : memref<1x632x16xf32, #tpu.memory_space<hbm>> -> memref<632x16xf32, #tpu.memory_space<hbm>>
      tpu.enqueue_dma source(%arg16 : memref<632x16xf32, #tpu.memory_space<vmem>>) target(%dma_start3A_211 : memref<632x16xf32, #tpu.memory_space<hbm>>) target_semaphore(%run_scoped3A : memref<!tpu.dma_semaphore, #tpu.memory_space<semaphore_mem>>)
      %dma_wait3A_212 = arith.constant 0 : i32
      %dma_wait3A_213 = tpu.memref_slice %arg11[%arg0, %mul3A_0, %dma_wait3A_212] : memref<2x10112x16xf32, #tpu.memory_space<hbm>> -> memref<1x632x16xf32, #tpu.memory_space<hbm>>
      %dma_wait3A_214 = tpu.memref_squeeze %dma_wait3A_213 : memref<1x632x16xf32, #tpu.memory_space<hbm>> -> memref<632x16xf32, #tpu.memory_space<hbm>>
      %dma_wait3A_215 = arith.constant 0 : i32
      %dma_wait3A_216 = tpu.memref_slice %arg11[%arg0, %mul3A_0, %dma_wait3A_215] : memref<2x10112x16xf32, #tpu.memory_space<hbm>> -> memref<1x632x16xf32, #tpu.memory_space<hbm>>
      %dma_wait3A_217 = tpu.memref_squeeze %dma_wait3A_216 : memref<1x632x16xf32, #tpu.memory_space<hbm>> -> memref<632x16xf32, #tpu.memory_space<hbm>>
      tpu.wait_dma2 semaphore(%run_scoped3A : memref<!tpu.dma_semaphore, #tpu.memory_space<semaphore_mem>>) src(%arg16 : memref<632x16xf32, #tpu.memory_space<vmem>>) dst(%dma_wait3A_217 : memref<632x16xf32, #tpu.memory_space<hbm>>)
      tpu.yield
    }) : () -> ()
    %mul3A_31 = arith.constant 632 : i32
    %mul3A_32 = arith.muli %arg1, %mul3A_31 : i32
    %mul3A_33 = arith.constant 632 : i32
    %mul3A_34 = arith.muli %arg1, %mul3A_33 : i32
    "tpu.region"() ({
      %run_scoped3A = tpu.sem_alloc : memref<!tpu.dma_semaphore, #tpu.memory_space<semaphore_mem>>
      %dma_start3A_206 = arith.constant 0 : i32
      %dma_start3A_207 = tpu.memref_slice %arg19[%mul3A_34, %dma_start3A_206] : memref<10112x16xf32, #tpu.memory_space<vmem_shared>> -> memref<632x16xf32, #tpu.memory_space<vmem_shared>>
      %dma_start3A_208 = arith.constant 0 : i32
      %dma_start3A_209 = tpu.memref_slice %arg6[%mul3A_32, %dma_start3A_208] : memref<10112x16xf32, #tpu.memory_space<hbm>> -> memref<632x16xf32, #tpu.memory_space<hbm>>
      tpu.enqueue_dma source(%dma_start3A_209 : memref<632x16xf32, #tpu.memory_space<hbm>>) target(%dma_start3A_207 : memref<632x16xf32, #tpu.memory_space<vmem_shared>>) target_semaphore(%run_scoped3A : memref<!tpu.dma_semaphore, #tpu.memory_space<semaphore_mem>>)
      %dma_wait3A_210 = arith.constant 0 : i32
      %dma_wait3A_211 = tpu.memref_slice %arg19[%mul3A_34, %dma_wait3A_210] : memref<10112x16xf32, #tpu.memory_space<vmem_shared>> -> memref<632x16xf32, #tpu.memory_space<vmem_shared>>
      %dma_wait3A_212 = arith.constant 0 : i32
      %dma_wait3A_213 = tpu.memref_slice %arg6[%mul3A_32, %dma_wait3A_212] : memref<10112x16xf32, #tpu.memory_space<hbm>> -> memref<632x16xf32, #tpu.memory_space<hbm>>
      tpu.wait_dma2 semaphore(%run_scoped3A : memref<!tpu.dma_semaphore, #tpu.memory_space<semaphore_mem>>) src(%dma_wait3A_213 : memref<632x16xf32, #tpu.memory_space<hbm>>) dst(%dma_wait3A_211 : memref<632x16xf32, #tpu.memory_space<vmem_shared>>)
      tpu.yield
    }) : () -> ()
    %barrier3A_35 = arith.constant 0 : index
    tpu.barrier barrier_id(%barrier3A_35)
    %dma_start3A = arith.constant 0 : i32
    %dma_start3A_36 = arith.constant 0 : i32
    %dma_start3A_37 = tpu.memref_slice %arg12[%dma_start3A, %dma_start3A_36] : memref<160x128xi32, #tpu.memory_space<vmem>> -> memref<1x128xi32, #tpu.memory_space<vmem>>
    %dma_start3A_38 = tpu.memref_squeeze %dma_start3A_37 : memref<1x128xi32, #tpu.memory_space<vmem>> -> memref<128xi32, #tpu.memory_space<vmem>>
    %dma_start3A_39 = arith.constant 0 : i32
    %dma_start3A_40 = arith.constant 0 : i32
    %dma_start3A_41 = tpu.memref_slice %arg11[%arg0, %dma_start3A_39, %dma_start3A_40] : memref<2x10112x16xf32, #tpu.memory_space<hbm>> -> memref<1x10112x16xf32, #tpu.memory_space<hbm>>
    %dma_start3A_42 = tpu.memref_squeeze %dma_start3A_41 : memref<1x10112x16xf32, #tpu.memory_space<hbm>> -> memref<10112x16xf32, #tpu.memory_space<hbm>>
    %dma_start3A_43 = arith.constant 0 : i32
    %dma_start3A_44 = arith.constant 0 : i32
    %dma_start3A_45 = tpu.memref_slice %dma_start3A_42[%dma_start3A_43, %dma_start3A_44] : memref<10112x16xf32, #tpu.memory_space<hbm>> -> memref<10112x16xf32, #tpu.memory_space<hbm>>
    tpu.enqueue_indirect_dma source(%dma_start3A_45 : memref<10112x16xf32, #tpu.memory_space<hbm>>) target(%arg20 : memref<128x16xf32, #tpu.memory_space<vmem>>) offsets(%dma_start3A_38 : memref<128xi32, #tpu.memory_space<vmem>>) semaphore(%arg24 : memref<!tpu.dma_semaphore, #tpu.memory_space<semaphore_mem>>)
    %dma_start3A_46 = arith.constant 1 : i32
    %dma_start3A_47 = arith.constant 0 : i32
    %dma_start3A_48 = tpu.memref_slice %arg12[%dma_start3A_46, %dma_start3A_47] : memref<160x128xi32, #tpu.memory_space<vmem>> -> memref<1x128xi32, #tpu.memory_space<vmem>>
    %dma_start3A_49 = tpu.memref_squeeze %dma_start3A_48 : memref<1x128xi32, #tpu.memory_space<vmem>> -> memref<128xi32, #tpu.memory_space<vmem>>
    %dma_start3A_50 = arith.constant 0 : i32
    %dma_start3A_51 = arith.constant 0 : i32
    %dma_start3A_52 = tpu.memref_slice %arg11[%arg0, %dma_start3A_50, %dma_start3A_51] : memref<2x10112x16xf32, #tpu.memory_space<hbm>> -> memref<1x10112x16xf32, #tpu.memory_space<hbm>>
    %dma_start3A_53 = tpu.memref_squeeze %dma_start3A_52 : memref<1x10112x16xf32, #tpu.memory_space<hbm>> -> memref<10112x16xf32, #tpu.memory_space<hbm>>
    %dma_start3A_54 = arith.constant 0 : i32
    %dma_start3A_55 = arith.constant 0 : i32
    %dma_start3A_56 = tpu.memref_slice %dma_start3A_53[%dma_start3A_54, %dma_start3A_55] : memref<10112x16xf32, #tpu.memory_space<hbm>> -> memref<10112x16xf32, #tpu.memory_space<hbm>>
    tpu.enqueue_indirect_dma source(%dma_start3A_56 : memref<10112x16xf32, #tpu.memory_space<hbm>>) target(%arg21 : memref<128x16xf32, #tpu.memory_space<vmem>>) offsets(%dma_start3A_49 : memref<128xi32, #tpu.memory_space<vmem>>) semaphore(%arg25 : memref<!tpu.dma_semaphore, #tpu.memory_space<semaphore_mem>>)
    %dma_start3A_57 = arith.constant 2 : i32
    %dma_start3A_58 = arith.constant 0 : i32
    %dma_start3A_59 = tpu.memref_slice %arg12[%dma_start3A_57, %dma_start3A_58] : memref<160x128xi32, #tpu.memory_space<vmem>> -> memref<1x128xi32, #tpu.memory_space<vmem>>
    %dma_start3A_60 = tpu.memref_squeeze %dma_start3A_59 : memref<1x128xi32, #tpu.memory_space<vmem>> -> memref<128xi32, #tpu.memory_space<vmem>>
    %dma_start3A_61 = arith.constant 0 : i32
    %dma_start3A_62 = arith.constant 0 : i32
    %dma_start3A_63 = tpu.memref_slice %arg11[%arg0, %dma_start3A_61, %dma_start3A_62] : memref<2x10112x16xf32, #tpu.memory_space<hbm>> -> memref<1x10112x16xf32, #tpu.memory_space<hbm>>
    %dma_start3A_64 = tpu.memref_squeeze %dma_start3A_63 : memref<1x10112x16xf32, #tpu.memory_space<hbm>> -> memref<10112x16xf32, #tpu.memory_space<hbm>>
    %dma_start3A_65 = arith.constant 0 : i32
    %dma_start3A_66 = arith.constant 0 : i32
    %dma_start3A_67 = tpu.memref_slice %dma_start3A_64[%dma_start3A_65, %dma_start3A_66] : memref<10112x16xf32, #tpu.memory_space<hbm>> -> memref<10112x16xf32, #tpu.memory_space<hbm>>
    tpu.enqueue_indirect_dma source(%dma_start3A_67 : memref<10112x16xf32, #tpu.memory_space<hbm>>) target(%arg22 : memref<128x16xf32, #tpu.memory_space<vmem>>) offsets(%dma_start3A_60 : memref<128xi32, #tpu.memory_space<vmem>>) semaphore(%arg26 : memref<!tpu.dma_semaphore, #tpu.memory_space<semaphore_mem>>)
    %dma_start3A_68 = arith.constant 3 : i32
    %dma_start3A_69 = arith.constant 0 : i32
    %dma_start3A_70 = tpu.memref_slice %arg12[%dma_start3A_68, %dma_start3A_69] : memref<160x128xi32, #tpu.memory_space<vmem>> -> memref<1x128xi32, #tpu.memory_space<vmem>>
    %dma_start3A_71 = tpu.memref_squeeze %dma_start3A_70 : memref<1x128xi32, #tpu.memory_space<vmem>> -> memref<128xi32, #tpu.memory_space<vmem>>
    %dma_start3A_72 = arith.constant 0 : i32
    %dma_start3A_73 = arith.constant 0 : i32
    %dma_start3A_74 = tpu.memref_slice %arg11[%arg0, %dma_start3A_72, %dma_start3A_73] : memref<2x10112x16xf32, #tpu.memory_space<hbm>> -> memref<1x10112x16xf32, #tpu.memory_space<hbm>>
    %dma_start3A_75 = tpu.memref_squeeze %dma_start3A_74 : memref<1x10112x16xf32, #tpu.memory_space<hbm>> -> memref<10112x16xf32, #tpu.memory_space<hbm>>
    %dma_start3A_76 = arith.constant 0 : i32
    %dma_start3A_77 = arith.constant 0 : i32
    %dma_start3A_78 = tpu.memref_slice %dma_start3A_75[%dma_start3A_76, %dma_start3A_77] : memref<10112x16xf32, #tpu.memory_space<hbm>> -> memref<10112x16xf32, #tpu.memory_space<hbm>>
    tpu.enqueue_indirect_dma source(%dma_start3A_78 : memref<10112x16xf32, #tpu.memory_space<hbm>>) target(%arg23 : memref<128x16xf32, #tpu.memory_space<vmem>>) offsets(%dma_start3A_71 : memref<128xi32, #tpu.memory_space<vmem>>) semaphore(%arg27 : memref<!tpu.dma_semaphore, #tpu.memory_space<semaphore_mem>>)
    %scan3A_79 = arith.constant 0 : i32
    %scan3A_80 = arith.constant 0 : i32
    %scan3A_81 = arith.constant 40 : i32
    %scan3A_82 = arith.addi %scan3A_80, %scan3A_81 : i32
    %scan3A_83 = arith.constant 1 : i32
    scf.for %scan3A_206 = %scan3A_80 to %scan3A_82 step %scan3A_83  : i32 {
      %mul3A_207 = arith.constant 4 : i32
      %mul3A_208 = arith.muli %scan3A_206, %mul3A_207 : i32
      %add3A = arith.constant 0 : i32
      %add3A_209 = arith.addi %mul3A_208, %add3A : i32
      %dma_wait3A_210 = arith.constant 0 : i32
      %dma_wait3A_211 = tpu.memref_slice %arg12[%add3A_209, %dma_wait3A_210] : memref<160x128xi32, #tpu.memory_space<vmem>> -> memref<1x128xi32, #tpu.memory_space<vmem>>
      %dma_wait3A_212 = tpu.memref_squeeze %dma_wait3A_211 : memref<1x128xi32, #tpu.memory_space<vmem>> -> memref<128xi32, #tpu.memory_space<vmem>>
      %dma_wait3A_213 = arith.constant 0 : i32
      %dma_wait3A_214 = arith.constant 0 : i32
      %dma_wait3A_215 = tpu.memref_slice %arg11[%arg0, %dma_wait3A_213, %dma_wait3A_214] : memref<2x10112x16xf32, #tpu.memory_space<hbm>> -> memref<1x10112x16xf32, #tpu.memory_space<hbm>>
      %dma_wait3A_216 = tpu.memref_squeeze %dma_wait3A_215 : memref<1x10112x16xf32, #tpu.memory_space<hbm>> -> memref<10112x16xf32, #tpu.memory_space<hbm>>
      %dma_wait3A_217 = arith.constant 0 : i32
      %dma_wait3A_218 = arith.constant 0 : i32
      %dma_wait3A_219 = tpu.memref_slice %dma_wait3A_216[%dma_wait3A_217, %dma_wait3A_218] : memref<10112x16xf32, #tpu.memory_space<hbm>> -> memref<10112x16xf32, #tpu.memory_space<hbm>>
      tpu.wait_indirect_dma semaphore(%arg24 : memref<!tpu.dma_semaphore, #tpu.memory_space<semaphore_mem>>) src(%dma_wait3A_219 : memref<10112x16xf32, #tpu.memory_space<hbm>>) dst(%arg20 : memref<128x16xf32, #tpu.memory_space<vmem>>)
      %add3A_220 = arith.constant 0 : i32
      %add3A_221 = arith.addi %mul3A_208, %add3A_220 : i32
      %dma_start3A_222 = arith.constant 0 : i32
      %dma_start3A_223 = tpu.memref_slice %arg13[%add3A_221, %dma_start3A_222] : memref<160x128xi32, #tpu.memory_space<vmem>> -> memref<1x128xi32, #tpu.memory_space<vmem>>
      %dma_start3A_224 = tpu.memref_squeeze %dma_start3A_223 : memref<1x128xi32, #tpu.memory_space<vmem>> -> memref<128xi32, #tpu.memory_space<vmem>>
      %dma_start3A_225 = arith.constant 0 : i32
      %dma_start3A_226 = arith.constant 0 : i32
      %dma_start3A_227 = tpu.memref_slice %arg19[%dma_start3A_225, %dma_start3A_226] : memref<10112x16xf32, #tpu.memory_space<vmem_shared>> -> memref<10112x16xf32, #tpu.memory_space<vmem_shared>>
      tpu.enqueue_indirect_dma source(%arg20 : memref<128x16xf32, #tpu.memory_space<vmem>>) target(%dma_start3A_227 : memref<10112x16xf32, #tpu.memory_space<vmem_shared>>) offsets(%dma_start3A_224 : memref<128xi32, #tpu.memory_space<vmem>>) semaphore(%arg28 : memref<!tpu.dma_semaphore, #tpu.memory_space<semaphore_mem>>) {add = true}
      %add3A_228 = arith.constant 1 : i32
      %add3A_229 = arith.addi %mul3A_208, %add3A_228 : i32
      %dma_wait3A_230 = arith.constant 0 : i32
      %dma_wait3A_231 = tpu.memref_slice %arg12[%add3A_229, %dma_wait3A_230] : memref<160x128xi32, #tpu.memory_space<vmem>> -> memref<1x128xi32, #tpu.memory_space<vmem>>
      %dma_wait3A_232 = tpu.memref_squeeze %dma_wait3A_231 : memref<1x128xi32, #tpu.memory_space<vmem>> -> memref<128xi32, #tpu.memory_space<vmem>>
      %dma_wait3A_233 = arith.constant 0 : i32
      %dma_wait3A_234 = arith.constant 0 : i32
      %dma_wait3A_235 = tpu.memref_slice %arg11[%arg0, %dma_wait3A_233, %dma_wait3A_234] : memref<2x10112x16xf32, #tpu.memory_space<hbm>> -> memref<1x10112x16xf32, #tpu.memory_space<hbm>>
      %dma_wait3A_236 = tpu.memref_squeeze %dma_wait3A_235 : memref<1x10112x16xf32, #tpu.memory_space<hbm>> -> memref<10112x16xf32, #tpu.memory_space<hbm>>
      %dma_wait3A_237 = arith.constant 0 : i32
      %dma_wait3A_238 = arith.constant 0 : i32
      %dma_wait3A_239 = tpu.memref_slice %dma_wait3A_236[%dma_wait3A_237, %dma_wait3A_238] : memref<10112x16xf32, #tpu.memory_space<hbm>> -> memref<10112x16xf32, #tpu.memory_space<hbm>>
      tpu.wait_indirect_dma semaphore(%arg25 : memref<!tpu.dma_semaphore, #tpu.memory_space<semaphore_mem>>) src(%dma_wait3A_239 : memref<10112x16xf32, #tpu.memory_space<hbm>>) dst(%arg21 : memref<128x16xf32, #tpu.memory_space<vmem>>)
      %add3A_240 = arith.constant 1 : i32
      %add3A_241 = arith.addi %mul3A_208, %add3A_240 : i32
      %dma_start3A_242 = arith.constant 0 : i32
      %dma_start3A_243 = tpu.memref_slice %arg13[%add3A_241, %dma_start3A_242] : memref<160x128xi32, #tpu.memory_space<vmem>> -> memref<1x128xi32, #tpu.memory_space<vmem>>
      %dma_start3A_244 = tpu.memref_squeeze %dma_start3A_243 : memref<1x128xi32, #tpu.memory_space<vmem>> -> memref<128xi32, #tpu.memory_space<vmem>>
      %dma_start3A_245 = arith.constant 0 : i32
      %dma_start3A_246 = arith.constant 0 : i32
      %dma_start3A_247 = tpu.memref_slice %arg19[%dma_start3A_245, %dma_start3A_246] : memref<10112x16xf32, #tpu.memory_space<vmem_shared>> -> memref<10112x16xf32, #tpu.memory_space<vmem_shared>>
      tpu.enqueue_indirect_dma source(%arg21 : memref<128x16xf32, #tpu.memory_space<vmem>>) target(%dma_start3A_247 : memref<10112x16xf32, #tpu.memory_space<vmem_shared>>) offsets(%dma_start3A_244 : memref<128xi32, #tpu.memory_space<vmem>>) semaphore(%arg29 : memref<!tpu.dma_semaphore, #tpu.memory_space<semaphore_mem>>) {add = true}
      %add3A_248 = arith.constant 2 : i32
      %add3A_249 = arith.addi %mul3A_208, %add3A_248 : i32
      %dma_wait3A_250 = arith.constant 0 : i32
      %dma_wait3A_251 = tpu.memref_slice %arg12[%add3A_249, %dma_wait3A_250] : memref<160x128xi32, #tpu.memory_space<vmem>> -> memref<1x128xi32, #tpu.memory_space<vmem>>
      %dma_wait3A_252 = tpu.memref_squeeze %dma_wait3A_251 : memref<1x128xi32, #tpu.memory_space<vmem>> -> memref<128xi32, #tpu.memory_space<vmem>>
      %dma_wait3A_253 = arith.constant 0 : i32
      %dma_wait3A_254 = arith.constant 0 : i32
      %dma_wait3A_255 = tpu.memref_slice %arg11[%arg0, %dma_wait3A_253, %dma_wait3A_254] : memref<2x10112x16xf32, #tpu.memory_space<hbm>> -> memref<1x10112x16xf32, #tpu.memory_space<hbm>>
      %dma_wait3A_256 = tpu.memref_squeeze %dma_wait3A_255 : memref<1x10112x16xf32, #tpu.memory_space<hbm>> -> memref<10112x16xf32, #tpu.memory_space<hbm>>
      %dma_wait3A_257 = arith.constant 0 : i32
      %dma_wait3A_258 = arith.constant 0 : i32
      %dma_wait3A_259 = tpu.memref_slice %dma_wait3A_256[%dma_wait3A_257, %dma_wait3A_258] : memref<10112x16xf32, #tpu.memory_space<hbm>> -> memref<10112x16xf32, #tpu.memory_space<hbm>>
      tpu.wait_indirect_dma semaphore(%arg26 : memref<!tpu.dma_semaphore, #tpu.memory_space<semaphore_mem>>) src(%dma_wait3A_259 : memref<10112x16xf32, #tpu.memory_space<hbm>>) dst(%arg22 : memref<128x16xf32, #tpu.memory_space<vmem>>)
      %add3A_260 = arith.constant 2 : i32
      %add3A_261 = arith.addi %mul3A_208, %add3A_260 : i32
      %dma_start3A_262 = arith.constant 0 : i32
      %dma_start3A_263 = tpu.memref_slice %arg13[%add3A_261, %dma_start3A_262] : memref<160x128xi32, #tpu.memory_space<vmem>> -> memref<1x128xi32, #tpu.memory_space<vmem>>
      %dma_start3A_264 = tpu.memref_squeeze %dma_start3A_263 : memref<1x128xi32, #tpu.memory_space<vmem>> -> memref<128xi32, #tpu.memory_space<vmem>>
      %dma_start3A_265 = arith.constant 0 : i32
      %dma_start3A_266 = arith.constant 0 : i32
      %dma_start3A_267 = tpu.memref_slice %arg19[%dma_start3A_265, %dma_start3A_266] : memref<10112x16xf32, #tpu.memory_space<vmem_shared>> -> memref<10112x16xf32, #tpu.memory_space<vmem_shared>>
      tpu.enqueue_indirect_dma source(%arg22 : memref<128x16xf32, #tpu.memory_space<vmem>>) target(%dma_start3A_267 : memref<10112x16xf32, #tpu.memory_space<vmem_shared>>) offsets(%dma_start3A_264 : memref<128xi32, #tpu.memory_space<vmem>>) semaphore(%arg30 : memref<!tpu.dma_semaphore, #tpu.memory_space<semaphore_mem>>) {add = true}
      %add3A_268 = arith.constant 3 : i32
      %add3A_269 = arith.addi %mul3A_208, %add3A_268 : i32
      %dma_wait3A_270 = arith.constant 0 : i32
      %dma_wait3A_271 = tpu.memref_slice %arg12[%add3A_269, %dma_wait3A_270] : memref<160x128xi32, #tpu.memory_space<vmem>> -> memref<1x128xi32, #tpu.memory_space<vmem>>
      %dma_wait3A_272 = tpu.memref_squeeze %dma_wait3A_271 : memref<1x128xi32, #tpu.memory_space<vmem>> -> memref<128xi32, #tpu.memory_space<vmem>>
      %dma_wait3A_273 = arith.constant 0 : i32
      %dma_wait3A_274 = arith.constant 0 : i32
      %dma_wait3A_275 = tpu.memref_slice %arg11[%arg0, %dma_wait3A_273, %dma_wait3A_274] : memref<2x10112x16xf32, #tpu.memory_space<hbm>> -> memref<1x10112x16xf32, #tpu.memory_space<hbm>>
      %dma_wait3A_276 = tpu.memref_squeeze %dma_wait3A_275 : memref<1x10112x16xf32, #tpu.memory_space<hbm>> -> memref<10112x16xf32, #tpu.memory_space<hbm>>
      %dma_wait3A_277 = arith.constant 0 : i32
      %dma_wait3A_278 = arith.constant 0 : i32
      %dma_wait3A_279 = tpu.memref_slice %dma_wait3A_276[%dma_wait3A_277, %dma_wait3A_278] : memref<10112x16xf32, #tpu.memory_space<hbm>> -> memref<10112x16xf32, #tpu.memory_space<hbm>>
      tpu.wait_indirect_dma semaphore(%arg27 : memref<!tpu.dma_semaphore, #tpu.memory_space<semaphore_mem>>) src(%dma_wait3A_279 : memref<10112x16xf32, #tpu.memory_space<hbm>>) dst(%arg23 : memref<128x16xf32, #tpu.memory_space<vmem>>)
      %add3A_280 = arith.constant 3 : i32
      %add3A_281 = arith.addi %mul3A_208, %add3A_280 : i32
      %dma_start3A_282 = arith.constant 0 : i32
      %dma_start3A_283 = tpu.memref_slice %arg13[%add3A_281, %dma_start3A_282] : memref<160x128xi32, #tpu.memory_space<vmem>> -> memref<1x128xi32, #tpu.memory_space<vmem>>
      %dma_start3A_284 = tpu.memref_squeeze %dma_start3A_283 : memref<1x128xi32, #tpu.memory_space<vmem>> -> memref<128xi32, #tpu.memory_space<vmem>>
      %dma_start3A_285 = arith.constant 0 : i32
      %dma_start3A_286 = arith.constant 0 : i32
      %dma_start3A_287 = tpu.memref_slice %arg19[%dma_start3A_285, %dma_start3A_286] : memref<10112x16xf32, #tpu.memory_space<vmem_shared>> -> memref<10112x16xf32, #tpu.memory_space<vmem_shared>>
      tpu.enqueue_indirect_dma source(%arg23 : memref<128x16xf32, #tpu.memory_space<vmem>>) target(%dma_start3A_287 : memref<10112x16xf32, #tpu.memory_space<vmem_shared>>) offsets(%dma_start3A_284 : memref<128xi32, #tpu.memory_space<vmem>>) semaphore(%arg31 : memref<!tpu.dma_semaphore, #tpu.memory_space<semaphore_mem>>) {add = true}
      %lt3A = arith.constant 39 : i32
      %lt3A_288 = arith.cmpi slt, %scan3A_206, %lt3A : i32
      %convert_element_type3A_289 = arith.extui %lt3A_288 : i1 to i32
      %cond3A_290 = arith.constant 0 : i32
      %cond3A_291 = arith.cmpi ne, %convert_element_type3A_289, %cond3A_290 : i32
      scf.if %cond3A_291 {
        %add3A_307 = arith.constant 0 : i32
        %add3A_308 = arith.addi %mul3A_208, %add3A_307 : i32
        %dma_wait3A_309 = arith.constant 0 : i32
        %dma_wait3A_310 = tpu.memref_slice %arg13[%add3A_308, %dma_wait3A_309] : memref<160x128xi32, #tpu.memory_space<vmem>> -> memref<1x128xi32, #tpu.memory_space<vmem>>
        %dma_wait3A_311 = tpu.memref_squeeze %dma_wait3A_310 : memref<1x128xi32, #tpu.memory_space<vmem>> -> memref<128xi32, #tpu.memory_space<vmem>>
        %dma_wait3A_312 = arith.constant 0 : i32
        %dma_wait3A_313 = arith.constant 0 : i32
        %dma_wait3A_314 = tpu.memref_slice %arg19[%dma_wait3A_312, %dma_wait3A_313] : memref<10112x16xf32, #tpu.memory_space<vmem_shared>> -> memref<10112x16xf32, #tpu.memory_space<vmem_shared>>
        tpu.wait_indirect_dma semaphore(%arg28 : memref<!tpu.dma_semaphore, #tpu.memory_space<semaphore_mem>>) src(%arg20 : memref<128x16xf32, #tpu.memory_space<vmem>>) dst(%dma_wait3A_314 : memref<10112x16xf32, #tpu.memory_space<vmem_shared>>)
        %add3A_315 = arith.constant 4 : i32
        %add3A_316 = arith.addi %mul3A_208, %add3A_315 : i32
        %add3A_317 = arith.constant 0 : i32
        %add3A_318 = arith.addi %add3A_316, %add3A_317 : i32
        %dma_start3A_319 = arith.constant 0 : i32
        %dma_start3A_320 = tpu.memref_slice %arg12[%add3A_318, %dma_start3A_319] : memref<160x128xi32, #tpu.memory_space<vmem>> -> memref<1x128xi32, #tpu.memory_space<vmem>>
        %dma_start3A_321 = tpu.memref_squeeze %dma_start3A_320 : memref<1x128xi32, #tpu.memory_space<vmem>> -> memref<128xi32, #tpu.memory_space<vmem>>
        %dma_start3A_322 = arith.constant 0 : i32
        %dma_start3A_323 = arith.constant 0 : i32
        %dma_start3A_324 = tpu.memref_slice %arg11[%arg0, %dma_start3A_322, %dma_start3A_323] : memref<2x10112x16xf32, #tpu.memory_space<hbm>> -> memref<1x10112x16xf32, #tpu.memory_space<hbm>>
        %dma_start3A_325 = tpu.memref_squeeze %dma_start3A_324 : memref<1x10112x16xf32, #tpu.memory_space<hbm>> -> memref<10112x16xf32, #tpu.memory_space<hbm>>
        %dma_start3A_326 = arith.constant 0 : i32
        %dma_start3A_327 = arith.constant 0 : i32
        %dma_start3A_328 = tpu.memref_slice %dma_start3A_325[%dma_start3A_326, %dma_start3A_327] : memref<10112x16xf32, #tpu.memory_space<hbm>> -> memref<10112x16xf32, #tpu.memory_space<hbm>>
        tpu.enqueue_indirect_dma source(%dma_start3A_328 : memref<10112x16xf32, #tpu.memory_space<hbm>>) target(%arg20 : memref<128x16xf32, #tpu.memory_space<vmem>>) offsets(%dma_start3A_321 : memref<128xi32, #tpu.memory_space<vmem>>) semaphore(%arg24 : memref<!tpu.dma_semaphore, #tpu.memory_space<semaphore_mem>>)
      } else {
      }
      %lt3A_292 = arith.constant 39 : i32
      %lt3A_293 = arith.cmpi slt, %scan3A_206, %lt3A_292 : i32
      %convert_element_type3A_294 = arith.extui %lt3A_293 : i1 to i32
      %cond3A_295 = arith.constant 0 : i32
      %cond3A_296 = arith.cmpi ne, %convert_element_type3A_294, %cond3A_295 : i32
      scf.if %cond3A_296 {
        %add3A_307 = arith.constant 1 : i32
        %add3A_308 = arith.addi %mul3A_208, %add3A_307 : i32
        %dma_wait3A_309 = arith.constant 0 : i32
        %dma_wait3A_310 = tpu.memref_slice %arg13[%add3A_308, %dma_wait3A_309] : memref<160x128xi32, #tpu.memory_space<vmem>> -> memref<1x128xi32, #tpu.memory_space<vmem>>
        %dma_wait3A_311 = tpu.memref_squeeze %dma_wait3A_310 : memref<1x128xi32, #tpu.memory_space<vmem>> -> memref<128xi32, #tpu.memory_space<vmem>>
        %dma_wait3A_312 = arith.constant 0 : i32
        %dma_wait3A_313 = arith.constant 0 : i32
        %dma_wait3A_314 = tpu.memref_slice %arg19[%dma_wait3A_312, %dma_wait3A_313] : memref<10112x16xf32, #tpu.memory_space<vmem_shared>> -> memref<10112x16xf32, #tpu.memory_space<vmem_shared>>
        tpu.wait_indirect_dma semaphore(%arg29 : memref<!tpu.dma_semaphore, #tpu.memory_space<semaphore_mem>>) src(%arg21 : memref<128x16xf32, #tpu.memory_space<vmem>>) dst(%dma_wait3A_314 : memref<10112x16xf32, #tpu.memory_space<vmem_shared>>)
        %add3A_315 = arith.constant 4 : i32
        %add3A_316 = arith.addi %mul3A_208, %add3A_315 : i32
        %add3A_317 = arith.constant 1 : i32
        %add3A_318 = arith.addi %add3A_316, %add3A_317 : i32
        %dma_start3A_319 = arith.constant 0 : i32
        %dma_start3A_320 = tpu.memref_slice %arg12[%add3A_318, %dma_start3A_319] : memref<160x128xi32, #tpu.memory_space<vmem>> -> memref<1x128xi32, #tpu.memory_space<vmem>>
        %dma_start3A_321 = tpu.memref_squeeze %dma_start3A_320 : memref<1x128xi32, #tpu.memory_space<vmem>> -> memref<128xi32, #tpu.memory_space<vmem>>
        %dma_start3A_322 = arith.constant 0 : i32
        %dma_start3A_323 = arith.constant 0 : i32
        %dma_start3A_324 = tpu.memref_slice %arg11[%arg0, %dma_start3A_322, %dma_start3A_323] : memref<2x10112x16xf32, #tpu.memory_space<hbm>> -> memref<1x10112x16xf32, #tpu.memory_space<hbm>>
        %dma_start3A_325 = tpu.memref_squeeze %dma_start3A_324 : memref<1x10112x16xf32, #tpu.memory_space<hbm>> -> memref<10112x16xf32, #tpu.memory_space<hbm>>
        %dma_start3A_326 = arith.constant 0 : i32
        %dma_start3A_327 = arith.constant 0 : i32
        %dma_start3A_328 = tpu.memref_slice %dma_start3A_325[%dma_start3A_326, %dma_start3A_327] : memref<10112x16xf32, #tpu.memory_space<hbm>> -> memref<10112x16xf32, #tpu.memory_space<hbm>>
        tpu.enqueue_indirect_dma source(%dma_start3A_328 : memref<10112x16xf32, #tpu.memory_space<hbm>>) target(%arg21 : memref<128x16xf32, #tpu.memory_space<vmem>>) offsets(%dma_start3A_321 : memref<128xi32, #tpu.memory_space<vmem>>) semaphore(%arg25 : memref<!tpu.dma_semaphore, #tpu.memory_space<semaphore_mem>>)
      } else {
      }
      %lt3A_297 = arith.constant 39 : i32
      %lt3A_298 = arith.cmpi slt, %scan3A_206, %lt3A_297 : i32
      %convert_element_type3A_299 = arith.extui %lt3A_298 : i1 to i32
      %cond3A_300 = arith.constant 0 : i32
      %cond3A_301 = arith.cmpi ne, %convert_element_type3A_299, %cond3A_300 : i32
      scf.if %cond3A_301 {
        %add3A_307 = arith.constant 2 : i32
        %add3A_308 = arith.addi %mul3A_208, %add3A_307 : i32
        %dma_wait3A_309 = arith.constant 0 : i32
        %dma_wait3A_310 = tpu.memref_slice %arg13[%add3A_308, %dma_wait3A_309] : memref<160x128xi32, #tpu.memory_space<vmem>> -> memref<1x128xi32, #tpu.memory_space<vmem>>
        %dma_wait3A_311 = tpu.memref_squeeze %dma_wait3A_310 : memref<1x128xi32, #tpu.memory_space<vmem>> -> memref<128xi32, #tpu.memory_space<vmem>>
        %dma_wait3A_312 = arith.constant 0 : i32
        %dma_wait3A_313 = arith.constant 0 : i32
        %dma_wait3A_314 = tpu.memref_slice %arg19[%dma_wait3A_312, %dma_wait3A_313] : memref<10112x16xf32, #tpu.memory_space<vmem_shared>> -> memref<10112x16xf32, #tpu.memory_space<vmem_shared>>
        tpu.wait_indirect_dma semaphore(%arg30 : memref<!tpu.dma_semaphore, #tpu.memory_space<semaphore_mem>>) src(%arg22 : memref<128x16xf32, #tpu.memory_space<vmem>>) dst(%dma_wait3A_314 : memref<10112x16xf32, #tpu.memory_space<vmem_shared>>)
        %add3A_315 = arith.constant 4 : i32
        %add3A_316 = arith.addi %mul3A_208, %add3A_315 : i32
        %add3A_317 = arith.constant 2 : i32
        %add3A_318 = arith.addi %add3A_316, %add3A_317 : i32
        %dma_start3A_319 = arith.constant 0 : i32
        %dma_start3A_320 = tpu.memref_slice %arg12[%add3A_318, %dma_start3A_319] : memref<160x128xi32, #tpu.memory_space<vmem>> -> memref<1x128xi32, #tpu.memory_space<vmem>>
        %dma_start3A_321 = tpu.memref_squeeze %dma_start3A_320 : memref<1x128xi32, #tpu.memory_space<vmem>> -> memref<128xi32, #tpu.memory_space<vmem>>
        %dma_start3A_322 = arith.constant 0 : i32
        %dma_start3A_323 = arith.constant 0 : i32
        %dma_start3A_324 = tpu.memref_slice %arg11[%arg0, %dma_start3A_322, %dma_start3A_323] : memref<2x10112x16xf32, #tpu.memory_space<hbm>> -> memref<1x10112x16xf32, #tpu.memory_space<hbm>>
        %dma_start3A_325 = tpu.memref_squeeze %dma_start3A_324 : memref<1x10112x16xf32, #tpu.memory_space<hbm>> -> memref<10112x16xf32, #tpu.memory_space<hbm>>
        %dma_start3A_326 = arith.constant 0 : i32
        %dma_start3A_327 = arith.constant 0 : i32
        %dma_start3A_328 = tpu.memref_slice %dma_start3A_325[%dma_start3A_326, %dma_start3A_327] : memref<10112x16xf32, #tpu.memory_space<hbm>> -> memref<10112x16xf32, #tpu.memory_space<hbm>>
        tpu.enqueue_indirect_dma source(%dma_start3A_328 : memref<10112x16xf32, #tpu.memory_space<hbm>>) target(%arg22 : memref<128x16xf32, #tpu.memory_space<vmem>>) offsets(%dma_start3A_321 : memref<128xi32, #tpu.memory_space<vmem>>) semaphore(%arg26 : memref<!tpu.dma_semaphore, #tpu.memory_space<semaphore_mem>>)
      } else {
      }
      %lt3A_302 = arith.constant 39 : i32
      %lt3A_303 = arith.cmpi slt, %scan3A_206, %lt3A_302 : i32
      %convert_element_type3A_304 = arith.extui %lt3A_303 : i1 to i32
      %cond3A_305 = arith.constant 0 : i32
      %cond3A_306 = arith.cmpi ne, %convert_element_type3A_304, %cond3A_305 : i32
      scf.if %cond3A_306 {
        %add3A_307 = arith.constant 3 : i32
        %add3A_308 = arith.addi %mul3A_208, %add3A_307 : i32
        %dma_wait3A_309 = arith.constant 0 : i32
        %dma_wait3A_310 = tpu.memref_slice %arg13[%add3A_308, %dma_wait3A_309] : memref<160x128xi32, #tpu.memory_space<vmem>> -> memref<1x128xi32, #tpu.memory_space<vmem>>
        %dma_wait3A_311 = tpu.memref_squeeze %dma_wait3A_310 : memref<1x128xi32, #tpu.memory_space<vmem>> -> memref<128xi32, #tpu.memory_space<vmem>>
        %dma_wait3A_312 = arith.constant 0 : i32
        %dma_wait3A_313 = arith.constant 0 : i32
        %dma_wait3A_314 = tpu.memref_slice %arg19[%dma_wait3A_312, %dma_wait3A_313] : memref<10112x16xf32, #tpu.memory_space<vmem_shared>> -> memref<10112x16xf32, #tpu.memory_space<vmem_shared>>
        tpu.wait_indirect_dma semaphore(%arg31 : memref<!tpu.dma_semaphore, #tpu.memory_space<semaphore_mem>>) src(%arg23 : memref<128x16xf32, #tpu.memory_space<vmem>>) dst(%dma_wait3A_314 : memref<10112x16xf32, #tpu.memory_space<vmem_shared>>)
        %add3A_315 = arith.constant 4 : i32
        %add3A_316 = arith.addi %mul3A_208, %add3A_315 : i32
        %add3A_317 = arith.constant 3 : i32
        %add3A_318 = arith.addi %add3A_316, %add3A_317 : i32
        %dma_start3A_319 = arith.constant 0 : i32
        %dma_start3A_320 = tpu.memref_slice %arg12[%add3A_318, %dma_start3A_319] : memref<160x128xi32, #tpu.memory_space<vmem>> -> memref<1x128xi32, #tpu.memory_space<vmem>>
        %dma_start3A_321 = tpu.memref_squeeze %dma_start3A_320 : memref<1x128xi32, #tpu.memory_space<vmem>> -> memref<128xi32, #tpu.memory_space<vmem>>
        %dma_start3A_322 = arith.constant 0 : i32
        %dma_start3A_323 = arith.constant 0 : i32
        %dma_start3A_324 = tpu.memref_slice %arg11[%arg0, %dma_start3A_322, %dma_start3A_323] : memref<2x10112x16xf32, #tpu.memory_space<hbm>> -> memref<1x10112x16xf32, #tpu.memory_space<hbm>>
        %dma_start3A_325 = tpu.memref_squeeze %dma_start3A_324 : memref<1x10112x16xf32, #tpu.memory_space<hbm>> -> memref<10112x16xf32, #tpu.memory_space<hbm>>
        %dma_start3A_326 = arith.constant 0 : i32
        %dma_start3A_327 = arith.constant 0 : i32
        %dma_start3A_328 = tpu.memref_slice %dma_start3A_325[%dma_start3A_326, %dma_start3A_327] : memref<10112x16xf32, #tpu.memory_space<hbm>> -> memref<10112x16xf32, #tpu.memory_space<hbm>>
        tpu.enqueue_indirect_dma source(%dma_start3A_328 : memref<10112x16xf32, #tpu.memory_space<hbm>>) target(%arg23 : memref<128x16xf32, #tpu.memory_space<vmem>>) offsets(%dma_start3A_321 : memref<128xi32, #tpu.memory_space<vmem>>) semaphore(%arg27 : memref<!tpu.dma_semaphore, #tpu.memory_space<semaphore_mem>>)
      } else {
      }
    }
    %scan3A_84 = arith.constant 40 : i32
    %dma_wait3A = arith.constant 156 : i32
    %dma_wait3A_85 = arith.constant 0 : i32
    %dma_wait3A_86 = tpu.memref_slice %arg13[%dma_wait3A, %dma_wait3A_85] : memref<160x128xi32, #tpu.memory_space<vmem>> -> memref<1x128xi32, #tpu.memory_space<vmem>>
    %dma_wait3A_87 = tpu.memref_squeeze %dma_wait3A_86 : memref<1x128xi32, #tpu.memory_space<vmem>> -> memref<128xi32, #tpu.memory_space<vmem>>
    %dma_wait3A_88 = arith.constant 0 : i32
    %dma_wait3A_89 = arith.constant 0 : i32
    %dma_wait3A_90 = tpu.memref_slice %arg19[%dma_wait3A_88, %dma_wait3A_89] : memref<10112x16xf32, #tpu.memory_space<vmem_shared>> -> memref<10112x16xf32, #tpu.memory_space<vmem_shared>>
    tpu.wait_indirect_dma semaphore(%arg28 : memref<!tpu.dma_semaphore, #tpu.memory_space<semaphore_mem>>) src(%arg20 : memref<128x16xf32, #tpu.memory_space<vmem>>) dst(%dma_wait3A_90 : memref<10112x16xf32, #tpu.memory_space<vmem_shared>>)
    %dma_wait3A_91 = arith.constant 157 : i32
    %dma_wait3A_92 = arith.constant 0 : i32
    %dma_wait3A_93 = tpu.memref_slice %arg13[%dma_wait3A_91, %dma_wait3A_92] : memref<160x128xi32, #tpu.memory_space<vmem>> -> memref<1x128xi32, #tpu.memory_space<vmem>>
    %dma_wait3A_94 = tpu.memref_squeeze %dma_wait3A_93 : memref<1x128xi32, #tpu.memory_space<vmem>> -> memref<128xi32, #tpu.memory_space<vmem>>
    %dma_wait3A_95 = arith.constant 0 : i32
    %dma_wait3A_96 = arith.constant 0 : i32
    %dma_wait3A_97 = tpu.memref_slice %arg19[%dma_wait3A_95, %dma_wait3A_96] : memref<10112x16xf32, #tpu.memory_space<vmem_shared>> -> memref<10112x16xf32, #tpu.memory_space<vmem_shared>>
    tpu.wait_indirect_dma semaphore(%arg29 : memref<!tpu.dma_semaphore, #tpu.memory_space<semaphore_mem>>) src(%arg21 : memref<128x16xf32, #tpu.memory_space<vmem>>) dst(%dma_wait3A_97 : memref<10112x16xf32, #tpu.memory_space<vmem_shared>>)
    %dma_wait3A_98 = arith.constant 158 : i32
    %dma_wait3A_99 = arith.constant 0 : i32
    %dma_wait3A_100 = tpu.memref_slice %arg13[%dma_wait3A_98, %dma_wait3A_99] : memref<160x128xi32, #tpu.memory_space<vmem>> -> memref<1x128xi32, #tpu.memory_space<vmem>>
    %dma_wait3A_101 = tpu.memref_squeeze %dma_wait3A_100 : memref<1x128xi32, #tpu.memory_space<vmem>> -> memref<128xi32, #tpu.memory_space<vmem>>
    %dma_wait3A_102 = arith.constant 0 : i32
    %dma_wait3A_103 = arith.constant 0 : i32
    %dma_wait3A_104 = tpu.memref_slice %arg19[%dma_wait3A_102, %dma_wait3A_103] : memref<10112x16xf32, #tpu.memory_space<vmem_shared>> -> memref<10112x16xf32, #tpu.memory_space<vmem_shared>>
    tpu.wait_indirect_dma semaphore(%arg30 : memref<!tpu.dma_semaphore, #tpu.memory_space<semaphore_mem>>) src(%arg22 : memref<128x16xf32, #tpu.memory_space<vmem>>) dst(%dma_wait3A_104 : memref<10112x16xf32, #tpu.memory_space<vmem_shared>>)
    %dma_wait3A_105 = arith.constant 159 : i32
    %dma_wait3A_106 = arith.constant 0 : i32
    %dma_wait3A_107 = tpu.memref_slice %arg13[%dma_wait3A_105, %dma_wait3A_106] : memref<160x128xi32, #tpu.memory_space<vmem>> -> memref<1x128xi32, #tpu.memory_space<vmem>>
    %dma_wait3A_108 = tpu.memref_squeeze %dma_wait3A_107 : memref<1x128xi32, #tpu.memory_space<vmem>> -> memref<128xi32, #tpu.memory_space<vmem>>
    %dma_wait3A_109 = arith.constant 0 : i32
    %dma_wait3A_110 = arith.constant 0 : i32
    %dma_wait3A_111 = tpu.memref_slice %arg19[%dma_wait3A_109, %dma_wait3A_110] : memref<10112x16xf32, #tpu.memory_space<vmem_shared>> -> memref<10112x16xf32, #tpu.memory_space<vmem_shared>>
    tpu.wait_indirect_dma semaphore(%arg31 : memref<!tpu.dma_semaphore, #tpu.memory_space<semaphore_mem>>) src(%arg23 : memref<128x16xf32, #tpu.memory_space<vmem>>) dst(%dma_wait3A_111 : memref<10112x16xf32, #tpu.memory_space<vmem_shared>>)
    %barrier3A_112 = arith.constant 0 : index
    tpu.barrier barrier_id(%barrier3A_112)
    %get3A = arith.constant 0 : i32
    %get3A_113 = arith.index_cast %get3A : i32 to index
    %get3A_114 = arith.constant 0 : index
    %get3A_115 = tpu.vector_load %arg18[%get3A_113, %get3A_114] {strides = array<i32>} : memref<1x16xf32, #tpu.memory_space<vmem>>, vector<16xf32>,
    "tpu.region"() ({
      %run_scoped3A = tpu.sem_alloc : memref<!tpu.dma_semaphore, #tpu.memory_space<semaphore_mem>>
      %dma_start3A_206 = arith.constant 0 : i32
      %dma_start3A_207 = tpu.memref_slice %arg19[%mul3A_0, %dma_start3A_206] : memref<10112x16xf32, #tpu.memory_space<vmem_shared>> -> memref<632x16xf32, #tpu.memory_space<vmem_shared>>
      %dma_start3A_208 = arith.constant 0 : i32
      %dma_start3A_209 = tpu.memref_slice %arg19[%mul3A_0, %dma_start3A_208] : memref<10112x16xf32, #tpu.memory_space<vmem_shared>> -> memref<632x16xf32, #tpu.memory_space<vmem_shared>>
      tpu.enqueue_dma source(%dma_start3A_209 : memref<632x16xf32, #tpu.memory_space<vmem_shared>>) target(%arg17 : memref<632x16xf32, #tpu.memory_space<vmem>>) target_semaphore(%run_scoped3A : memref<!tpu.dma_semaphore, #tpu.memory_space<semaphore_mem>>)
      %dma_wait3A_210 = arith.constant 0 : i32
      %dma_wait3A_211 = tpu.memref_slice %arg19[%mul3A_0, %dma_wait3A_210] : memref<10112x16xf32, #tpu.memory_space<vmem_shared>> -> memref<632x16xf32, #tpu.memory_space<vmem_shared>>
      %dma_wait3A_212 = arith.constant 0 : i32
      %dma_wait3A_213 = tpu.memref_slice %arg19[%mul3A_0, %dma_wait3A_212] : memref<10112x16xf32, #tpu.memory_space<vmem_shared>> -> memref<632x16xf32, #tpu.memory_space<vmem_shared>>
      tpu.wait_dma2 semaphore(%run_scoped3A : memref<!tpu.dma_semaphore, #tpu.memory_space<semaphore_mem>>) src(%dma_wait3A_213 : memref<632x16xf32, #tpu.memory_space<vmem_shared>>) dst(%arg17 : memref<632x16xf32, #tpu.memory_space<vmem>>)
      tpu.yield
    }) : () -> ()
    %scan3A_116 = arith.constant 0 : i32
    %scan3A_117 = arith.constant 0 : i32
    %scan3A_118 = arith.constant 632 : i32
    %scan3A_119 = arith.addi %scan3A_117, %scan3A_118 : i32
    %scan3A_120 = arith.constant 1 : i32
    scf.for %scan3A_206 = %scan3A_117 to %scan3A_119 step %scan3A_120  : i32 {
      %get3A_207 = arith.index_cast %scan3A_206 : i32 to index
      %get3A_208 = arith.constant 0 : index
      %get3A_209 = tpu.vector_load %arg15[%get3A_207, %get3A_208] {strides = array<i32>} : memref<632x16xf32, #tpu.memory_space<vmem>>, vector<16xf32>,
      %get3A_210 = arith.index_cast %scan3A_206 : i32 to index
      %get3A_211 = arith.constant 0 : index
      %get3A_212 = tpu.vector_load %arg17[%get3A_210, %get3A_211] {strides = array<i32>} : memref<632x16xf32, #tpu.memory_space<vmem>>, vector<16xf32>,
      %get3A_213 = arith.index_cast %scan3A_206 : i32 to index
      %get3A_214 = arith.constant 0 : index
      %get3A_215 = tpu.vector_load %arg16[%get3A_213, %get3A_214] {strides = array<i32>} : memref<632x16xf32, #tpu.memory_space<vmem>>, vector<16xf32>,
      %add3A = arith.addf %get3A_212, %get3A_215 : vector<16xf32>
      %mul3A_216 = arith.mulf %get3A_209, %add3A : vector<16xf32>
      %add3A_217 = arith.addf %mul3A_216, %get3A_115 : vector<16xf32>
      %mul3A_218 = arith.constant 2.000000e+00 : f32
      %mul3A_219 = vector.broadcast %mul3A_218 : f32 to vector<16xf32>
      %mul3A_220 = arith.mulf %mul3A_219, %add3A_217 : vector<16xf32>
      %exp3A = math.exp %mul3A_220 : vector<16xf32>
      %add3A_221 = arith.constant 1.000000e+00 : f32
      %add3A_222 = vector.broadcast %add3A_221 : f32 to vector<16xf32>
      %add3A_223 = arith.addf %exp3A, %add3A_222 : vector<16xf32>
      %div3A = arith.constant 2.000000e+00 : f32
      %div3A_224 = vector.broadcast %div3A : f32 to vector<16xf32>
      %div3A_225 = arith.divf %div3A_224, %add3A_223 : vector<16xf32>
      %sub3A = arith.constant 1.000000e+00 : f32
      %sub3A_226 = vector.broadcast %sub3A : f32 to vector<16xf32>
      %sub3A_227 = arith.subf %sub3A_226, %div3A_225 : vector<16xf32>
      %mul3A_228 = arith.mulf %get3A_209, %sub3A_227 : vector<16xf32>
      %swap3A = arith.index_cast %scan3A_206 : i32 to index
      %swap3A_229 = arith.constant 0 : index
      %swap3A_230 = tpu.vector_load %arg17[%swap3A, %swap3A_229] {strides = array<i32>} : memref<632x16xf32, #tpu.memory_space<vmem>>, vector<16xf32>,
      tpu.vector_store %arg17[%swap3A, %swap3A_229], %mul3A_228 {strides = array<i32>} : memref<632x16xf32, #tpu.memory_space<vmem>>, vector<16xf32>,
    }
    %scan3A_121 = arith.constant 632 : i32
    "tpu.region"() ({
      %run_scoped3A = tpu.sem_alloc : memref<!tpu.dma_semaphore, #tpu.memory_space<semaphore_mem>>
      %dma_start3A_206 = arith.constant 0 : i32
      %dma_start3A_207 = tpu.memref_slice %arg9[%arg0, %mul3A_0, %dma_start3A_206] : memref<2x10112x16xf32, #tpu.memory_space<hbm>> -> memref<1x632x16xf32, #tpu.memory_space<hbm>>
      %dma_start3A_208 = tpu.memref_squeeze %dma_start3A_207 : memref<1x632x16xf32, #tpu.memory_space<hbm>> -> memref<632x16xf32, #tpu.memory_space<hbm>>
      %dma_start3A_209 = arith.constant 0 : i32
      %dma_start3A_210 = tpu.memref_slice %arg9[%arg0, %mul3A_0, %dma_start3A_209] : memref<2x10112x16xf32, #tpu.memory_space<hbm>> -> memref<1x632x16xf32, #tpu.memory_space<hbm>>
      %dma_start3A_211 = tpu.memref_squeeze %dma_start3A_210 : memref<1x632x16xf32, #tpu.memory_space<hbm>> -> memref<632x16xf32, #tpu.memory_space<hbm>>
      tpu.enqueue_dma source(%arg17 : memref<632x16xf32, #tpu.memory_space<vmem>>) target(%dma_start3A_211 : memref<632x16xf32, #tpu.memory_space<hbm>>) target_semaphore(%run_scoped3A : memref<!tpu.dma_semaphore, #tpu.memory_space<semaphore_mem>>)
      %dma_wait3A_212 = arith.constant 0 : i32
      %dma_wait3A_213 = tpu.memref_slice %arg9[%arg0, %mul3A_0, %dma_wait3A_212] : memref<2x10112x16xf32, #tpu.memory_space<hbm>> -> memref<1x632x16xf32, #tpu.memory_space<hbm>>
      %dma_wait3A_214 = tpu.memref_squeeze %dma_wait3A_213 : memref<1x632x16xf32, #tpu.memory_space<hbm>> -> memref<632x16xf32, #tpu.memory_space<hbm>>
      %dma_wait3A_215 = arith.constant 0 : i32
      %dma_wait3A_216 = tpu.memref_slice %arg9[%arg0, %mul3A_0, %dma_wait3A_215] : memref<2x10112x16xf32, #tpu.memory_space<hbm>> -> memref<1x632x16xf32, #tpu.memory_space<hbm>>
      %dma_wait3A_217 = tpu.memref_squeeze %dma_wait3A_216 : memref<1x632x16xf32, #tpu.memory_space<hbm>> -> memref<632x16xf32, #tpu.memory_space<hbm>>
      tpu.wait_dma2 semaphore(%run_scoped3A : memref<!tpu.dma_semaphore, #tpu.memory_space<semaphore_mem>>) src(%arg17 : memref<632x16xf32, #tpu.memory_space<vmem>>) dst(%dma_wait3A_217 : memref<632x16xf32, #tpu.memory_space<hbm>>)
      tpu.yield
    }) : () -> ()
    %mul3A_122 = arith.constant 632 : i32
    %mul3A_123 = arith.muli %arg1, %mul3A_122 : i32
    %mul3A_124 = arith.constant 632 : i32
    %mul3A_125 = arith.muli %arg1, %mul3A_124 : i32
    "tpu.region"() ({
      %run_scoped3A = tpu.sem_alloc : memref<!tpu.dma_semaphore, #tpu.memory_space<semaphore_mem>>
      %dma_start3A_206 = arith.constant 0 : i32
      %dma_start3A_207 = tpu.memref_slice %arg19[%mul3A_125, %dma_start3A_206] : memref<10112x16xf32, #tpu.memory_space<vmem_shared>> -> memref<632x16xf32, #tpu.memory_space<vmem_shared>>
      %dma_start3A_208 = arith.constant 0 : i32
      %dma_start3A_209 = tpu.memref_slice %arg6[%mul3A_123, %dma_start3A_208] : memref<10112x16xf32, #tpu.memory_space<hbm>> -> memref<632x16xf32, #tpu.memory_space<hbm>>
      tpu.enqueue_dma source(%dma_start3A_209 : memref<632x16xf32, #tpu.memory_space<hbm>>) target(%dma_start3A_207 : memref<632x16xf32, #tpu.memory_space<vmem_shared>>) target_semaphore(%run_scoped3A : memref<!tpu.dma_semaphore, #tpu.memory_space<semaphore_mem>>)
      %dma_wait3A_210 = arith.constant 0 : i32
      %dma_wait3A_211 = tpu.memref_slice %arg19[%mul3A_125, %dma_wait3A_210] : memref<10112x16xf32, #tpu.memory_space<vmem_shared>> -> memref<632x16xf32, #tpu.memory_space<vmem_shared>>
      %dma_wait3A_212 = arith.constant 0 : i32
      %dma_wait3A_213 = tpu.memref_slice %arg6[%mul3A_123, %dma_wait3A_212] : memref<10112x16xf32, #tpu.memory_space<hbm>> -> memref<632x16xf32, #tpu.memory_space<hbm>>
      tpu.wait_dma2 semaphore(%run_scoped3A : memref<!tpu.dma_semaphore, #tpu.memory_space<semaphore_mem>>) src(%dma_wait3A_213 : memref<632x16xf32, #tpu.memory_space<hbm>>) dst(%dma_wait3A_211 : memref<632x16xf32, #tpu.memory_space<vmem_shared>>)
      tpu.yield
    }) : () -> ()
    %barrier3A_126 = arith.constant 0 : index
    tpu.barrier barrier_id(%barrier3A_126)
    %dma_start3A_127 = arith.constant 0 : i32
    %dma_start3A_128 = arith.constant 0 : i32
    %dma_start3A_129 = tpu.memref_slice %arg12[%dma_start3A_127, %dma_start3A_128] : memref<160x128xi32, #tpu.memory_space<vmem>> -> memref<1x128xi32, #tpu.memory_space<vmem>>
    %dma_start3A_130 = tpu.memref_squeeze %dma_start3A_129 : memref<1x128xi32, #tpu.memory_space<vmem>> -> memref<128xi32, #tpu.memory_space<vmem>>
    %dma_start3A_131 = arith.constant 0 : i32
    %dma_start3A_132 = arith.constant 0 : i32
    %dma_start3A_133 = tpu.memref_slice %arg9[%arg0, %dma_start3A_131, %dma_start3A_132] : memref<2x10112x16xf32, #tpu.memory_space<hbm>> -> memref<1x10112x16xf32, #tpu.memory_space<hbm>>
    %dma_start3A_134 = tpu.memref_squeeze %dma_start3A_133 : memref<1x10112x16xf32, #tpu.memory_space<hbm>> -> memref<10112x16xf32, #tpu.memory_space<hbm>>
    %dma_start3A_135 = arith.constant 0 : i32
    %dma_start3A_136 = arith.constant 0 : i32
    %dma_start3A_137 = tpu.memref_slice %dma_start3A_134[%dma_start3A_135, %dma_start3A_136] : memref<10112x16xf32, #tpu.memory_space<hbm>> -> memref<10112x16xf32, #tpu.memory_space<hbm>>
    tpu.enqueue_indirect_dma source(%dma_start3A_137 : memref<10112x16xf32, #tpu.memory_space<hbm>>) target(%arg20 : memref<128x16xf32, #tpu.memory_space<vmem>>) offsets(%dma_start3A_130 : memref<128xi32, #tpu.memory_space<vmem>>) semaphore(%arg24 : memref<!tpu.dma_semaphore, #tpu.memory_space<semaphore_mem>>)
    %dma_start3A_138 = arith.constant 1 : i32
    %dma_start3A_139 = arith.constant 0 : i32
    %dma_start3A_140 = tpu.memref_slice %arg12[%dma_start3A_138, %dma_start3A_139] : memref<160x128xi32, #tpu.memory_space<vmem>> -> memref<1x128xi32, #tpu.memory_space<vmem>>
    %dma_start3A_141 = tpu.memref_squeeze %dma_start3A_140 : memref<1x128xi32, #tpu.memory_space<vmem>> -> memref<128xi32, #tpu.memory_space<vmem>>
    %dma_start3A_142 = arith.constant 0 : i32
    %dma_start3A_143 = arith.constant 0 : i32
    %dma_start3A_144 = tpu.memref_slice %arg9[%arg0, %dma_start3A_142, %dma_start3A_143] : memref<2x10112x16xf32, #tpu.memory_space<hbm>> -> memref<1x10112x16xf32, #tpu.memory_space<hbm>>
    %dma_start3A_145 = tpu.memref_squeeze %dma_start3A_144 : memref<1x10112x16xf32, #tpu.memory_space<hbm>> -> memref<10112x16xf32, #tpu.memory_space<hbm>>
    %dma_start3A_146 = arith.constant 0 : i32
    %dma_start3A_147 = arith.constant 0 : i32
    %dma_start3A_148 = tpu.memref_slice %dma_start3A_145[%dma_start3A_146, %dma_start3A_147] : memref<10112x16xf32, #tpu.memory_space<hbm>> -> memref<10112x16xf32, #tpu.memory_space<hbm>>
    tpu.enqueue_indirect_dma source(%dma_start3A_148 : memref<10112x16xf32, #tpu.memory_space<hbm>>) target(%arg21 : memref<128x16xf32, #tpu.memory_space<vmem>>) offsets(%dma_start3A_141 : memref<128xi32, #tpu.memory_space<vmem>>) semaphore(%arg25 : memref<!tpu.dma_semaphore, #tpu.memory_space<semaphore_mem>>)
    %dma_start3A_149 = arith.constant 2 : i32
    %dma_start3A_150 = arith.constant 0 : i32
    %dma_start3A_151 = tpu.memref_slice %arg12[%dma_start3A_149, %dma_start3A_150] : memref<160x128xi32, #tpu.memory_space<vmem>> -> memref<1x128xi32, #tpu.memory_space<vmem>>
    %dma_start3A_152 = tpu.memref_squeeze %dma_start3A_151 : memref<1x128xi32, #tpu.memory_space<vmem>> -> memref<128xi32, #tpu.memory_space<vmem>>
    %dma_start3A_153 = arith.constant 0 : i32
    %dma_start3A_154 = arith.constant 0 : i32
    %dma_start3A_155 = tpu.memref_slice %arg9[%arg0, %dma_start3A_153, %dma_start3A_154] : memref<2x10112x16xf32, #tpu.memory_space<hbm>> -> memref<1x10112x16xf32, #tpu.memory_space<hbm>>
    %dma_start3A_156 = tpu.memref_squeeze %dma_start3A_155 : memref<1x10112x16xf32, #tpu.memory_space<hbm>> -> memref<10112x16xf32, #tpu.memory_space<hbm>>
    %dma_start3A_157 = arith.constant 0 : i32
    %dma_start3A_158 = arith.constant 0 : i32
    %dma_start3A_159 = tpu.memref_slice %dma_start3A_156[%dma_start3A_157, %dma_start3A_158] : memref<10112x16xf32, #tpu.memory_space<hbm>> -> memref<10112x16xf32, #tpu.memory_space<hbm>>
    tpu.enqueue_indirect_dma source(%dma_start3A_159 : memref<10112x16xf32, #tpu.memory_space<hbm>>) target(%arg22 : memref<128x16xf32, #tpu.memory_space<vmem>>) offsets(%dma_start3A_152 : memref<128xi32, #tpu.memory_space<vmem>>) semaphore(%arg26 : memref<!tpu.dma_semaphore, #tpu.memory_space<semaphore_mem>>)
    %dma_start3A_160 = arith.constant 3 : i32
    %dma_start3A_161 = arith.constant 0 : i32
    %dma_start3A_162 = tpu.memref_slice %arg12[%dma_start3A_160, %dma_start3A_161] : memref<160x128xi32, #tpu.memory_space<vmem>> -> memref<1x128xi32, #tpu.memory_space<vmem>>
    %dma_start3A_163 = tpu.memref_squeeze %dma_start3A_162 : memref<1x128xi32, #tpu.memory_space<vmem>> -> memref<128xi32, #tpu.memory_space<vmem>>
    %dma_start3A_164 = arith.constant 0 : i32
    %dma_start3A_165 = arith.constant 0 : i32
    %dma_start3A_166 = tpu.memref_slice %arg9[%arg0, %dma_start3A_164, %dma_start3A_165] : memref<2x10112x16xf32, #tpu.memory_space<hbm>> -> memref<1x10112x16xf32, #tpu.memory_space<hbm>>
    %dma_start3A_167 = tpu.memref_squeeze %dma_start3A_166 : memref<1x10112x16xf32, #tpu.memory_space<hbm>> -> memref<10112x16xf32, #tpu.memory_space<hbm>>
    %dma_start3A_168 = arith.constant 0 : i32
    %dma_start3A_169 = arith.constant 0 : i32
    %dma_start3A_170 = tpu.memref_slice %dma_start3A_167[%dma_start3A_168, %dma_start3A_169] : memref<10112x16xf32, #tpu.memory_space<hbm>> -> memref<10112x16xf32, #tpu.memory_space<hbm>>
    tpu.enqueue_indirect_dma source(%dma_start3A_170 : memref<10112x16xf32, #tpu.memory_space<hbm>>) target(%arg23 : memref<128x16xf32, #tpu.memory_space<vmem>>) offsets(%dma_start3A_163 : memref<128xi32, #tpu.memory_space<vmem>>) semaphore(%arg27 : memref<!tpu.dma_semaphore, #tpu.memory_space<semaphore_mem>>)
    %scan3A_171 = arith.constant 0 : i32
    %scan3A_172 = arith.constant 0 : i32
    %scan3A_173 = arith.constant 40 : i32
    %scan3A_174 = arith.addi %scan3A_172, %scan3A_173 : i32
    %scan3A_175 = arith.constant 1 : i32
    scf.for %scan3A_206 = %scan3A_172 to %scan3A_174 step %scan3A_175  : i32 {
      %mul3A_207 = arith.constant 4 : i32
      %mul3A_208 = arith.muli %scan3A_206, %mul3A_207 : i32
      %add3A = arith.constant 0 : i32
      %add3A_209 = arith.addi %mul3A_208, %add3A : i32
      %dma_wait3A_210 = arith.constant 0 : i32
      %dma_wait3A_211 = tpu.memref_slice %arg12[%add3A_209, %dma_wait3A_210] : memref<160x128xi32, #tpu.memory_space<vmem>> -> memref<1x128xi32, #tpu.memory_space<vmem>>
      %dma_wait3A_212 = tpu.memref_squeeze %dma_wait3A_211 : memref<1x128xi32, #tpu.memory_space<vmem>> -> memref<128xi32, #tpu.memory_space<vmem>>
      %dma_wait3A_213 = arith.constant 0 : i32
      %dma_wait3A_214 = arith.constant 0 : i32
      %dma_wait3A_215 = tpu.memref_slice %arg9[%arg0, %dma_wait3A_213, %dma_wait3A_214] : memref<2x10112x16xf32, #tpu.memory_space<hbm>> -> memref<1x10112x16xf32, #tpu.memory_space<hbm>>
      %dma_wait3A_216 = tpu.memref_squeeze %dma_wait3A_215 : memref<1x10112x16xf32, #tpu.memory_space<hbm>> -> memref<10112x16xf32, #tpu.memory_space<hbm>>
      %dma_wait3A_217 = arith.constant 0 : i32
      %dma_wait3A_218 = arith.constant 0 : i32
      %dma_wait3A_219 = tpu.memref_slice %dma_wait3A_216[%dma_wait3A_217, %dma_wait3A_218] : memref<10112x16xf32, #tpu.memory_space<hbm>> -> memref<10112x16xf32, #tpu.memory_space<hbm>>
      tpu.wait_indirect_dma semaphore(%arg24 : memref<!tpu.dma_semaphore, #tpu.memory_space<semaphore_mem>>) src(%dma_wait3A_219 : memref<10112x16xf32, #tpu.memory_space<hbm>>) dst(%arg20 : memref<128x16xf32, #tpu.memory_space<vmem>>)
      %add3A_220 = arith.constant 0 : i32
      %add3A_221 = arith.addi %mul3A_208, %add3A_220 : i32
      %dma_start3A_222 = arith.constant 0 : i32
      %dma_start3A_223 = tpu.memref_slice %arg13[%add3A_221, %dma_start3A_222] : memref<160x128xi32, #tpu.memory_space<vmem>> -> memref<1x128xi32, #tpu.memory_space<vmem>>
      %dma_start3A_224 = tpu.memref_squeeze %dma_start3A_223 : memref<1x128xi32, #tpu.memory_space<vmem>> -> memref<128xi32, #tpu.memory_space<vmem>>
      %dma_start3A_225 = arith.constant 0 : i32
      %dma_start3A_226 = arith.constant 0 : i32
      %dma_start3A_227 = tpu.memref_slice %arg19[%dma_start3A_225, %dma_start3A_226] : memref<10112x16xf32, #tpu.memory_space<vmem_shared>> -> memref<10112x16xf32, #tpu.memory_space<vmem_shared>>
      tpu.enqueue_indirect_dma source(%arg20 : memref<128x16xf32, #tpu.memory_space<vmem>>) target(%dma_start3A_227 : memref<10112x16xf32, #tpu.memory_space<vmem_shared>>) offsets(%dma_start3A_224 : memref<128xi32, #tpu.memory_space<vmem>>) semaphore(%arg28 : memref<!tpu.dma_semaphore, #tpu.memory_space<semaphore_mem>>) {add = true}
      %add3A_228 = arith.constant 1 : i32
      %add3A_229 = arith.addi %mul3A_208, %add3A_228 : i32
      %dma_wait3A_230 = arith.constant 0 : i32
      %dma_wait3A_231 = tpu.memref_slice %arg12[%add3A_229, %dma_wait3A_230] : memref<160x128xi32, #tpu.memory_space<vmem>> -> memref<1x128xi32, #tpu.memory_space<vmem>>
      %dma_wait3A_232 = tpu.memref_squeeze %dma_wait3A_231 : memref<1x128xi32, #tpu.memory_space<vmem>> -> memref<128xi32, #tpu.memory_space<vmem>>
      %dma_wait3A_233 = arith.constant 0 : i32
      %dma_wait3A_234 = arith.constant 0 : i32
      %dma_wait3A_235 = tpu.memref_slice %arg9[%arg0, %dma_wait3A_233, %dma_wait3A_234] : memref<2x10112x16xf32, #tpu.memory_space<hbm>> -> memref<1x10112x16xf32, #tpu.memory_space<hbm>>
      %dma_wait3A_236 = tpu.memref_squeeze %dma_wait3A_235 : memref<1x10112x16xf32, #tpu.memory_space<hbm>> -> memref<10112x16xf32, #tpu.memory_space<hbm>>
      %dma_wait3A_237 = arith.constant 0 : i32
      %dma_wait3A_238 = arith.constant 0 : i32
      %dma_wait3A_239 = tpu.memref_slice %dma_wait3A_236[%dma_wait3A_237, %dma_wait3A_238] : memref<10112x16xf32, #tpu.memory_space<hbm>> -> memref<10112x16xf32, #tpu.memory_space<hbm>>
      tpu.wait_indirect_dma semaphore(%arg25 : memref<!tpu.dma_semaphore, #tpu.memory_space<semaphore_mem>>) src(%dma_wait3A_239 : memref<10112x16xf32, #tpu.memory_space<hbm>>) dst(%arg21 : memref<128x16xf32, #tpu.memory_space<vmem>>)
      %add3A_240 = arith.constant 1 : i32
      %add3A_241 = arith.addi %mul3A_208, %add3A_240 : i32
      %dma_start3A_242 = arith.constant 0 : i32
      %dma_start3A_243 = tpu.memref_slice %arg13[%add3A_241, %dma_start3A_242] : memref<160x128xi32, #tpu.memory_space<vmem>> -> memref<1x128xi32, #tpu.memory_space<vmem>>
      %dma_start3A_244 = tpu.memref_squeeze %dma_start3A_243 : memref<1x128xi32, #tpu.memory_space<vmem>> -> memref<128xi32, #tpu.memory_space<vmem>>
      %dma_start3A_245 = arith.constant 0 : i32
      %dma_start3A_246 = arith.constant 0 : i32
      %dma_start3A_247 = tpu.memref_slice %arg19[%dma_start3A_245, %dma_start3A_246] : memref<10112x16xf32, #tpu.memory_space<vmem_shared>> -> memref<10112x16xf32, #tpu.memory_space<vmem_shared>>
      tpu.enqueue_indirect_dma source(%arg21 : memref<128x16xf32, #tpu.memory_space<vmem>>) target(%dma_start3A_247 : memref<10112x16xf32, #tpu.memory_space<vmem_shared>>) offsets(%dma_start3A_244 : memref<128xi32, #tpu.memory_space<vmem>>) semaphore(%arg29 : memref<!tpu.dma_semaphore, #tpu.memory_space<semaphore_mem>>) {add = true}
      %add3A_248 = arith.constant 2 : i32
      %add3A_249 = arith.addi %mul3A_208, %add3A_248 : i32
      %dma_wait3A_250 = arith.constant 0 : i32
      %dma_wait3A_251 = tpu.memref_slice %arg12[%add3A_249, %dma_wait3A_250] : memref<160x128xi32, #tpu.memory_space<vmem>> -> memref<1x128xi32, #tpu.memory_space<vmem>>
      %dma_wait3A_252 = tpu.memref_squeeze %dma_wait3A_251 : memref<1x128xi32, #tpu.memory_space<vmem>> -> memref<128xi32, #tpu.memory_space<vmem>>
      %dma_wait3A_253 = arith.constant 0 : i32
      %dma_wait3A_254 = arith.constant 0 : i32
      %dma_wait3A_255 = tpu.memref_slice %arg9[%arg0, %dma_wait3A_253, %dma_wait3A_254] : memref<2x10112x16xf32, #tpu.memory_space<hbm>> -> memref<1x10112x16xf32, #tpu.memory_space<hbm>>
      %dma_wait3A_256 = tpu.memref_squeeze %dma_wait3A_255 : memref<1x10112x16xf32, #tpu.memory_space<hbm>> -> memref<10112x16xf32, #tpu.memory_space<hbm>>
      %dma_wait3A_257 = arith.constant 0 : i32
      %dma_wait3A_258 = arith.constant 0 : i32
      %dma_wait3A_259 = tpu.memref_slice %dma_wait3A_256[%dma_wait3A_257, %dma_wait3A_258] : memref<10112x16xf32, #tpu.memory_space<hbm>> -> memref<10112x16xf32, #tpu.memory_space<hbm>>
      tpu.wait_indirect_dma semaphore(%arg26 : memref<!tpu.dma_semaphore, #tpu.memory_space<semaphore_mem>>) src(%dma_wait3A_259 : memref<10112x16xf32, #tpu.memory_space<hbm>>) dst(%arg22 : memref<128x16xf32, #tpu.memory_space<vmem>>)
      %add3A_260 = arith.constant 2 : i32
      %add3A_261 = arith.addi %mul3A_208, %add3A_260 : i32
      %dma_start3A_262 = arith.constant 0 : i32
      %dma_start3A_263 = tpu.memref_slice %arg13[%add3A_261, %dma_start3A_262] : memref<160x128xi32, #tpu.memory_space<vmem>> -> memref<1x128xi32, #tpu.memory_space<vmem>>
      %dma_start3A_264 = tpu.memref_squeeze %dma_start3A_263 : memref<1x128xi32, #tpu.memory_space<vmem>> -> memref<128xi32, #tpu.memory_space<vmem>>
      %dma_start3A_265 = arith.constant 0 : i32
      %dma_start3A_266 = arith.constant 0 : i32
      %dma_start3A_267 = tpu.memref_slice %arg19[%dma_start3A_265, %dma_start3A_266] : memref<10112x16xf32, #tpu.memory_space<vmem_shared>> -> memref<10112x16xf32, #tpu.memory_space<vmem_shared>>
      tpu.enqueue_indirect_dma source(%arg22 : memref<128x16xf32, #tpu.memory_space<vmem>>) target(%dma_start3A_267 : memref<10112x16xf32, #tpu.memory_space<vmem_shared>>) offsets(%dma_start3A_264 : memref<128xi32, #tpu.memory_space<vmem>>) semaphore(%arg30 : memref<!tpu.dma_semaphore, #tpu.memory_space<semaphore_mem>>) {add = true}
      %add3A_268 = arith.constant 3 : i32
      %add3A_269 = arith.addi %mul3A_208, %add3A_268 : i32
      %dma_wait3A_270 = arith.constant 0 : i32
      %dma_wait3A_271 = tpu.memref_slice %arg12[%add3A_269, %dma_wait3A_270] : memref<160x128xi32, #tpu.memory_space<vmem>> -> memref<1x128xi32, #tpu.memory_space<vmem>>
      %dma_wait3A_272 = tpu.memref_squeeze %dma_wait3A_271 : memref<1x128xi32, #tpu.memory_space<vmem>> -> memref<128xi32, #tpu.memory_space<vmem>>
      %dma_wait3A_273 = arith.constant 0 : i32
      %dma_wait3A_274 = arith.constant 0 : i32
      %dma_wait3A_275 = tpu.memref_slice %arg9[%arg0, %dma_wait3A_273, %dma_wait3A_274] : memref<2x10112x16xf32, #tpu.memory_space<hbm>> -> memref<1x10112x16xf32, #tpu.memory_space<hbm>>
      %dma_wait3A_276 = tpu.memref_squeeze %dma_wait3A_275 : memref<1x10112x16xf32, #tpu.memory_space<hbm>> -> memref<10112x16xf32, #tpu.memory_space<hbm>>
      %dma_wait3A_277 = arith.constant 0 : i32
      %dma_wait3A_278 = arith.constant 0 : i32
      %dma_wait3A_279 = tpu.memref_slice %dma_wait3A_276[%dma_wait3A_277, %dma_wait3A_278] : memref<10112x16xf32, #tpu.memory_space<hbm>> -> memref<10112x16xf32, #tpu.memory_space<hbm>>
      tpu.wait_indirect_dma semaphore(%arg27 : memref<!tpu.dma_semaphore, #tpu.memory_space<semaphore_mem>>) src(%dma_wait3A_279 : memref<10112x16xf32, #tpu.memory_space<hbm>>) dst(%arg23 : memref<128x16xf32, #tpu.memory_space<vmem>>)
      %add3A_280 = arith.constant 3 : i32
      %add3A_281 = arith.addi %mul3A_208, %add3A_280 : i32
      %dma_start3A_282 = arith.constant 0 : i32
      %dma_start3A_283 = tpu.memref_slice %arg13[%add3A_281, %dma_start3A_282] : memref<160x128xi32, #tpu.memory_space<vmem>> -> memref<1x128xi32, #tpu.memory_space<vmem>>
      %dma_start3A_284 = tpu.memref_squeeze %dma_start3A_283 : memref<1x128xi32, #tpu.memory_space<vmem>> -> memref<128xi32, #tpu.memory_space<vmem>>
      %dma_start3A_285 = arith.constant 0 : i32
      %dma_start3A_286 = arith.constant 0 : i32
      %dma_start3A_287 = tpu.memref_slice %arg19[%dma_start3A_285, %dma_start3A_286] : memref<10112x16xf32, #tpu.memory_space<vmem_shared>> -> memref<10112x16xf32, #tpu.memory_space<vmem_shared>>
      tpu.enqueue_indirect_dma source(%arg23 : memref<128x16xf32, #tpu.memory_space<vmem>>) target(%dma_start3A_287 : memref<10112x16xf32, #tpu.memory_space<vmem_shared>>) offsets(%dma_start3A_284 : memref<128xi32, #tpu.memory_space<vmem>>) semaphore(%arg31 : memref<!tpu.dma_semaphore, #tpu.memory_space<semaphore_mem>>) {add = true}
      %lt3A = arith.constant 39 : i32
      %lt3A_288 = arith.cmpi slt, %scan3A_206, %lt3A : i32
      %convert_element_type3A_289 = arith.extui %lt3A_288 : i1 to i32
      %cond3A_290 = arith.constant 0 : i32
      %cond3A_291 = arith.cmpi ne, %convert_element_type3A_289, %cond3A_290 : i32
      scf.if %cond3A_291 {
        %add3A_307 = arith.constant 0 : i32
        %add3A_308 = arith.addi %mul3A_208, %add3A_307 : i32
        %dma_wait3A_309 = arith.constant 0 : i32
        %dma_wait3A_310 = tpu.memref_slice %arg13[%add3A_308, %dma_wait3A_309] : memref<160x128xi32, #tpu.memory_space<vmem>> -> memref<1x128xi32, #tpu.memory_space<vmem>>
        %dma_wait3A_311 = tpu.memref_squeeze %dma_wait3A_310 : memref<1x128xi32, #tpu.memory_space<vmem>> -> memref<128xi32, #tpu.memory_space<vmem>>
        %dma_wait3A_312 = arith.constant 0 : i32
        %dma_wait3A_313 = arith.constant 0 : i32
        %dma_wait3A_314 = tpu.memref_slice %arg19[%dma_wait3A_312, %dma_wait3A_313] : memref<10112x16xf32, #tpu.memory_space<vmem_shared>> -> memref<10112x16xf32, #tpu.memory_space<vmem_shared>>
        tpu.wait_indirect_dma semaphore(%arg28 : memref<!tpu.dma_semaphore, #tpu.memory_space<semaphore_mem>>) src(%arg20 : memref<128x16xf32, #tpu.memory_space<vmem>>) dst(%dma_wait3A_314 : memref<10112x16xf32, #tpu.memory_space<vmem_shared>>)
        %add3A_315 = arith.constant 4 : i32
        %add3A_316 = arith.addi %mul3A_208, %add3A_315 : i32
        %add3A_317 = arith.constant 0 : i32
        %add3A_318 = arith.addi %add3A_316, %add3A_317 : i32
        %dma_start3A_319 = arith.constant 0 : i32
        %dma_start3A_320 = tpu.memref_slice %arg12[%add3A_318, %dma_start3A_319] : memref<160x128xi32, #tpu.memory_space<vmem>> -> memref<1x128xi32, #tpu.memory_space<vmem>>
        %dma_start3A_321 = tpu.memref_squeeze %dma_start3A_320 : memref<1x128xi32, #tpu.memory_space<vmem>> -> memref<128xi32, #tpu.memory_space<vmem>>
        %dma_start3A_322 = arith.constant 0 : i32
        %dma_start3A_323 = arith.constant 0 : i32
        %dma_start3A_324 = tpu.memref_slice %arg9[%arg0, %dma_start3A_322, %dma_start3A_323] : memref<2x10112x16xf32, #tpu.memory_space<hbm>> -> memref<1x10112x16xf32, #tpu.memory_space<hbm>>
        %dma_start3A_325 = tpu.memref_squeeze %dma_start3A_324 : memref<1x10112x16xf32, #tpu.memory_space<hbm>> -> memref<10112x16xf32, #tpu.memory_space<hbm>>
        %dma_start3A_326 = arith.constant 0 : i32
        %dma_start3A_327 = arith.constant 0 : i32
        %dma_start3A_328 = tpu.memref_slice %dma_start3A_325[%dma_start3A_326, %dma_start3A_327] : memref<10112x16xf32, #tpu.memory_space<hbm>> -> memref<10112x16xf32, #tpu.memory_space<hbm>>
        tpu.enqueue_indirect_dma source(%dma_start3A_328 : memref<10112x16xf32, #tpu.memory_space<hbm>>) target(%arg20 : memref<128x16xf32, #tpu.memory_space<vmem>>) offsets(%dma_start3A_321 : memref<128xi32, #tpu.memory_space<vmem>>) semaphore(%arg24 : memref<!tpu.dma_semaphore, #tpu.memory_space<semaphore_mem>>)
      } else {
      }
      %lt3A_292 = arith.constant 39 : i32
      %lt3A_293 = arith.cmpi slt, %scan3A_206, %lt3A_292 : i32
      %convert_element_type3A_294 = arith.extui %lt3A_293 : i1 to i32
      %cond3A_295 = arith.constant 0 : i32
      %cond3A_296 = arith.cmpi ne, %convert_element_type3A_294, %cond3A_295 : i32
      scf.if %cond3A_296 {
        %add3A_307 = arith.constant 1 : i32
        %add3A_308 = arith.addi %mul3A_208, %add3A_307 : i32
        %dma_wait3A_309 = arith.constant 0 : i32
        %dma_wait3A_310 = tpu.memref_slice %arg13[%add3A_308, %dma_wait3A_309] : memref<160x128xi32, #tpu.memory_space<vmem>> -> memref<1x128xi32, #tpu.memory_space<vmem>>
        %dma_wait3A_311 = tpu.memref_squeeze %dma_wait3A_310 : memref<1x128xi32, #tpu.memory_space<vmem>> -> memref<128xi32, #tpu.memory_space<vmem>>
        %dma_wait3A_312 = arith.constant 0 : i32
        %dma_wait3A_313 = arith.constant 0 : i32
        %dma_wait3A_314 = tpu.memref_slice %arg19[%dma_wait3A_312, %dma_wait3A_313] : memref<10112x16xf32, #tpu.memory_space<vmem_shared>> -> memref<10112x16xf32, #tpu.memory_space<vmem_shared>>
        tpu.wait_indirect_dma semaphore(%arg29 : memref<!tpu.dma_semaphore, #tpu.memory_space<semaphore_mem>>) src(%arg21 : memref<128x16xf32, #tpu.memory_space<vmem>>) dst(%dma_wait3A_314 : memref<10112x16xf32, #tpu.memory_space<vmem_shared>>)
        %add3A_315 = arith.constant 4 : i32
        %add3A_316 = arith.addi %mul3A_208, %add3A_315 : i32
        %add3A_317 = arith.constant 1 : i32
        %add3A_318 = arith.addi %add3A_316, %add3A_317 : i32
        %dma_start3A_319 = arith.constant 0 : i32
        %dma_start3A_320 = tpu.memref_slice %arg12[%add3A_318, %dma_start3A_319] : memref<160x128xi32, #tpu.memory_space<vmem>> -> memref<1x128xi32, #tpu.memory_space<vmem>>
        %dma_start3A_321 = tpu.memref_squeeze %dma_start3A_320 : memref<1x128xi32, #tpu.memory_space<vmem>> -> memref<128xi32, #tpu.memory_space<vmem>>
        %dma_start3A_322 = arith.constant 0 : i32
        %dma_start3A_323 = arith.constant 0 : i32
        %dma_start3A_324 = tpu.memref_slice %arg9[%arg0, %dma_start3A_322, %dma_start3A_323] : memref<2x10112x16xf32, #tpu.memory_space<hbm>> -> memref<1x10112x16xf32, #tpu.memory_space<hbm>>
        %dma_start3A_325 = tpu.memref_squeeze %dma_start3A_324 : memref<1x10112x16xf32, #tpu.memory_space<hbm>> -> memref<10112x16xf32, #tpu.memory_space<hbm>>
        %dma_start3A_326 = arith.constant 0 : i32
        %dma_start3A_327 = arith.constant 0 : i32
        %dma_start3A_328 = tpu.memref_slice %dma_start3A_325[%dma_start3A_326, %dma_start3A_327] : memref<10112x16xf32, #tpu.memory_space<hbm>> -> memref<10112x16xf32, #tpu.memory_space<hbm>>
        tpu.enqueue_indirect_dma source(%dma_start3A_328 : memref<10112x16xf32, #tpu.memory_space<hbm>>) target(%arg21 : memref<128x16xf32, #tpu.memory_space<vmem>>) offsets(%dma_start3A_321 : memref<128xi32, #tpu.memory_space<vmem>>) semaphore(%arg25 : memref<!tpu.dma_semaphore, #tpu.memory_space<semaphore_mem>>)
      } else {
      }
      %lt3A_297 = arith.constant 39 : i32
      %lt3A_298 = arith.cmpi slt, %scan3A_206, %lt3A_297 : i32
      %convert_element_type3A_299 = arith.extui %lt3A_298 : i1 to i32
      %cond3A_300 = arith.constant 0 : i32
      %cond3A_301 = arith.cmpi ne, %convert_element_type3A_299, %cond3A_300 : i32
      scf.if %cond3A_301 {
        %add3A_307 = arith.constant 2 : i32
        %add3A_308 = arith.addi %mul3A_208, %add3A_307 : i32
        %dma_wait3A_309 = arith.constant 0 : i32
        %dma_wait3A_310 = tpu.memref_slice %arg13[%add3A_308, %dma_wait3A_309] : memref<160x128xi32, #tpu.memory_space<vmem>> -> memref<1x128xi32, #tpu.memory_space<vmem>>
        %dma_wait3A_311 = tpu.memref_squeeze %dma_wait3A_310 : memref<1x128xi32, #tpu.memory_space<vmem>> -> memref<128xi32, #tpu.memory_space<vmem>>
        %dma_wait3A_312 = arith.constant 0 : i32
        %dma_wait3A_313 = arith.constant 0 : i32
        %dma_wait3A_314 = tpu.memref_slice %arg19[%dma_wait3A_312, %dma_wait3A_313] : memref<10112x16xf32, #tpu.memory_space<vmem_shared>> -> memref<10112x16xf32, #tpu.memory_space<vmem_shared>>
        tpu.wait_indirect_dma semaphore(%arg30 : memref<!tpu.dma_semaphore, #tpu.memory_space<semaphore_mem>>) src(%arg22 : memref<128x16xf32, #tpu.memory_space<vmem>>) dst(%dma_wait3A_314 : memref<10112x16xf32, #tpu.memory_space<vmem_shared>>)
        %add3A_315 = arith.constant 4 : i32
        %add3A_316 = arith.addi %mul3A_208, %add3A_315 : i32
        %add3A_317 = arith.constant 2 : i32
        %add3A_318 = arith.addi %add3A_316, %add3A_317 : i32
        %dma_start3A_319 = arith.constant 0 : i32
        %dma_start3A_320 = tpu.memref_slice %arg12[%add3A_318, %dma_start3A_319] : memref<160x128xi32, #tpu.memory_space<vmem>> -> memref<1x128xi32, #tpu.memory_space<vmem>>
        %dma_start3A_321 = tpu.memref_squeeze %dma_start3A_320 : memref<1x128xi32, #tpu.memory_space<vmem>> -> memref<128xi32, #tpu.memory_space<vmem>>
        %dma_start3A_322 = arith.constant 0 : i32
        %dma_start3A_323 = arith.constant 0 : i32
        %dma_start3A_324 = tpu.memref_slice %arg9[%arg0, %dma_start3A_322, %dma_start3A_323] : memref<2x10112x16xf32, #tpu.memory_space<hbm>> -> memref<1x10112x16xf32, #tpu.memory_space<hbm>>
        %dma_start3A_325 = tpu.memref_squeeze %dma_start3A_324 : memref<1x10112x16xf32, #tpu.memory_space<hbm>> -> memref<10112x16xf32, #tpu.memory_space<hbm>>
        %dma_start3A_326 = arith.constant 0 : i32
        %dma_start3A_327 = arith.constant 0 : i32
        %dma_start3A_328 = tpu.memref_slice %dma_start3A_325[%dma_start3A_326, %dma_start3A_327] : memref<10112x16xf32, #tpu.memory_space<hbm>> -> memref<10112x16xf32, #tpu.memory_space<hbm>>
        tpu.enqueue_indirect_dma source(%dma_start3A_328 : memref<10112x16xf32, #tpu.memory_space<hbm>>) target(%arg22 : memref<128x16xf32, #tpu.memory_space<vmem>>) offsets(%dma_start3A_321 : memref<128xi32, #tpu.memory_space<vmem>>) semaphore(%arg26 : memref<!tpu.dma_semaphore, #tpu.memory_space<semaphore_mem>>)
      } else {
      }
      %lt3A_302 = arith.constant 39 : i32
      %lt3A_303 = arith.cmpi slt, %scan3A_206, %lt3A_302 : i32
      %convert_element_type3A_304 = arith.extui %lt3A_303 : i1 to i32
      %cond3A_305 = arith.constant 0 : i32
      %cond3A_306 = arith.cmpi ne, %convert_element_type3A_304, %cond3A_305 : i32
      scf.if %cond3A_306 {
        %add3A_307 = arith.constant 3 : i32
        %add3A_308 = arith.addi %mul3A_208, %add3A_307 : i32
        %dma_wait3A_309 = arith.constant 0 : i32
        %dma_wait3A_310 = tpu.memref_slice %arg13[%add3A_308, %dma_wait3A_309] : memref<160x128xi32, #tpu.memory_space<vmem>> -> memref<1x128xi32, #tpu.memory_space<vmem>>
        %dma_wait3A_311 = tpu.memref_squeeze %dma_wait3A_310 : memref<1x128xi32, #tpu.memory_space<vmem>> -> memref<128xi32, #tpu.memory_space<vmem>>
        %dma_wait3A_312 = arith.constant 0 : i32
        %dma_wait3A_313 = arith.constant 0 : i32
        %dma_wait3A_314 = tpu.memref_slice %arg19[%dma_wait3A_312, %dma_wait3A_313] : memref<10112x16xf32, #tpu.memory_space<vmem_shared>> -> memref<10112x16xf32, #tpu.memory_space<vmem_shared>>
        tpu.wait_indirect_dma semaphore(%arg31 : memref<!tpu.dma_semaphore, #tpu.memory_space<semaphore_mem>>) src(%arg23 : memref<128x16xf32, #tpu.memory_space<vmem>>) dst(%dma_wait3A_314 : memref<10112x16xf32, #tpu.memory_space<vmem_shared>>)
        %add3A_315 = arith.constant 4 : i32
        %add3A_316 = arith.addi %mul3A_208, %add3A_315 : i32
        %add3A_317 = arith.constant 3 : i32
        %add3A_318 = arith.addi %add3A_316, %add3A_317 : i32
        %dma_start3A_319 = arith.constant 0 : i32
        %dma_start3A_320 = tpu.memref_slice %arg12[%add3A_318, %dma_start3A_319] : memref<160x128xi32, #tpu.memory_space<vmem>> -> memref<1x128xi32, #tpu.memory_space<vmem>>
        %dma_start3A_321 = tpu.memref_squeeze %dma_start3A_320 : memref<1x128xi32, #tpu.memory_space<vmem>> -> memref<128xi32, #tpu.memory_space<vmem>>
        %dma_start3A_322 = arith.constant 0 : i32
        %dma_start3A_323 = arith.constant 0 : i32
        %dma_start3A_324 = tpu.memref_slice %arg9[%arg0, %dma_start3A_322, %dma_start3A_323] : memref<2x10112x16xf32, #tpu.memory_space<hbm>> -> memref<1x10112x16xf32, #tpu.memory_space<hbm>>
        %dma_start3A_325 = tpu.memref_squeeze %dma_start3A_324 : memref<1x10112x16xf32, #tpu.memory_space<hbm>> -> memref<10112x16xf32, #tpu.memory_space<hbm>>
        %dma_start3A_326 = arith.constant 0 : i32
        %dma_start3A_327 = arith.constant 0 : i32
        %dma_start3A_328 = tpu.memref_slice %dma_start3A_325[%dma_start3A_326, %dma_start3A_327] : memref<10112x16xf32, #tpu.memory_space<hbm>> -> memref<10112x16xf32, #tpu.memory_space<hbm>>
        tpu.enqueue_indirect_dma source(%dma_start3A_328 : memref<10112x16xf32, #tpu.memory_space<hbm>>) target(%arg23 : memref<128x16xf32, #tpu.memory_space<vmem>>) offsets(%dma_start3A_321 : memref<128xi32, #tpu.memory_space<vmem>>) semaphore(%arg27 : memref<!tpu.dma_semaphore, #tpu.memory_space<semaphore_mem>>)
      } else {
      }
    }
    %scan3A_176 = arith.constant 40 : i32
    %dma_wait3A_177 = arith.constant 156 : i32
    %dma_wait3A_178 = arith.constant 0 : i32
    %dma_wait3A_179 = tpu.memref_slice %arg13[%dma_wait3A_177, %dma_wait3A_178] : memref<160x128xi32, #tpu.memory_space<vmem>> -> memref<1x128xi32, #tpu.memory_space<vmem>>
    %dma_wait3A_180 = tpu.memref_squeeze %dma_wait3A_179 : memref<1x128xi32, #tpu.memory_space<vmem>> -> memref<128xi32, #tpu.memory_space<vmem>>
    %dma_wait3A_181 = arith.constant 0 : i32
    %dma_wait3A_182 = arith.constant 0 : i32
    %dma_wait3A_183 = tpu.memref_slice %arg19[%dma_wait3A_181, %dma_wait3A_182] : memref<10112x16xf32, #tpu.memory_space<vmem_shared>> -> memref<10112x16xf32, #tpu.memory_space<vmem_shared>>
    tpu.wait_indirect_dma semaphore(%arg28 : memref<!tpu.dma_semaphore, #tpu.memory_space<semaphore_mem>>) src(%arg20 : memref<128x16xf32, #tpu.memory_space<vmem>>) dst(%dma_wait3A_183 : memref<10112x16xf32, #tpu.memory_space<vmem_shared>>)
    %dma_wait3A_184 = arith.constant 157 : i32
    %dma_wait3A_185 = arith.constant 0 : i32
    %dma_wait3A_186 = tpu.memref_slice %arg13[%dma_wait3A_184, %dma_wait3A_185] : memref<160x128xi32, #tpu.memory_space<vmem>> -> memref<1x128xi32, #tpu.memory_space<vmem>>
    %dma_wait3A_187 = tpu.memref_squeeze %dma_wait3A_186 : memref<1x128xi32, #tpu.memory_space<vmem>> -> memref<128xi32, #tpu.memory_space<vmem>>
    %dma_wait3A_188 = arith.constant 0 : i32
    %dma_wait3A_189 = arith.constant 0 : i32
    %dma_wait3A_190 = tpu.memref_slice %arg19[%dma_wait3A_188, %dma_wait3A_189] : memref<10112x16xf32, #tpu.memory_space<vmem_shared>> -> memref<10112x16xf32, #tpu.memory_space<vmem_shared>>
    tpu.wait_indirect_dma semaphore(%arg29 : memref<!tpu.dma_semaphore, #tpu.memory_space<semaphore_mem>>) src(%arg21 : memref<128x16xf32, #tpu.memory_space<vmem>>) dst(%dma_wait3A_190 : memref<10112x16xf32, #tpu.memory_space<vmem_shared>>)
    %dma_wait3A_191 = arith.constant 158 : i32
    %dma_wait3A_192 = arith.constant 0 : i32
    %dma_wait3A_193 = tpu.memref_slice %arg13[%dma_wait3A_191, %dma_wait3A_192] : memref<160x128xi32, #tpu.memory_space<vmem>> -> memref<1x128xi32, #tpu.memory_space<vmem>>
    %dma_wait3A_194 = tpu.memref_squeeze %dma_wait3A_193 : memref<1x128xi32, #tpu.memory_space<vmem>> -> memref<128xi32, #tpu.memory_space<vmem>>
    %dma_wait3A_195 = arith.constant 0 : i32
    %dma_wait3A_196 = arith.constant 0 : i32
    %dma_wait3A_197 = tpu.memref_slice %arg19[%dma_wait3A_195, %dma_wait3A_196] : memref<10112x16xf32, #tpu.memory_space<vmem_shared>> -> memref<10112x16xf32, #tpu.memory_space<vmem_shared>>
    tpu.wait_indirect_dma semaphore(%arg30 : memref<!tpu.dma_semaphore, #tpu.memory_space<semaphore_mem>>) src(%arg22 : memref<128x16xf32, #tpu.memory_space<vmem>>) dst(%dma_wait3A_197 : memref<10112x16xf32, #tpu.memory_space<vmem_shared>>)
    %dma_wait3A_198 = arith.constant 159 : i32
    %dma_wait3A_199 = arith.constant 0 : i32
    %dma_wait3A_200 = tpu.memref_slice %arg13[%dma_wait3A_198, %dma_wait3A_199] : memref<160x128xi32, #tpu.memory_space<vmem>> -> memref<1x128xi32, #tpu.memory_space<vmem>>
    %dma_wait3A_201 = tpu.memref_squeeze %dma_wait3A_200 : memref<1x128xi32, #tpu.memory_space<vmem>> -> memref<128xi32, #tpu.memory_space<vmem>>
    %dma_wait3A_202 = arith.constant 0 : i32
    %dma_wait3A_203 = arith.constant 0 : i32
    %dma_wait3A_204 = tpu.memref_slice %arg19[%dma_wait3A_202, %dma_wait3A_203] : memref<10112x16xf32, #tpu.memory_space<vmem_shared>> -> memref<10112x16xf32, #tpu.memory_space<vmem_shared>>
    tpu.wait_indirect_dma semaphore(%arg31 : memref<!tpu.dma_semaphore, #tpu.memory_space<semaphore_mem>>) src(%arg23 : memref<128x16xf32, #tpu.memory_space<vmem>>) dst(%dma_wait3A_204 : memref<10112x16xf32, #tpu.memory_space<vmem_shared>>)
    %barrier3A_205 = arith.constant 0 : index
    tpu.barrier barrier_id(%barrier3A_205)
    "tpu.region"() ({
      %run_scoped3A = tpu.sem_alloc : memref<!tpu.dma_semaphore, #tpu.memory_space<semaphore_mem>>
      %dma_start3A_206 = arith.constant 0 : i32
      %dma_start3A_207 = tpu.memref_slice %arg8[%arg0, %mul3A_0, %dma_start3A_206] : memref<2x10112x16xf32, #tpu.memory_space<hbm>> -> memref<1x632x16xf32, #tpu.memory_space<hbm>>
      %dma_start3A_208 = tpu.memref_squeeze %dma_start3A_207 : memref<1x632x16xf32, #tpu.memory_space<hbm>> -> memref<632x16xf32, #tpu.memory_space<hbm>>
      %dma_start3A_209 = arith.constant 0 : i32
      %dma_start3A_210 = tpu.memref_slice %arg19[%mul3A_0, %dma_start3A_209] : memref<10112x16xf32, #tpu.memory_space<vmem_shared>> -> memref<632x16xf32, #tpu.memory_space<vmem_shared>>
      tpu.enqueue_dma source(%dma_start3A_210 : memref<632x16xf32, #tpu.memory_space<vmem_shared>>) target(%dma_start3A_208 : memref<632x16xf32, #tpu.memory_space<hbm>>) target_semaphore(%run_scoped3A : memref<!tpu.dma_semaphore, #tpu.memory_space<semaphore_mem>>)
      %dma_wait3A_211 = arith.constant 0 : i32
      %dma_wait3A_212 = tpu.memref_slice %arg8[%arg0, %mul3A_0, %dma_wait3A_211] : memref<2x10112x16xf32, #tpu.memory_space<hbm>> -> memref<1x632x16xf32, #tpu.memory_space<hbm>>
      %dma_wait3A_213 = tpu.memref_squeeze %dma_wait3A_212 : memref<1x632x16xf32, #tpu.memory_space<hbm>> -> memref<632x16xf32, #tpu.memory_space<hbm>>
      %dma_wait3A_214 = arith.constant 0 : i32
      %dma_wait3A_215 = tpu.memref_slice %arg19[%mul3A_0, %dma_wait3A_214] : memref<10112x16xf32, #tpu.memory_space<vmem_shared>> -> memref<632x16xf32, #tpu.memory_space<vmem_shared>>
      tpu.wait_dma2 semaphore(%run_scoped3A : memref<!tpu.dma_semaphore, #tpu.memory_space<semaphore_mem>>) src(%dma_wait3A_215 : memref<632x16xf32, #tpu.memory_space<vmem_shared>>) dst(%dma_wait3A_213 : memref<632x16xf32, #tpu.memory_space<hbm>>)
      tpu.yield
    }) : () -> ()
    return
  }
}

#map = affine_map<(d0, d1) -> (0, 0)>
#map1 = affine_map<(d0, d1) -> (0)>
module attributes {stable_mosaic.version = 14 : i64} {
  func.func @_edge_kernel(%arg0: i32, %arg1: i32, %arg2: memref<10112x16xf32, #tpu.memory_space<hbm>>, %arg3: memref<320000xi32, #tpu.memory_space<hbm>>, %arg4: memref<320000xi32, #tpu.memory_space<hbm>>, %arg5: memref<320000x32xf32, #tpu.memory_space<hbm>>, %arg6: memref<10000xi32, #tpu.memory_space<vmem>>, %arg7: memref<10000xi32, #tpu.memory_space<vmem>>, %arg8: memref<128x16xf32, #tpu.memory_space<vmem>>, %arg9: memref<128x16xf32, #tpu.memory_space<vmem>>, %arg10: memref<128x16xf32, #tpu.memory_space<vmem>>, %arg11: memref<128x16xf32, #tpu.memory_space<vmem>>, %arg12: memref<!tpu.dma_semaphore, #tpu.memory_space<semaphore_mem>>, %arg13: memref<!tpu.dma_semaphore, #tpu.memory_space<semaphore_mem>>, %arg14: memref<!tpu.dma_semaphore, #tpu.memory_space<semaphore_mem>>, %arg15: memref<!tpu.dma_semaphore, #tpu.memory_space<semaphore_mem>>) attributes {dimension_semantics = [#tpu.dimension_semantics<core_parallel>, #tpu.dimension_semantics<subcore_parallel>], iteration_bounds = array<i64: 2, 16>, scalar_prefetch = 0 : i64, scratch_operands = 10 : i64, tpu.core_type = #tpu.core_type<sc_vector_subcore>, window_params = [{transform_indices = #map}, {transform_indices = #map1}, {transform_indices = #map1}, {transform_indices = #map}]} {
    %mul3A = arith.constant 2 : i32
    %mul3A_0 = arith.muli %arg1, %mul3A : i32
    %add3A = arith.addi %mul3A_0, %arg0 : i32
    %mul3A_1 = arith.constant 10000 : i32
    %mul3A_2 = arith.muli %add3A, %mul3A_1 : i32
    "tpu.region"() ({
      %run_scoped3A = tpu.sem_alloc : memref<!tpu.dma_semaphore, #tpu.memory_space<semaphore_mem>>
      %dma_start3A_40 = tpu.memref_slice %arg3[%mul3A_2] : memref<320000xi32, #tpu.memory_space<hbm>> -> memref<10000xi32, #tpu.memory_space<hbm>>
      %dma_start3A_41 = tpu.memref_slice %arg3[%mul3A_2] : memref<320000xi32, #tpu.memory_space<hbm>> -> memref<10000xi32, #tpu.memory_space<hbm>>
      tpu.enqueue_dma source(%dma_start3A_41 : memref<10000xi32, #tpu.memory_space<hbm>>) target(%arg6 : memref<10000xi32, #tpu.memory_space<vmem>>) target_semaphore(%run_scoped3A : memref<!tpu.dma_semaphore, #tpu.memory_space<semaphore_mem>>)
      %dma_wait3A_42 = tpu.memref_slice %arg3[%mul3A_2] : memref<320000xi32, #tpu.memory_space<hbm>> -> memref<10000xi32, #tpu.memory_space<hbm>>
      %dma_wait3A_43 = tpu.memref_slice %arg3[%mul3A_2] : memref<320000xi32, #tpu.memory_space<hbm>> -> memref<10000xi32, #tpu.memory_space<hbm>>
      tpu.wait_dma2 semaphore(%run_scoped3A : memref<!tpu.dma_semaphore, #tpu.memory_space<semaphore_mem>>) src(%dma_wait3A_43 : memref<10000xi32, #tpu.memory_space<hbm>>) dst(%arg6 : memref<10000xi32, #tpu.memory_space<vmem>>)
      tpu.yield
    }) : () -> ()
    "tpu.region"() ({
      %run_scoped3A = tpu.sem_alloc : memref<!tpu.dma_semaphore, #tpu.memory_space<semaphore_mem>>
      %dma_start3A_40 = tpu.memref_slice %arg4[%mul3A_2] : memref<320000xi32, #tpu.memory_space<hbm>> -> memref<10000xi32, #tpu.memory_space<hbm>>
      %dma_start3A_41 = tpu.memref_slice %arg4[%mul3A_2] : memref<320000xi32, #tpu.memory_space<hbm>> -> memref<10000xi32, #tpu.memory_space<hbm>>
      tpu.enqueue_dma source(%dma_start3A_41 : memref<10000xi32, #tpu.memory_space<hbm>>) target(%arg7 : memref<10000xi32, #tpu.memory_space<vmem>>) target_semaphore(%run_scoped3A : memref<!tpu.dma_semaphore, #tpu.memory_space<semaphore_mem>>)
      %dma_wait3A_42 = tpu.memref_slice %arg4[%mul3A_2] : memref<320000xi32, #tpu.memory_space<hbm>> -> memref<10000xi32, #tpu.memory_space<hbm>>
      %dma_wait3A_43 = tpu.memref_slice %arg4[%mul3A_2] : memref<320000xi32, #tpu.memory_space<hbm>> -> memref<10000xi32, #tpu.memory_space<hbm>>
      tpu.wait_dma2 semaphore(%run_scoped3A : memref<!tpu.dma_semaphore, #tpu.memory_space<semaphore_mem>>) src(%dma_wait3A_43 : memref<10000xi32, #tpu.memory_space<hbm>>) dst(%arg7 : memref<10000xi32, #tpu.memory_space<vmem>>)
      tpu.yield
    }) : () -> ()
    %scan3A = arith.constant 0 : i32
    %scan3A_3 = arith.constant 0 : i32
    %scan3A_4 = arith.constant 78 : i32
    %scan3A_5 = arith.addi %scan3A_3, %scan3A_4 : i32
    %scan3A_6 = arith.constant 1 : i32
    scf.for %scan3A_40 = %scan3A_3 to %scan3A_5 step %scan3A_6  : i32 {
      %mul3A_41 = arith.constant 128 : i32
      %mul3A_42 = arith.muli %scan3A_40, %mul3A_41 : i32
      %add3A_43 = arith.addi %mul3A_2, %mul3A_42 : i32
      %mul3A_44 = arith.constant 128 : i32
      %mul3A_45 = arith.muli %scan3A_40, %mul3A_44 : i32
      %mul3A_46 = arith.constant 128 : i32
      %mul3A_47 = arith.muli %scan3A_40, %mul3A_46 : i32
      %dma_start3A_48 = arith.constant 0 : i32
      %dma_start3A_49 = arith.constant 0 : i32
      %dma_start3A_50 = tpu.memref_slice %arg8[%dma_start3A_48, %dma_start3A_49] : memref<128x16xf32, #tpu.memory_space<vmem>> -> memref<128x16xf32, #tpu.memory_space<vmem>>
      %dma_start3A_51 = tpu.memref_slice %arg6[%mul3A_45] : memref<10000xi32, #tpu.memory_space<vmem>> -> memref<128xi32, #tpu.memory_space<vmem>>
      %dma_start3A_52 = arith.constant 0 : i32
      %dma_start3A_53 = arith.constant 0 : i32
      %dma_start3A_54 = tpu.memref_slice %arg2[%dma_start3A_52, %dma_start3A_53] : memref<10112x16xf32, #tpu.memory_space<hbm>> -> memref<10112x16xf32, #tpu.memory_space<hbm>>
      tpu.enqueue_indirect_dma source(%dma_start3A_54 : memref<10112x16xf32, #tpu.memory_space<hbm>>) target(%dma_start3A_50 : memref<128x16xf32, #tpu.memory_space<vmem>>) offsets(%dma_start3A_51 : memref<128xi32, #tpu.memory_space<vmem>>) semaphore(%arg12 : memref<!tpu.dma_semaphore, #tpu.memory_space<semaphore_mem>>)
      %dma_start3A_55 = arith.constant 0 : i32
      %dma_start3A_56 = arith.constant 0 : i32
      %dma_start3A_57 = tpu.memref_slice %arg10[%dma_start3A_55, %dma_start3A_56] : memref<128x16xf32, #tpu.memory_space<vmem>> -> memref<128x16xf32, #tpu.memory_space<vmem>>
      %dma_start3A_58 = tpu.memref_slice %arg7[%mul3A_47] : memref<10000xi32, #tpu.memory_space<vmem>> -> memref<128xi32, #tpu.memory_space<vmem>>
      %dma_start3A_59 = arith.constant 0 : i32
      %dma_start3A_60 = arith.constant 0 : i32
      %dma_start3A_61 = tpu.memref_slice %arg2[%dma_start3A_59, %dma_start3A_60] : memref<10112x16xf32, #tpu.memory_space<hbm>> -> memref<10112x16xf32, #tpu.memory_space<hbm>>
      tpu.enqueue_indirect_dma source(%dma_start3A_61 : memref<10112x16xf32, #tpu.memory_space<hbm>>) target(%dma_start3A_57 : memref<128x16xf32, #tpu.memory_space<vmem>>) offsets(%dma_start3A_58 : memref<128xi32, #tpu.memory_space<vmem>>) semaphore(%arg14 : memref<!tpu.dma_semaphore, #tpu.memory_space<semaphore_mem>>)
      %dma_wait3A_62 = arith.constant 0 : i32
      %dma_wait3A_63 = arith.constant 0 : i32
      %dma_wait3A_64 = tpu.memref_slice %arg8[%dma_wait3A_62, %dma_wait3A_63] : memref<128x16xf32, #tpu.memory_space<vmem>> -> memref<128x16xf32, #tpu.memory_space<vmem>>
      %dma_wait3A_65 = tpu.memref_slice %arg6[%mul3A_45] : memref<10000xi32, #tpu.memory_space<vmem>> -> memref<128xi32, #tpu.memory_space<vmem>>
      %dma_wait3A_66 = arith.constant 0 : i32
      %dma_wait3A_67 = arith.constant 0 : i32
      %dma_wait3A_68 = tpu.memref_slice %arg2[%dma_wait3A_66, %dma_wait3A_67] : memref<10112x16xf32, #tpu.memory_space<hbm>> -> memref<10112x16xf32, #tpu.memory_space<hbm>>
      tpu.wait_indirect_dma semaphore(%arg12 : memref<!tpu.dma_semaphore, #tpu.memory_space<semaphore_mem>>) src(%dma_wait3A_68 : memref<10112x16xf32, #tpu.memory_space<hbm>>) dst(%dma_wait3A_64 : memref<128x16xf32, #tpu.memory_space<vmem>>)
      "tpu.region"() ({
        %run_scoped3A = tpu.sem_alloc : memref<!tpu.dma_semaphore, #tpu.memory_space<semaphore_mem>>
        %dma_start3A_76 = arith.constant 0 : i32
        %dma_start3A_77 = arith.constant 0 : i32
        %dma_start3A_78 = tpu.memref_slice %arg8[%dma_start3A_76, %dma_start3A_77] : memref<128x16xf32, #tpu.memory_space<vmem>> -> memref<128x16xf32, #tpu.memory_space<vmem>>
        %dma_start3A_79 = arith.constant 0 : i32
        %dma_start3A_80 = tpu.memref_slice %arg5[%add3A_43, %dma_start3A_79] : memref<320000x32xf32, #tpu.memory_space<hbm>> -> memref<128x16xf32, #tpu.memory_space<hbm>>
        %dma_start3A_81 = arith.constant 0 : i32
        %dma_start3A_82 = tpu.memref_slice %arg5[%add3A_43, %dma_start3A_81] : memref<320000x32xf32, #tpu.memory_space<hbm>> -> memref<128x16xf32, #tpu.memory_space<hbm>>
        %dma_start3A_83 = arith.constant 0 : i32
        %dma_start3A_84 = arith.constant 0 : i32
        %dma_start3A_85 = tpu.memref_slice %arg8[%dma_start3A_83, %dma_start3A_84] : memref<128x16xf32, #tpu.memory_space<vmem>> -> memref<128x16xf32, #tpu.memory_space<vmem>>
        tpu.enqueue_dma source(%dma_start3A_85 : memref<128x16xf32, #tpu.memory_space<vmem>>) target(%dma_start3A_82 : memref<128x16xf32, #tpu.memory_space<hbm>>) target_semaphore(%run_scoped3A : memref<!tpu.dma_semaphore, #tpu.memory_space<semaphore_mem>>)
        %dma_wait3A_86 = arith.constant 0 : i32
        %dma_wait3A_87 = arith.constant 0 : i32
        %dma_wait3A_88 = tpu.memref_slice %arg8[%dma_wait3A_86, %dma_wait3A_87] : memref<128x16xf32, #tpu.memory_space<vmem>> -> memref<128x16xf32, #tpu.memory_space<vmem>>
        %dma_wait3A_89 = arith.constant 0 : i32
        %dma_wait3A_90 = tpu.memref_slice %arg5[%add3A_43, %dma_wait3A_89] : memref<320000x32xf32, #tpu.memory_space<hbm>> -> memref<128x16xf32, #tpu.memory_space<hbm>>
        %dma_wait3A_91 = arith.constant 0 : i32
        %dma_wait3A_92 = tpu.memref_slice %arg5[%add3A_43, %dma_wait3A_91] : memref<320000x32xf32, #tpu.memory_space<hbm>> -> memref<128x16xf32, #tpu.memory_space<hbm>>
        %dma_wait3A_93 = arith.constant 0 : i32
        %dma_wait3A_94 = arith.constant 0 : i32
        %dma_wait3A_95 = tpu.memref_slice %arg8[%dma_wait3A_93, %dma_wait3A_94] : memref<128x16xf32, #tpu.memory_space<vmem>> -> memref<128x16xf32, #tpu.memory_space<vmem>>
        tpu.wait_dma2 semaphore(%run_scoped3A : memref<!tpu.dma_semaphore, #tpu.memory_space<semaphore_mem>>) src(%dma_wait3A_95 : memref<128x16xf32, #tpu.memory_space<vmem>>) dst(%dma_wait3A_92 : memref<128x16xf32, #tpu.memory_space<hbm>>)
        tpu.yield
      }) : () -> ()
      %dma_wait3A_69 = arith.constant 0 : i32
      %dma_wait3A_70 = arith.constant 0 : i32
      %dma_wait3A_71 = tpu.memref_slice %arg10[%dma_wait3A_69, %dma_wait3A_70] : memref<128x16xf32, #tpu.memory_space<vmem>> -> memref<128x16xf32, #tpu.memory_space<vmem>>
      %dma_wait3A_72 = tpu.memref_slice %arg7[%mul3A_47] : memref<10000xi32, #tpu.memory_space<vmem>> -> memref<128xi32, #tpu.memory_space<vmem>>
      %dma_wait3A_73 = arith.constant 0 : i32
      %dma_wait3A_74 = arith.constant 0 : i32
      %dma_wait3A_75 = tpu.memref_slice %arg2[%dma_wait3A_73, %dma_wait3A_74] : memref<10112x16xf32, #tpu.memory_space<hbm>> -> memref<10112x16xf32, #tpu.memory_space<hbm>>
      tpu.wait_indirect_dma semaphore(%arg14 : memref<!tpu.dma_semaphore, #tpu.memory_space<semaphore_mem>>) src(%dma_wait3A_75 : memref<10112x16xf32, #tpu.memory_space<hbm>>) dst(%dma_wait3A_71 : memref<128x16xf32, #tpu.memory_space<vmem>>)
      "tpu.region"() ({
        %run_scoped3A = tpu.sem_alloc : memref<!tpu.dma_semaphore, #tpu.memory_space<semaphore_mem>>
        %dma_start3A_76 = arith.constant 0 : i32
        %dma_start3A_77 = arith.constant 0 : i32
        %dma_start3A_78 = tpu.memref_slice %arg10[%dma_start3A_76, %dma_start3A_77] : memref<128x16xf32, #tpu.memory_space<vmem>> -> memref<128x16xf32, #tpu.memory_space<vmem>>
        %dma_start3A_79 = arith.constant 16 : i32
        %dma_start3A_80 = tpu.memref_slice %arg5[%add3A_43, %dma_start3A_79] : memref<320000x32xf32, #tpu.memory_space<hbm>> -> memref<128x16xf32, #tpu.memory_space<hbm>>
        %dma_start3A_81 = arith.constant 16 : i32
        %dma_start3A_82 = tpu.memref_slice %arg5[%add3A_43, %dma_start3A_81] : memref<320000x32xf32, #tpu.memory_space<hbm>> -> memref<128x16xf32, #tpu.memory_space<hbm>>
        %dma_start3A_83 = arith.constant 0 : i32
        %dma_start3A_84 = arith.constant 0 : i32
        %dma_start3A_85 = tpu.memref_slice %arg10[%dma_start3A_83, %dma_start3A_84] : memref<128x16xf32, #tpu.memory_space<vmem>> -> memref<128x16xf32, #tpu.memory_space<vmem>>
        tpu.enqueue_dma source(%dma_start3A_85 : memref<128x16xf32, #tpu.memory_space<vmem>>) target(%dma_start3A_82 : memref<128x16xf32, #tpu.memory_space<hbm>>) target_semaphore(%run_scoped3A : memref<!tpu.dma_semaphore, #tpu.memory_space<semaphore_mem>>)
        %dma_wait3A_86 = arith.constant 0 : i32
        %dma_wait3A_87 = arith.constant 0 : i32
        %dma_wait3A_88 = tpu.memref_slice %arg10[%dma_wait3A_86, %dma_wait3A_87] : memref<128x16xf32, #tpu.memory_space<vmem>> -> memref<128x16xf32, #tpu.memory_space<vmem>>
        %dma_wait3A_89 = arith.constant 16 : i32
        %dma_wait3A_90 = tpu.memref_slice %arg5[%add3A_43, %dma_wait3A_89] : memref<320000x32xf32, #tpu.memory_space<hbm>> -> memref<128x16xf32, #tpu.memory_space<hbm>>
        %dma_wait3A_91 = arith.constant 16 : i32
        %dma_wait3A_92 = tpu.memref_slice %arg5[%add3A_43, %dma_wait3A_91] : memref<320000x32xf32, #tpu.memory_space<hbm>> -> memref<128x16xf32, #tpu.memory_space<hbm>>
        %dma_wait3A_93 = arith.constant 0 : i32
        %dma_wait3A_94 = arith.constant 0 : i32
        %dma_wait3A_95 = tpu.memref_slice %arg10[%dma_wait3A_93, %dma_wait3A_94] : memref<128x16xf32, #tpu.memory_space<vmem>> -> memref<128x16xf32, #tpu.memory_space<vmem>>
        tpu.wait_dma2 semaphore(%run_scoped3A : memref<!tpu.dma_semaphore, #tpu.memory_space<semaphore_mem>>) src(%dma_wait3A_95 : memref<128x16xf32, #tpu.memory_space<vmem>>) dst(%dma_wait3A_92 : memref<128x16xf32, #tpu.memory_space<hbm>>)
        tpu.yield
      }) : () -> ()
    }
    %scan3A_7 = arith.constant 78 : i32
    %add3A_8 = arith.constant 9984 : i32
    %add3A_9 = arith.addi %mul3A_2, %add3A_8 : i32
    %dma_start3A = arith.constant 0 : i32
    %dma_start3A_10 = arith.constant 0 : i32
    %dma_start3A_11 = tpu.memref_slice %arg9[%dma_start3A, %dma_start3A_10] : memref<128x16xf32, #tpu.memory_space<vmem>> -> memref<16x16xf32, #tpu.memory_space<vmem>>
    %dma_start3A_12 = arith.constant 9984 : i32
    %dma_start3A_13 = tpu.memref_slice %arg6[%dma_start3A_12] : memref<10000xi32, #tpu.memory_space<vmem>> -> memref<16xi32, #tpu.memory_space<vmem>>
    %dma_start3A_14 = arith.constant 0 : i32
    %dma_start3A_15 = arith.constant 0 : i32
    %dma_start3A_16 = tpu.memref_slice %arg2[%dma_start3A_14, %dma_start3A_15] : memref<10112x16xf32, #tpu.memory_space<hbm>> -> memref<10112x16xf32, #tpu.memory_space<hbm>>
    tpu.enqueue_indirect_dma source(%dma_start3A_16 : memref<10112x16xf32, #tpu.memory_space<hbm>>) target(%dma_start3A_11 : memref<16x16xf32, #tpu.memory_space<vmem>>) offsets(%dma_start3A_13 : memref<16xi32, #tpu.memory_space<vmem>>) semaphore(%arg13 : memref<!tpu.dma_semaphore, #tpu.memory_space<semaphore_mem>>)
    %dma_start3A_17 = arith.constant 0 : i32
    %dma_start3A_18 = arith.constant 0 : i32
    %dma_start3A_19 = tpu.memref_slice %arg11[%dma_start3A_17, %dma_start3A_18] : memref<128x16xf32, #tpu.memory_space<vmem>> -> memref<16x16xf32, #tpu.memory_space<vmem>>
    %dma_start3A_20 = arith.constant 9984 : i32
    %dma_start3A_21 = tpu.memref_slice %arg7[%dma_start3A_20] : memref<10000xi32, #tpu.memory_space<vmem>> -> memref<16xi32, #tpu.memory_space<vmem>>
    %dma_start3A_22 = arith.constant 0 : i32
    %dma_start3A_23 = arith.constant 0 : i32
    %dma_start3A_24 = tpu.memref_slice %arg2[%dma_start3A_22, %dma_start3A_23] : memref<10112x16xf32, #tpu.memory_space<hbm>> -> memref<10112x16xf32, #tpu.memory_space<hbm>>
    tpu.enqueue_indirect_dma source(%dma_start3A_24 : memref<10112x16xf32, #tpu.memory_space<hbm>>) target(%dma_start3A_19 : memref<16x16xf32, #tpu.memory_space<vmem>>) offsets(%dma_start3A_21 : memref<16xi32, #tpu.memory_space<vmem>>) semaphore(%arg15 : memref<!tpu.dma_semaphore, #tpu.memory_space<semaphore_mem>>)
    %dma_wait3A = arith.constant 0 : i32
    %dma_wait3A_25 = arith.constant 0 : i32
    %dma_wait3A_26 = tpu.memref_slice %arg9[%dma_wait3A, %dma_wait3A_25] : memref<128x16xf32, #tpu.memory_space<vmem>> -> memref<16x16xf32, #tpu.memory_space<vmem>>
    %dma_wait3A_27 = arith.constant 9984 : i32
    %dma_wait3A_28 = tpu.memref_slice %arg6[%dma_wait3A_27] : memref<10000xi32, #tpu.memory_space<vmem>> -> memref<16xi32, #tpu.memory_space<vmem>>
    %dma_wait3A_29 = arith.constant 0 : i32
    %dma_wait3A_30 = arith.constant 0 : i32
    %dma_wait3A_31 = tpu.memref_slice %arg2[%dma_wait3A_29, %dma_wait3A_30] : memref<10112x16xf32, #tpu.memory_space<hbm>> -> memref<10112x16xf32, #tpu.memory_space<hbm>>
    tpu.wait_indirect_dma semaphore(%arg13 : memref<!tpu.dma_semaphore, #tpu.memory_space<semaphore_mem>>) src(%dma_wait3A_31 : memref<10112x16xf32, #tpu.memory_space<hbm>>) dst(%dma_wait3A_26 : memref<16x16xf32, #tpu.memory_space<vmem>>)
    "tpu.region"() ({
      %run_scoped3A = tpu.sem_alloc : memref<!tpu.dma_semaphore, #tpu.memory_space<semaphore_mem>>
      %dma_start3A_40 = arith.constant 0 : i32
      %dma_start3A_41 = arith.constant 0 : i32
      %dma_start3A_42 = tpu.memref_slice %arg9[%dma_start3A_40, %dma_start3A_41] : memref<128x16xf32, #tpu.memory_space<vmem>> -> memref<16x16xf32, #tpu.memory_space<vmem>>
      %dma_start3A_43 = arith.constant 0 : i32
      %dma_start3A_44 = tpu.memref_slice %arg5[%add3A_9, %dma_start3A_43] : memref<320000x32xf32, #tpu.memory_space<hbm>> -> memref<16x16xf32, #tpu.memory_space<hbm>>
      %dma_start3A_45 = arith.constant 0 : i32
      %dma_start3A_46 = tpu.memref_slice %arg5[%add3A_9, %dma_start3A_45] : memref<320000x32xf32, #tpu.memory_space<hbm>> -> memref<16x16xf32, #tpu.memory_space<hbm>>
      %dma_start3A_47 = arith.constant 0 : i32
      %dma_start3A_48 = arith.constant 0 : i32
      %dma_start3A_49 = tpu.memref_slice %arg9[%dma_start3A_47, %dma_start3A_48] : memref<128x16xf32, #tpu.memory_space<vmem>> -> memref<16x16xf32, #tpu.memory_space<vmem>>
      tpu.enqueue_dma source(%dma_start3A_49 : memref<16x16xf32, #tpu.memory_space<vmem>>) target(%dma_start3A_46 : memref<16x16xf32, #tpu.memory_space<hbm>>) target_semaphore(%run_scoped3A : memref<!tpu.dma_semaphore, #tpu.memory_space<semaphore_mem>>)
      %dma_wait3A_50 = arith.constant 0 : i32
      %dma_wait3A_51 = arith.constant 0 : i32
      %dma_wait3A_52 = tpu.memref_slice %arg9[%dma_wait3A_50, %dma_wait3A_51] : memref<128x16xf32, #tpu.memory_space<vmem>> -> memref<16x16xf32, #tpu.memory_space<vmem>>
      %dma_wait3A_53 = arith.constant 0 : i32
      %dma_wait3A_54 = tpu.memref_slice %arg5[%add3A_9, %dma_wait3A_53] : memref<320000x32xf32, #tpu.memory_space<hbm>> -> memref<16x16xf32, #tpu.memory_space<hbm>>
      %dma_wait3A_55 = arith.constant 0 : i32
      %dma_wait3A_56 = tpu.memref_slice %arg5[%add3A_9, %dma_wait3A_55] : memref<320000x32xf32, #tpu.memory_space<hbm>> -> memref<16x16xf32, #tpu.memory_space<hbm>>
      %dma_wait3A_57 = arith.constant 0 : i32
      %dma_wait3A_58 = arith.constant 0 : i32
      %dma_wait3A_59 = tpu.memref_slice %arg9[%dma_wait3A_57, %dma_wait3A_58] : memref<128x16xf32, #tpu.memory_space<vmem>> -> memref<16x16xf32, #tpu.memory_space<vmem>>
      tpu.wait_dma2 semaphore(%run_scoped3A : memref<!tpu.dma_semaphore, #tpu.memory_space<semaphore_mem>>) src(%dma_wait3A_59 : memref<16x16xf32, #tpu.memory_space<vmem>>) dst(%dma_wait3A_56 : memref<16x16xf32, #tpu.memory_space<hbm>>)
      tpu.yield
    }) : () -> ()
    %dma_wait3A_32 = arith.constant 0 : i32
    %dma_wait3A_33 = arith.constant 0 : i32
    %dma_wait3A_34 = tpu.memref_slice %arg11[%dma_wait3A_32, %dma_wait3A_33] : memref<128x16xf32, #tpu.memory_space<vmem>> -> memref<16x16xf32, #tpu.memory_space<vmem>>
    %dma_wait3A_35 = arith.constant 9984 : i32
    %dma_wait3A_36 = tpu.memref_slice %arg7[%dma_wait3A_35] : memref<10000xi32, #tpu.memory_space<vmem>> -> memref<16xi32, #tpu.memory_space<vmem>>
    %dma_wait3A_37 = arith.constant 0 : i32
    %dma_wait3A_38 = arith.constant 0 : i32
    %dma_wait3A_39 = tpu.memref_slice %arg2[%dma_wait3A_37, %dma_wait3A_38] : memref<10112x16xf32, #tpu.memory_space<hbm>> -> memref<10112x16xf32, #tpu.memory_space<hbm>>
    tpu.wait_indirect_dma semaphore(%arg15 : memref<!tpu.dma_semaphore, #tpu.memory_space<semaphore_mem>>) src(%dma_wait3A_39 : memref<10112x16xf32, #tpu.memory_space<hbm>>) dst(%dma_wait3A_34 : memref<16x16xf32, #tpu.memory_space<vmem>>)
    "tpu.region"() ({
      %run_scoped3A = tpu.sem_alloc : memref<!tpu.dma_semaphore, #tpu.memory_space<semaphore_mem>>
      %dma_start3A_40 = arith.constant 0 : i32
      %dma_start3A_41 = arith.constant 0 : i32
      %dma_start3A_42 = tpu.memref_slice %arg11[%dma_start3A_40, %dma_start3A_41] : memref<128x16xf32, #tpu.memory_space<vmem>> -> memref<16x16xf32, #tpu.memory_space<vmem>>
      %dma_start3A_43 = arith.constant 16 : i32
      %dma_start3A_44 = tpu.memref_slice %arg5[%add3A_9, %dma_start3A_43] : memref<320000x32xf32, #tpu.memory_space<hbm>> -> memref<16x16xf32, #tpu.memory_space<hbm>>
      %dma_start3A_45 = arith.constant 16 : i32
      %dma_start3A_46 = tpu.memref_slice %arg5[%add3A_9, %dma_start3A_45] : memref<320000x32xf32, #tpu.memory_space<hbm>> -> memref<16x16xf32, #tpu.memory_space<hbm>>
      %dma_start3A_47 = arith.constant 0 : i32
      %dma_start3A_48 = arith.constant 0 : i32
      %dma_start3A_49 = tpu.memref_slice %arg11[%dma_start3A_47, %dma_start3A_48] : memref<128x16xf32, #tpu.memory_space<vmem>> -> memref<16x16xf32, #tpu.memory_space<vmem>>
      tpu.enqueue_dma source(%dma_start3A_49 : memref<16x16xf32, #tpu.memory_space<vmem>>) target(%dma_start3A_46 : memref<16x16xf32, #tpu.memory_space<hbm>>) target_semaphore(%run_scoped3A : memref<!tpu.dma_semaphore, #tpu.memory_space<semaphore_mem>>)
      %dma_wait3A_50 = arith.constant 0 : i32
      %dma_wait3A_51 = arith.constant 0 : i32
      %dma_wait3A_52 = tpu.memref_slice %arg11[%dma_wait3A_50, %dma_wait3A_51] : memref<128x16xf32, #tpu.memory_space<vmem>> -> memref<16x16xf32, #tpu.memory_space<vmem>>
      %dma_wait3A_53 = arith.constant 16 : i32
      %dma_wait3A_54 = tpu.memref_slice %arg5[%add3A_9, %dma_wait3A_53] : memref<320000x32xf32, #tpu.memory_space<hbm>> -> memref<16x16xf32, #tpu.memory_space<hbm>>
      %dma_wait3A_55 = arith.constant 16 : i32
      %dma_wait3A_56 = tpu.memref_slice %arg5[%add3A_9, %dma_wait3A_55] : memref<320000x32xf32, #tpu.memory_space<hbm>> -> memref<16x16xf32, #tpu.memory_space<hbm>>
      %dma_wait3A_57 = arith.constant 0 : i32
      %dma_wait3A_58 = arith.constant 0 : i32
      %dma_wait3A_59 = tpu.memref_slice %arg11[%dma_wait3A_57, %dma_wait3A_58] : memref<128x16xf32, #tpu.memory_space<vmem>> -> memref<16x16xf32, #tpu.memory_space<vmem>>
      tpu.wait_dma2 semaphore(%run_scoped3A : memref<!tpu.dma_semaphore, #tpu.memory_space<semaphore_mem>>) src(%dma_wait3A_59 : memref<16x16xf32, #tpu.memory_space<vmem>>) dst(%dma_wait3A_56 : memref<16x16xf32, #tpu.memory_space<hbm>>)
      tpu.yield
    }) : () -> ()
    return
  }
}

module attributes {stable_mosaic.version = 14 : i64} {
  func.func @_k1_body(%arg0: i32, %arg1: memref<1264x128xf32, #tpu.memory_space<vmem>>, %arg2: memref<128x18xf32, #tpu.memory_space<vmem>>, %arg3: memref<2x1264x16xf32, #tpu.memory_space<vmem>>) attributes {dimension_semantics = [#tpu.dimension_semantics<arbitrary>], iteration_bounds = array<i64: 8>, scalar_prefetch = 0 : i64, scratch_operands = 0 : i64, tpu.core_type = #tpu.core_type<tc>, window_params = [{transform_indices = @transform_0, window_bounds = array<i64: 1264, 128>}, {pipeline_mode = #tpu.pipeline_mode<synchronous>, transform_indices = @transform_1, window_bounds = array<i64: 128, 18>}, {transform_indices = @transform_2, window_bounds = array<i64: 2, 1264, 16>}]} {
    %get3A = arith.constant 0 : index
    %get3A_0 = arith.constant 0 : index
    %get3A_1 = vector.load %arg1[%get3A, %get3A_0] : memref<1264x128xf32, #tpu.memory_space<vmem>>, vector<1264x128xf32>
    %get3A_2 = arith.constant 0 : index
    %get3A_3 = arith.constant 0 : index
    %get3A_4 = vector.load %arg2[%get3A_2, %get3A_3] : memref<128x18xf32, #tpu.memory_space<vmem>>, vector<128x18xf32>
    %dot_general3A = arith.constant dense<0.000000e+00> : vector<1264x18xf32>
    %dot_general3A_5 = tpu.matmul %get3A_1, %get3A_4, %dot_general3A {dimension_numbers = #tpu.dot_dimension_numbers<[1], [0], [0], [1], [0, 0, 1, 1], [], []>, transpose_lhs_hint = false} : vector<1264x128xf32>, vector<128x18xf32>, vector<1264x18xf32> -> vector<1264x18xf32>
    %slice3A = vector.extract_strided_slice %dot_general3A_5 {offsets = [0, 0], sizes = [1264, 16], strides = [1, 1]} : vector<1264x18xf32> to vector<1264x16xf32>
    %swap3A = arith.constant 0 : index
    %swap3A_6 = arith.constant 0 : index
    %swap3A_7 = arith.constant 0 : index
    %swap3A_8 = vector.load %arg3[%swap3A, %swap3A_6, %swap3A_7] : memref<2x1264x16xf32, #tpu.memory_space<vmem>>, vector<1x1264x16xf32>
    %swap3A_9 = vector.shape_cast %swap3A_8 : vector<1x1264x16xf32> to vector<1264x16xf32>
    %swap3A_10 = vector.shape_cast %slice3A : vector<1264x16xf32> to vector<1x1264x16xf32>
    tpu.vector_store %arg3[%swap3A, %swap3A_6, %swap3A_7], %swap3A_10 {strides = array<i32>} : memref<2x1264x16xf32, #tpu.memory_space<vmem>>, vector<1x1264x16xf32>,
    %slice3A_11 = vector.extract_strided_slice %dot_general3A_5 {offsets = [0, 16], sizes = [1264, 2], strides = [1, 1]} : vector<1264x18xf32> to vector<1264x2xf32>
    %broadcast_in_dim3A = arith.constant 0.000000e+00 : f32
    %broadcast_in_dim3A_12 = vector.broadcast %broadcast_in_dim3A : f32 to vector<1264x14xf32>
    %concatenate3A = tpu.concatenate %slice3A_11, %broadcast_in_dim3A_12 in 1 : vector<1264x2xf32>, vector<1264x14xf32> -> vector<1264x16xf32>
    %swap3A_13 = arith.constant 1 : index
    %swap3A_14 = arith.constant 0 : index
    %swap3A_15 = arith.constant 0 : index
    %swap3A_16 = vector.load %arg3[%swap3A_13, %swap3A_14, %swap3A_15] : memref<2x1264x16xf32, #tpu.memory_space<vmem>>, vector<1x1264x16xf32>
    %swap3A_17 = vector.shape_cast %swap3A_16 : vector<1x1264x16xf32> to vector<1264x16xf32>
    %swap3A_18 = vector.shape_cast %concatenate3A : vector<1264x16xf32> to vector<1x1264x16xf32>
    tpu.vector_store %arg3[%swap3A_13, %swap3A_14, %swap3A_15], %swap3A_18 {strides = array<i32>} : memref<2x1264x16xf32, #tpu.memory_space<vmem>>, vector<1x1264x16xf32>,
    return
  }
  func.func @transform_0(%arg0: i32) -> (i32, i32) {
    %c0_i32 = arith.constant 0 : i32
    %c0_i32_0 = arith.constant 0 : i32
    return %arg0, %c0_i32 : i32, i32
  }
  func.func @transform_1(%arg0: i32) -> (i32, i32) {
    %c0_i32 = arith.constant 0 : i32
    %c0_i32_0 = arith.constant 0 : i32
    %c0_i32_1 = arith.constant 0 : i32
    return %c0_i32, %c0_i32_0 : i32, i32
  }
  func.func @transform_2(%arg0: i32) -> (i32, i32, i32) {
    %c0_i32 = arith.constant 0 : i32
    %c0_i32_0 = arith.constant 0 : i32
    %c0_i32_1 = arith.constant 0 : i32
    return %c0_i32, %arg0, %c0_i32_0 : i32, i32, i32
  }
}

module attributes {stable_mosaic.version = 14 : i64} {
  func.func @_k3_body(%arg0: i32, %arg1: memref<2x1264x16xf32, #tpu.memory_space<vmem>>, %arg2: memref<2x1264x16xf32, #tpu.memory_space<vmem>>, %arg3: memref<1264x16xf32, #tpu.memory_space<vmem>>, %arg4: memref<18x24xf32, #tpu.memory_space<vmem>>, %arg5: memref<1x24xf32, #tpu.memory_space<vmem>>, %arg6: memref<2x1264x16xf32, #tpu.memory_space<vmem>>) attributes {dimension_semantics = [#tpu.dimension_semantics<arbitrary>], iteration_bounds = array<i64: 8>, scalar_prefetch = 0 : i64, scratch_operands = 0 : i64, tpu.core_type = #tpu.core_type<tc>, window_params = [{transform_indices = @transform_0, window_bounds = array<i64: 2, 1264, 16>}, {transform_indices = @transform_1, window_bounds = array<i64: 2, 1264, 16>}, {transform_indices = @transform_2, window_bounds = array<i64: 1264, 16>}, {pipeline_mode = #tpu.pipeline_mode<synchronous>, transform_indices = @transform_3, window_bounds = array<i64: 18, 24>}, {pipeline_mode = #tpu.pipeline_mode<synchronous>, transform_indices = @transform_4, window_bounds = array<i64: 1, 24>}, {transform_indices = @transform_5, window_bounds = array<i64: 2, 1264, 16>}]} {
    %get3A = arith.constant 0 : index
    %get3A_0 = arith.constant 0 : index
    %get3A_1 = vector.load %arg3[%get3A, %get3A_0] : memref<1264x16xf32, #tpu.memory_space<vmem>>, vector<1264x1xf32>
    %get3A_2 = arith.constant 0 : index
    %get3A_3 = arith.constant 0 : index
    %get3A_4 = arith.constant 0 : index
    %get3A_5 = vector.load %arg1[%get3A_2, %get3A_3, %get3A_4] : memref<2x1264x16xf32, #tpu.memory_space<vmem>>, vector<1x1264x16xf32>
    %get3A_6 = vector.shape_cast %get3A_5 : vector<1x1264x16xf32> to vector<1264x16xf32>
    %get3A_7 = arith.constant 0 : index
    %get3A_8 = arith.constant 0 : index
    %get3A_9 = arith.constant 0 : index
    %get3A_10 = vector.load %arg2[%get3A_7, %get3A_8, %get3A_9] : memref<2x1264x16xf32, #tpu.memory_space<vmem>>, vector<1x1264x16xf32>
    %get3A_11 = vector.shape_cast %get3A_10 : vector<1x1264x16xf32> to vector<1264x16xf32>
    %add3A = arith.addf %get3A_6, %get3A_11 : vector<1264x16xf32>
    %get3A_12 = arith.constant 1 : index
    %get3A_13 = arith.constant 0 : index
    %get3A_14 = arith.constant 0 : index
    %get3A_15 = vector.load %arg1[%get3A_12, %get3A_13, %get3A_14] : memref<2x1264x16xf32, #tpu.memory_space<vmem>>, vector<1x1264x16xf32>
    %get3A_16 = vector.shape_cast %get3A_15 : vector<1x1264x16xf32> to vector<1264x16xf32>
    %get3A_17 = arith.constant 1 : index
    %get3A_18 = arith.constant 0 : index
    %get3A_19 = arith.constant 0 : index
    %get3A_20 = vector.load %arg2[%get3A_17, %get3A_18, %get3A_19] : memref<2x1264x16xf32, #tpu.memory_space<vmem>>, vector<1x1264x16xf32>
    %get3A_21 = vector.shape_cast %get3A_20 : vector<1x1264x16xf32> to vector<1264x16xf32>
    %add3A_22 = arith.addf %get3A_16, %get3A_21 : vector<1264x16xf32>
    %slice3A = vector.extract_strided_slice %add3A_22 {offsets = [0, 0], sizes = [1264, 2], strides = [1, 1]} : vector<1264x16xf32> to vector<1264x2xf32>
    %concatenate3A = tpu.concatenate %add3A, %slice3A in 1 : vector<1264x16xf32>, vector<1264x2xf32> -> vector<1264x18xf32>
    %mul3A = vector.broadcast %get3A_1 : vector<1264x1xf32> to vector<1264x18xf32>
    %mul3A_23 = arith.mulf %mul3A, %concatenate3A : vector<1264x18xf32>
    %get3A_24 = arith.constant 0 : index
    %get3A_25 = arith.constant 0 : index
    %get3A_26 = vector.load %arg4[%get3A_24, %get3A_25] : memref<18x24xf32, #tpu.memory_space<vmem>>, vector<18x24xf32>
    %dot_general3A = arith.constant dense<0.000000e+00> : vector<1264x24xf32>
    %dot_general3A_27 = tpu.matmul %mul3A_23, %get3A_26, %dot_general3A {dimension_numbers = #tpu.dot_dimension_numbers<[1], [0], [0], [1], [0, 0, 1, 1], [], []>, transpose_lhs_hint = false} : vector<1264x18xf32>, vector<18x24xf32>, vector<1264x24xf32> -> vector<1264x24xf32>
    %get3A_28 = arith.constant 0 : index
    %get3A_29 = arith.constant 0 : index
    %get3A_30 = vector.load %arg5[%get3A_28, %get3A_29] : memref<1x24xf32, #tpu.memory_space<vmem>>, vector<1x24xf32>
    %add3A_31 = vector.broadcast %get3A_30 : vector<1x24xf32> to vector<1264x24xf32>
    %add3A_32 = arith.addf %dot_general3A_27, %add3A_31 : vector<1264x24xf32>
    %tanh3A = math.tanh %add3A_32 : vector<1264x24xf32>
    %mul3A_33 = vector.broadcast %get3A_1 : vector<1264x1xf32> to vector<1264x24xf32>
    %mul3A_34 = arith.mulf %mul3A_33, %tanh3A : vector<1264x24xf32>
    %slice3A_35 = vector.extract_strided_slice %mul3A_34 {offsets = [0, 0], sizes = [1264, 16], strides = [1, 1]} : vector<1264x24xf32> to vector<1264x16xf32>
    %swap3A = arith.constant 0 : index
    %swap3A_36 = arith.constant 0 : index
    %swap3A_37 = arith.constant 0 : index
    %swap3A_38 = vector.load %arg6[%swap3A, %swap3A_36, %swap3A_37] : memref<2x1264x16xf32, #tpu.memory_space<vmem>>, vector<1x1264x16xf32>
    %swap3A_39 = vector.shape_cast %swap3A_38 : vector<1x1264x16xf32> to vector<1264x16xf32>
    %swap3A_40 = vector.shape_cast %slice3A_35 : vector<1264x16xf32> to vector<1x1264x16xf32>
    tpu.vector_store %arg6[%swap3A, %swap3A_36, %swap3A_37], %swap3A_40 {strides = array<i32>} : memref<2x1264x16xf32, #tpu.memory_space<vmem>>, vector<1x1264x16xf32>,
    %slice3A_41 = vector.extract_strided_slice %mul3A_34 {offsets = [0, 16], sizes = [1264, 8], strides = [1, 1]} : vector<1264x24xf32> to vector<1264x8xf32>
    %broadcast_in_dim3A = arith.constant 0.000000e+00 : f32
    %broadcast_in_dim3A_42 = vector.broadcast %broadcast_in_dim3A : f32 to vector<1264x8xf32>
    %concatenate3A_43 = tpu.concatenate %slice3A_41, %broadcast_in_dim3A_42 in 1 : vector<1264x8xf32>, vector<1264x8xf32> -> vector<1264x16xf32>
    %swap3A_44 = arith.constant 1 : index
    %swap3A_45 = arith.constant 0 : index
    %swap3A_46 = arith.constant 0 : index
    %swap3A_47 = vector.load %arg6[%swap3A_44, %swap3A_45, %swap3A_46] : memref<2x1264x16xf32, #tpu.memory_space<vmem>>, vector<1x1264x16xf32>
    %swap3A_48 = vector.shape_cast %swap3A_47 : vector<1x1264x16xf32> to vector<1264x16xf32>
    %swap3A_49 = vector.shape_cast %concatenate3A_43 : vector<1264x16xf32> to vector<1x1264x16xf32>
    tpu.vector_store %arg6[%swap3A_44, %swap3A_45, %swap3A_46], %swap3A_49 {strides = array<i32>} : memref<2x1264x16xf32, #tpu.memory_space<vmem>>, vector<1x1264x16xf32>,
    return
  }
  func.func @transform_0(%arg0: i32) -> (i32, i32, i32) {
    %c0_i32 = arith.constant 0 : i32
    %c0_i32_0 = arith.constant 0 : i32
    %c0_i32_1 = arith.constant 0 : i32
    return %c0_i32, %arg0, %c0_i32_0 : i32, i32, i32
  }
  func.func @transform_1(%arg0: i32) -> (i32, i32, i32) {
    %c0_i32 = arith.constant 0 : i32
    %c0_i32_0 = arith.constant 0 : i32
    %c0_i32_1 = arith.constant 0 : i32
    return %c0_i32, %arg0, %c0_i32_0 : i32, i32, i32
  }
  func.func @transform_2(%arg0: i32) -> (i32, i32) {
    %c0_i32 = arith.constant 0 : i32
    %c0_i32_0 = arith.constant 0 : i32
    return %arg0, %c0_i32 : i32, i32
  }
  func.func @transform_3(%arg0: i32) -> (i32, i32) {
    %c0_i32 = arith.constant 0 : i32
    %c0_i32_0 = arith.constant 0 : i32
    %c0_i32_1 = arith.constant 0 : i32
    return %c0_i32, %c0_i32_0 : i32, i32
  }
  func.func @transform_4(%arg0: i32) -> (i32, i32) {
    %c0_i32 = arith.constant 0 : i32
    %c0_i32_0 = arith.constant 0 : i32
    %c0_i32_1 = arith.constant 0 : i32
    return %c0_i32, %c0_i32_0 : i32, i32
  }
  func.func @transform_5(%arg0: i32) -> (i32, i32, i32) {
    %c0_i32 = arith.constant 0 : i32
    %c0_i32_0 = arith.constant 0 : i32
    %c0_i32_1 = arith.constant 0 : i32
    return %c0_i32, %arg0, %c0_i32_0 : i32, i32, i32
  }
}

module attributes {stable_mosaic.version = 14 : i64} {
  func.func @_k4_body(%arg0: i32, %arg1: memref<2x1264x16xf32, #tpu.memory_space<vmem>>, %arg2: memref<2x1264x16xf32, #tpu.memory_space<vmem>>, %arg3: memref<1264x16xf32, #tpu.memory_space<vmem>>, %arg4: memref<24x256xf32, #tpu.memory_space<vmem>>, %arg5: memref<1x256xf32, #tpu.memory_space<vmem>>, %arg6: memref<256x24xf32, #tpu.memory_space<vmem>>, %arg7: memref<1x24xf32, #tpu.memory_space<vmem>>, %arg8: memref<24x18xf32, #tpu.memory_space<vmem>>, %arg9: memref<1x18xf32, #tpu.memory_space<vmem>>, %arg10: memref<18x12xf32, #tpu.memory_space<vmem>>, %arg11: memref<1x12xf32, #tpu.memory_space<vmem>>, %arg12: memref<1264x16xf32, #tpu.memory_space<vmem>>) attributes {dimension_semantics = [#tpu.dimension_semantics<arbitrary>], iteration_bounds = array<i64: 8>, scalar_prefetch = 0 : i64, scratch_operands = 0 : i64, tpu.core_type = #tpu.core_type<tc>, window_params = [{transform_indices = @transform_0, window_bounds = array<i64: 2, 1264, 16>}, {transform_indices = @transform_1, window_bounds = array<i64: 2, 1264, 16>}, {transform_indices = @transform_2, window_bounds = array<i64: 1264, 16>}, {pipeline_mode = #tpu.pipeline_mode<synchronous>, transform_indices = @transform_3, window_bounds = array<i64: 24, 256>}, {pipeline_mode = #tpu.pipeline_mode<synchronous>, transform_indices = @transform_4, window_bounds = array<i64: 1, 256>}, {pipeline_mode = #tpu.pipeline_mode<synchronous>, transform_indices = @transform_5, window_bounds = array<i64: 256, 24>}, {pipeline_mode = #tpu.pipeline_mode<synchronous>, transform_indices = @transform_6, window_bounds = array<i64: 1, 24>}, {pipeline_mode = #tpu.pipeline_mode<synchronous>, transform_indices = @transform_7, window_bounds = array<i64: 24, 18>}, {pipeline_mode = #tpu.pipeline_mode<synchronous>, transform_indices = @transform_8, window_bounds = array<i64: 1, 18>}, {pipeline_mode = #tpu.pipeline_mode<synchronous>, transform_indices = @transform_9, window_bounds = array<i64: 18, 12>}, {pipeline_mode = #tpu.pipeline_mode<synchronous>, transform_indices = @transform_10, window_bounds = array<i64: 1, 12>}, {transform_indices = @transform_11, window_bounds = array<i64: 1264, 16>}]} {
    %get3A = arith.constant 0 : index
    %get3A_0 = arith.constant 0 : index
    %get3A_1 = vector.load %arg3[%get3A, %get3A_0] : memref<1264x16xf32, #tpu.memory_space<vmem>>, vector<1264x1xf32>
    %get3A_2 = arith.constant 0 : index
    %get3A_3 = arith.constant 0 : index
    %get3A_4 = arith.constant 0 : index
    %get3A_5 = vector.load %arg1[%get3A_2, %get3A_3, %get3A_4] : memref<2x1264x16xf32, #tpu.memory_space<vmem>>, vector<1x1264x16xf32>
    %get3A_6 = vector.shape_cast %get3A_5 : vector<1x1264x16xf32> to vector<1264x16xf32>
    %get3A_7 = arith.constant 0 : index
    %get3A_8 = arith.constant 0 : index
    %get3A_9 = arith.constant 0 : index
    %get3A_10 = vector.load %arg2[%get3A_7, %get3A_8, %get3A_9] : memref<2x1264x16xf32, #tpu.memory_space<vmem>>, vector<1x1264x16xf32>
    %get3A_11 = vector.shape_cast %get3A_10 : vector<1x1264x16xf32> to vector<1264x16xf32>
    %add3A = arith.addf %get3A_6, %get3A_11 : vector<1264x16xf32>
    %get3A_12 = arith.constant 1 : index
    %get3A_13 = arith.constant 0 : index
    %get3A_14 = arith.constant 0 : index
    %get3A_15 = vector.load %arg1[%get3A_12, %get3A_13, %get3A_14] : memref<2x1264x16xf32, #tpu.memory_space<vmem>>, vector<1x1264x16xf32>
    %get3A_16 = vector.shape_cast %get3A_15 : vector<1x1264x16xf32> to vector<1264x16xf32>
    %get3A_17 = arith.constant 1 : index
    %get3A_18 = arith.constant 0 : index
    %get3A_19 = arith.constant 0 : index
    %get3A_20 = vector.load %arg2[%get3A_17, %get3A_18, %get3A_19] : memref<2x1264x16xf32, #tpu.memory_space<vmem>>, vector<1x1264x16xf32>
    %get3A_21 = vector.shape_cast %get3A_20 : vector<1x1264x16xf32> to vector<1264x16xf32>
    %add3A_22 = arith.addf %get3A_16, %get3A_21 : vector<1264x16xf32>
    %slice3A = vector.extract_strided_slice %add3A_22 {offsets = [0, 0], sizes = [1264, 8], strides = [1, 1]} : vector<1264x16xf32> to vector<1264x8xf32>
    %concatenate3A = tpu.concatenate %add3A, %slice3A in 1 : vector<1264x16xf32>, vector<1264x8xf32> -> vector<1264x24xf32>
    %mul3A = vector.broadcast %get3A_1 : vector<1264x1xf32> to vector<1264x24xf32>
    %mul3A_23 = arith.mulf %mul3A, %concatenate3A : vector<1264x24xf32>
    %get3A_24 = arith.constant 0 : index
    %get3A_25 = arith.constant 0 : index
    %get3A_26 = vector.load %arg4[%get3A_24, %get3A_25] : memref<24x256xf32, #tpu.memory_space<vmem>>, vector<24x256xf32>
    %dot_general3A = arith.constant dense<0.000000e+00> : vector<1264x256xf32>
    %dot_general3A_27 = tpu.matmul %mul3A_23, %get3A_26, %dot_general3A {dimension_numbers = #tpu.dot_dimension_numbers<[1], [0], [0], [1], [0, 0, 1, 1], [], []>, transpose_lhs_hint = false} : vector<1264x24xf32>, vector<24x256xf32>, vector<1264x256xf32> -> vector<1264x256xf32>
    %get3A_28 = arith.constant 0 : index
    %get3A_29 = arith.constant 0 : index
    %get3A_30 = vector.load %arg5[%get3A_28, %get3A_29] : memref<1x256xf32, #tpu.memory_space<vmem>>, vector<1x256xf32>
    %add3A_31 = vector.broadcast %get3A_30 : vector<1x256xf32> to vector<1264x256xf32>
    %add3A_32 = arith.addf %dot_general3A_27, %add3A_31 : vector<1264x256xf32>
    %tanh3A = math.tanh %add3A_32 : vector<1264x256xf32>
    %get3A_33 = arith.constant 0 : index
    %get3A_34 = arith.constant 0 : index
    %get3A_35 = vector.load %arg6[%get3A_33, %get3A_34] : memref<256x24xf32, #tpu.memory_space<vmem>>, vector<256x24xf32>
    %dot_general3A_36 = arith.constant dense<0.000000e+00> : vector<1264x24xf32>
    %dot_general3A_37 = tpu.matmul %tanh3A, %get3A_35, %dot_general3A_36 {dimension_numbers = #tpu.dot_dimension_numbers<[1], [0], [0], [1], [0, 0, 1, 1], [], []>, transpose_lhs_hint = false} : vector<1264x256xf32>, vector<256x24xf32>, vector<1264x24xf32> -> vector<1264x24xf32>
    %get3A_38 = arith.constant 0 : index
    %get3A_39 = arith.constant 0 : index
    %get3A_40 = vector.load %arg7[%get3A_38, %get3A_39] : memref<1x24xf32, #tpu.memory_space<vmem>>, vector<1x24xf32>
    %add3A_41 = vector.broadcast %get3A_40 : vector<1x24xf32> to vector<1264x24xf32>
    %add3A_42 = arith.addf %dot_general3A_37, %add3A_41 : vector<1264x24xf32>
    %tanh3A_43 = math.tanh %add3A_42 : vector<1264x24xf32>
    %get3A_44 = arith.constant 0 : index
    %get3A_45 = arith.constant 0 : index
    %get3A_46 = vector.load %arg8[%get3A_44, %get3A_45] : memref<24x18xf32, #tpu.memory_space<vmem>>, vector<24x18xf32>
    %dot_general3A_47 = arith.constant dense<0.000000e+00> : vector<1264x18xf32>
    %dot_general3A_48 = tpu.matmul %tanh3A_43, %get3A_46, %dot_general3A_47 {dimension_numbers = #tpu.dot_dimension_numbers<[1], [0], [0], [1], [0, 0, 1, 1], [], []>, transpose_lhs_hint = false} : vector<1264x24xf32>, vector<24x18xf32>, vector<1264x18xf32> -> vector<1264x18xf32>
    %get3A_49 = arith.constant 0 : index
    %get3A_50 = arith.constant 0 : index
    %get3A_51 = vector.load %arg9[%get3A_49, %get3A_50] : memref<1x18xf32, #tpu.memory_space<vmem>>, vector<1x18xf32>
    %add3A_52 = vector.broadcast %get3A_51 : vector<1x18xf32> to vector<1264x18xf32>
    %add3A_53 = arith.addf %dot_general3A_48, %add3A_52 : vector<1264x18xf32>
    %tanh3A_54 = math.tanh %add3A_53 : vector<1264x18xf32>
    %get3A_55 = arith.constant 0 : index
    %get3A_56 = arith.constant 0 : index
    %get3A_57 = vector.load %arg10[%get3A_55, %get3A_56] : memref<18x12xf32, #tpu.memory_space<vmem>>, vector<18x12xf32>
    %dot_general3A_58 = arith.constant dense<0.000000e+00> : vector<1264x12xf32>
    %dot_general3A_59 = tpu.matmul %tanh3A_54, %get3A_57, %dot_general3A_58 {dimension_numbers = #tpu.dot_dimension_numbers<[1], [0], [0], [1], [0, 0, 1, 1], [], []>, transpose_lhs_hint = false} : vector<1264x18xf32>, vector<18x12xf32>, vector<1264x12xf32> -> vector<1264x12xf32>
    %get3A_60 = arith.constant 0 : index
    %get3A_61 = arith.constant 0 : index
    %get3A_62 = vector.load %arg11[%get3A_60, %get3A_61] : memref<1x12xf32, #tpu.memory_space<vmem>>, vector<1x12xf32>
    %add3A_63 = vector.broadcast %get3A_62 : vector<1x12xf32> to vector<1264x12xf32>
    %add3A_64 = arith.addf %dot_general3A_59, %add3A_63 : vector<1264x12xf32>
    %tanh3A_65 = math.tanh %add3A_64 : vector<1264x12xf32>
    %broadcast_in_dim3A = arith.constant 0.000000e+00 : f32
    %broadcast_in_dim3A_66 = vector.broadcast %broadcast_in_dim3A : f32 to vector<1264x4xf32>
    %concatenate3A_67 = tpu.concatenate %tanh3A_65, %broadcast_in_dim3A_66 in 1 : vector<1264x12xf32>, vector<1264x4xf32> -> vector<1264x16xf32>
    %swap3A = arith.constant 0 : index
    %swap3A_68 = arith.constant 0 : index
    %swap3A_69 = vector.load %arg12[%swap3A, %swap3A_68] : memref<1264x16xf32, #tpu.memory_space<vmem>>, vector<1264x16xf32>
    tpu.vector_store %arg12[%swap3A, %swap3A_68], %concatenate3A_67 {strides = array<i32>} : memref<1264x16xf32, #tpu.memory_space<vmem>>, vector<1264x16xf32>,
    return
  }
  func.func @transform_0(%arg0: i32) -> (i32, i32, i32) {
    %c0_i32 = arith.constant 0 : i32
    %c0_i32_0 = arith.constant 0 : i32
    %c0_i32_1 = arith.constant 0 : i32
    return %c0_i32, %arg0, %c0_i32_0 : i32, i32, i32
  }
  func.func @transform_1(%arg0: i32) -> (i32, i32, i32) {
    %c0_i32 = arith.constant 0 : i32
    %c0_i32_0 = arith.constant 0 : i32
    %c0_i32_1 = arith.constant 0 : i32
    return %c0_i32, %arg0, %c0_i32_0 : i32, i32, i32
  }
  func.func @transform_2(%arg0: i32) -> (i32, i32) {
    %c0_i32 = arith.constant 0 : i32
    %c0_i32_0 = arith.constant 0 : i32
    return %arg0, %c0_i32 : i32, i32
  }
  func.func @transform_3(%arg0: i32) -> (i32, i32) {
    %c0_i32 = arith.constant 0 : i32
    %c0_i32_0 = arith.constant 0 : i32
    %c0_i32_1 = arith.constant 0 : i32
    return %c0_i32, %c0_i32_0 : i32, i32
  }
  func.func @transform_4(%arg0: i32) -> (i32, i32) {
    %c0_i32 = arith.constant 0 : i32
    %c0_i32_0 = arith.constant 0 : i32
    %c0_i32_1 = arith.constant 0 : i32
    return %c0_i32, %c0_i32_0 : i32, i32
  }
  func.func @transform_5(%arg0: i32) -> (i32, i32) {
    %c0_i32 = arith.constant 0 : i32
    %c0_i32_0 = arith.constant 0 : i32
    %c0_i32_1 = arith.constant 0 : i32
    return %c0_i32, %c0_i32_0 : i32, i32
  }
  func.func @transform_6(%arg0: i32) -> (i32, i32) {
    %c0_i32 = arith.constant 0 : i32
    %c0_i32_0 = arith.constant 0 : i32
    %c0_i32_1 = arith.constant 0 : i32
    return %c0_i32, %c0_i32_0 : i32, i32
  }
  func.func @transform_7(%arg0: i32) -> (i32, i32) {
    %c0_i32 = arith.constant 0 : i32
    %c0_i32_0 = arith.constant 0 : i32
    %c0_i32_1 = arith.constant 0 : i32
    return %c0_i32, %c0_i32_0 : i32, i32
  }
  func.func @transform_8(%arg0: i32) -> (i32, i32) {
    %c0_i32 = arith.constant 0 : i32
    %c0_i32_0 = arith.constant 0 : i32
    %c0_i32_1 = arith.constant 0 : i32
    return %c0_i32, %c0_i32_0 : i32, i32
  }
  func.func @transform_9(%arg0: i32) -> (i32, i32) {
    %c0_i32 = arith.constant 0 : i32
    %c0_i32_0 = arith.constant 0 : i32
    %c0_i32_1 = arith.constant 0 : i32
    return %c0_i32, %c0_i32_0 : i32, i32
  }
  func.func @transform_10(%arg0: i32) -> (i32, i32) {
    %c0_i32 = arith.constant 0 : i32
    %c0_i32_0 = arith.constant 0 : i32
    %c0_i32_1 = arith.constant 0 : i32
    return %c0_i32, %c0_i32_0 : i32, i32
  }
  func.func @transform_11(%arg0: i32) -> (i32, i32) {
    %c0_i32 = arith.constant 0 : i32
    %c0_i32_0 = arith.constant 0 : i32
    return %arg0, %c0_i32 : i32, i32
  }
}

module attributes {stable_mosaic.version = 14 : i64} {
  func.func @_k5_body(%arg0: i32, %arg1: memref<6400x32xf32, #tpu.memory_space<vmem>>, %arg2: memref<24x10xf32, #tpu.memory_space<vmem>>, %arg3: memref<1x10xf32, #tpu.memory_space<vmem>>, %arg4: memref<24x6400xf32, #tpu.memory_space<vmem>>, %arg5: memref<10x6400xf32, #tpu.memory_space<vmem>>) attributes {dimension_semantics = [#tpu.dimension_semantics<arbitrary>], iteration_bounds = array<i64: 50>, scalar_prefetch = 0 : i64, scratch_operands = 0 : i64, tpu.core_type = #tpu.core_type<tc>, window_params = [{transform_indices = @transform_0, window_bounds = array<i64: 6400, 32>}, {pipeline_mode = #tpu.pipeline_mode<synchronous>, transform_indices = @transform_1, window_bounds = array<i64: 24, 10>}, {pipeline_mode = #tpu.pipeline_mode<synchronous>, transform_indices = @transform_2, window_bounds = array<i64: 1, 10>}, {transform_indices = @transform_3, window_bounds = array<i64: 24, 6400>}, {transform_indices = @transform_4, window_bounds = array<i64: 10, 6400>}]} {
    %get3A = arith.constant 0 : index
    %get3A_0 = arith.constant 0 : index
    %get3A_1 = vector.load %arg1[%get3A, %get3A_0] : memref<6400x32xf32, #tpu.memory_space<vmem>>, vector<6400x12xf32>
    %get3A_2 = arith.constant 0 : index
    %get3A_3 = arith.constant 16 : index
    %get3A_4 = vector.load %arg1[%get3A_2, %get3A_3] : memref<6400x32xf32, #tpu.memory_space<vmem>>, vector<6400x12xf32>
    %concatenate3A = tpu.concatenate %get3A_1, %get3A_4 in 1 : vector<6400x12xf32>, vector<6400x12xf32> -> vector<6400x24xf32>
    %transpose3A = tpu.transpose %concatenate3A, [1, 0] : vector<6400x24xf32> -> vector<24x6400xf32>
    %swap3A = arith.constant 0 : index
    %swap3A_5 = arith.constant 0 : index
    %swap3A_6 = vector.load %arg4[%swap3A, %swap3A_5] : memref<24x6400xf32, #tpu.memory_space<vmem>>, vector<24x6400xf32>
    tpu.vector_store %arg4[%swap3A, %swap3A_5], %transpose3A {strides = array<i32>} : memref<24x6400xf32, #tpu.memory_space<vmem>>, vector<24x6400xf32>,
    %get3A_7 = arith.constant 0 : index
    %get3A_8 = arith.constant 0 : index
    %get3A_9 = vector.load %arg2[%get3A_7, %get3A_8] : memref<24x10xf32, #tpu.memory_space<vmem>>, vector<24x10xf32>
    %dot_general3A = arith.constant dense<0.000000e+00> : vector<6400x10xf32>
    %dot_general3A_10 = tpu.matmul %concatenate3A, %get3A_9, %dot_general3A {dimension_numbers = #tpu.dot_dimension_numbers<[1], [0], [0], [1], [0, 0, 1, 1], [], []>, transpose_lhs_hint = false} : vector<6400x24xf32>, vector<24x10xf32>, vector<6400x10xf32> -> vector<6400x10xf32>
    %get3A_11 = arith.constant 0 : index
    %get3A_12 = arith.constant 0 : index
    %get3A_13 = vector.load %arg3[%get3A_11, %get3A_12] : memref<1x10xf32, #tpu.memory_space<vmem>>, vector<1x10xf32>
    %add3A = vector.broadcast %get3A_13 : vector<1x10xf32> to vector<6400x10xf32>
    %add3A_14 = arith.addf %dot_general3A_10, %add3A : vector<6400x10xf32>
    %transpose3A_15 = tpu.transpose %add3A_14, [1, 0] : vector<6400x10xf32> -> vector<10x6400xf32>
    %swap3A_16 = arith.constant 0 : index
    %swap3A_17 = arith.constant 0 : index
    %swap3A_18 = vector.load %arg5[%swap3A_16, %swap3A_17] : memref<10x6400xf32, #tpu.memory_space<vmem>>, vector<10x6400xf32>
    tpu.vector_store %arg5[%swap3A_16, %swap3A_17], %transpose3A_15 {strides = array<i32>} : memref<10x6400xf32, #tpu.memory_space<vmem>>, vector<10x6400xf32>,
    return
  }
  func.func @transform_0(%arg0: i32) -> (i32, i32) {
    %c0_i32 = arith.constant 0 : i32
    %c0_i32_0 = arith.constant 0 : i32
    return %arg0, %c0_i32 : i32, i32
  }
  func.func @transform_1(%arg0: i32) -> (i32, i32) {
    %c0_i32 = arith.constant 0 : i32
    %c0_i32_0 = arith.constant 0 : i32
    %c0_i32_1 = arith.constant 0 : i32
    return %c0_i32, %c0_i32_0 : i32, i32
  }
  func.func @transform_2(%arg0: i32) -> (i32, i32) {
    %c0_i32 = arith.constant 0 : i32
    %c0_i32_0 = arith.constant 0 : i32
    %c0_i32_1 = arith.constant 0 : i32
    return %c0_i32, %c0_i32_0 : i32, i32
  }
  func.func @transform_3(%arg0: i32) -> (i32, i32) {
    %c0_i32 = arith.constant 0 : i32
    %c0_i32_0 = arith.constant 0 : i32
    return %c0_i32, %arg0 : i32, i32
  }
  func.func @transform_4(%arg0: i32) -> (i32, i32) {
    %c0_i32 = arith.constant 0 : i32
    %c0_i32_0 = arith.constant 0 : i32
    return %c0_i32, %arg0 : i32, i32
  }
}

</mosaic_0001>

<sc_bundles>
// kernel: kernel.12.cloned.1.call-start
scs
__scs_entry_jumppad:
0x0: {  	(pc) =	sbr.rel $0x88, $3  }
0x1: {  	(tag) =	ssettag $0x0;
	lr =	simm.s32 $0x1  }
0x2: {  	[smem:$0x3F91] =	sst lr;
	_ =	strace $0xD0000000  }
0x3: {  	_ = 	snop  }
0x4: {  	_ = 	snop  }
0x5: {  	_ = 	snop  }
0x6: {  	_ = 	snop  }
0x7: {  	_ = 	snop  }
__scs_overlays_trampoline_lowered:
0x8: {  	[smem:$0x3FA0] =	sst s0  }
0x9: {  	[smem:$0x3FA1] =	sst s1  }
0xa: {  	[smem:$0x3FA2] =	sst s2  }
0xb: {  	[smem:$0x3FA3] =	sst s3  }
0xc: {  	[smem:$0x3FA4] =	sst s4  }
0xd: {  	[smem:$0x3FA5] =	sst s5  }
0xe: {  	[smem:$0x3FA6] =	sst s6  }
0xf: {  	[smem:$0x3FA7] =	sst s7  }
0x10: {  	[smem:$0x3FA8] =	sst s8  }
0x11: {  	[smem:$0x3FA9] =	sst s9;
	s0 =	simm.s32 @!p0 $0x0  }
0x12: {  	s1 =	sld [smem:$0x3F8F];
	s0 =	simm.s32 @p0 $0x1  }
0x13: {  	[smem:$0x3FAA] =	sst s0;
	s0 =	simm.s32 @!p1 $0x0  }
0x14: {  	s2 =	sld [smem:$0x3F8E];
	s0 =	simm.s32 @p1 $0x1  }
0x15: {  	[smem:$0x3FAB] =	sst s0;
	s0 =	simm.s32 @!p2 $0x0  }
0x16: {  	s3 =	sld [smem:$0x3FDB];
	s0 =	simm.s32 @p2 $0x1  }
0x17: {  	s4 =	simm.s32 $0x1BF5;
	[smem:$0x3FAD] =	sst s0  }
0x18: {  	s0 =	sld [smem:$0x3F90];
	_ =	swait.ge [sflag:s4], $0x0  }
0x19: {  	s7 =	sld [smem:$0x3F91]  }
0x1a: {  	s8 =	sadd.s32 $0xFFFFE003, lr  }
0x1b: {  	s9 =	sadd.s32 $0xFFFFFEF7, lr;
	s5 =	simm.s32 $0xFFFFFFFF;
	p2 =	slt.u32 s8, $0xFFFFF086  }
0x1c: {  	p1 =	slt.u32 s9, $0xF7A;
	s5 =	simm.s32 @!p2 $0x0  }
0x1d: {  	s5 =	simm.s32 @p1 $0x1;
	p0 =	seq.s32 s7, s2  }
0x1e: {  	s7 =	smul.u32 @!p0 $0xF7A, s2;
	p2 =	seq.s32 @!p0 s5, $0x0  }
0x1f: {  	s9 =	smul.u32 $0xF7A, s1;
	s8 =	simm.s32 @!p0 $0x1BF5;
	p2 =	por !p2, p0  }
0x20: {  	[sflag:s8] =	ssyncset.s32 @!p0 $0xFFFFF086;
	s6 =	sadd.s32 @!p0 s3, s7;
	s7 =	simm.s32 @!p0 $0x108  }
0x21: {  	s3 =	sadd.s32 s3, s9;
	s6 =	sadd.s32 @!p0 $0x88, s6;
	s7 =	simm.s32 @p2 $0x1082  }
0x22: {  	[simem:s7], [sflag:s8] =	dma.local @!p0 [hbm:s6], $0xF7A  }
0x23: {  	s9 =	sor.u32 $0xD0000000, s2;
	s6 =	simm.s32 $0x108;
	_ =	swait.ge @!p0 [sflag:s8], $0x0  }
0x24: {  	s3 =	sadd.s32 $0x88, s3;
	s6 =	simm.s32 @!p1 $0x1082;
	[sflag:s4] =	ssyncset.s32 $0xFFFFF086  }
0x25: {  	[simem:s6], [sflag:s4] =	dma.local [hbm:s3], $0xF7A  }
0x26: {  	[smem:$0x3F91] =	sst s1;
	(tag) =	ssettag s2;
	_ =	strace s9  }
0x27: {  	s1 =	sld [smem:$0x3FA1]  }
0x28: {  	s2 =	sld [smem:$0x3FA2]  }
0x29: {  	s4 =	sld [smem:$0x3FA4]  }
0x2a: {  	p0 =	seq.s32 s5, $0x0;
	s5 =	sld [smem:$0x3FA5]  }
0x2b: {  	s6 =	sld [smem:$0x3FA6]  }
0x2c: {  	s7 =	sld [smem:$0x3FA7]  }
0x2d: {  	s3 =	simm.s32 $0x108;
	s8 =	sld [smem:$0x3FA8]  }
0x2e: {  	s3 =	simm.s32 @!p0 $0x1082;
	s9 =	sld [smem:$0x3FA9]  }
0x2f: {  	lr =	sadd.s32 s0, s3;
	s0 =	sld [smem:$0x3FA0]  }
0x30: {  	s3 =	sld [smem:$0x3FA3]  }
0x31: {  	[smem:$0x3FAC] =	sst s10  }
0x32: {  	s10 =	sld [smem:$0x3FAA];
	_ =	sdelay $0x3  }
0x33: {  	p0 =	seq.s32 s10, $0x1;
	s10 =	sld [smem:$0x3FAC];
	_ =	sdelay $0x3  }
0x34: {  	[smem:$0x3FAC] =	sst s10  }
0x35: {  	s10 =	sld [smem:$0x3FAB];
	_ =	sdelay $0x3  }
0x36: {  	p1 =	seq.s32 s10, $0x1;
	s10 =	sld [smem:$0x3FAC];
	_ =	sdelay $0x3  }
0x37: {  	[smem:$0x3FAC] =	sst s10  }
0x38: {  	s10 =	sld [smem:$0x3FAD]  }
0x39: {  	_ = 	snop;
	(pc) =	sbr.ind lr, $3  }
0x3a: {  	_ = 	snop  }
0x3b: {  	_ = 	snop  }
0x3c: {  	p2 =	seq.s32 s10, $0x1;
	s10 =	sld [smem:$0x3FAC]  }
0x3d: {  	_ =	shalt  }
0x3e: {  	_ =	shalt  }
0x3f: {  	_ =	shalt  }
0x40: {  	_ =	shalt  }
0x41: {  	_ =	shalt  }
0x42: {  	_ =	shalt  }
0x43: {  	_ =	shalt  }
0x44: {  	_ =	shalt  }
0x45: {  	_ =	shalt  }
0x46: {  	_ =	shalt  }
0x47: {  	_ =	shalt  }
0x48: {  	_ =	shalt  }
0x49: {  	_ =	shalt  }
0x4a: {  	_ =	shalt  }
0x4b: {  	_ =	shalt  }
0x4c: {  	_ =	shalt  }
0x4d: {  	_ =	shalt  }
0x4e: {  	_ =	shalt  }
0x4f: {  	_ =	shalt  }
0x50: {  	_ =	shalt  }
0x51: {  	_ =	shalt  }
0x52: {  	_ =	shalt  }
0x53: {  	_ =	shalt  }
0x54: {  	_ =	shalt  }
0x55: {  	_ =	shalt  }
0x56: {  	_ =	shalt  }
0x57: {  	_ =	shalt  }
0x58: {  	_ =	shalt  }
0x59: {  	_ =	shalt  }
0x5a: {  	_ =	shalt  }
0x5b: {  	_ =	shalt  }
0x5c: {  	_ =	shalt  }
0x5d: {  	_ =	shalt  }
0x5e: {  	_ =	shalt  }
0x5f: {  	_ =	shalt  }
0x60: {  	_ =	shalt  }
0x61: {  	_ =	shalt  }
0x62: {  	_ =	shalt  }
0x63: {  	_ =	shalt  }
0x64: {  	_ =	shalt  }
0x65: {  	_ =	shalt  }
0x66: {  	_ =	shalt  }
0x67: {  	_ =	shalt  }
0x68: {  	_ =	shalt  }
0x69: {  	_ =	shalt  }
0x6a: {  	_ =	shalt  }
0x6b: {  	_ =	shalt  }
0x6c: {  	_ =	shalt  }
0x6d: {  	_ =	shalt  }
0x6e: {  	_ =	shalt  }
0x6f: {  	_ =	shalt  }
0x70: {  	_ =	shalt  }
0x71: {  	_ =	shalt  }
0x72: {  	_ =	shalt  }
0x73: {  	_ =	shalt  }
0x74: {  	_ =	shalt  }
0x75: {  	_ =	shalt  }
0x76: {  	_ =	shalt  }
0x77: {  	_ =	shalt  }
0x78: {  	_ =	shalt  }
0x79: {  	_ =	shalt  }
0x7a: {  	_ =	shalt  }
0x7b: {  	_ =	shalt  }
0x7c: {  	_ =	shalt  }
0x7d: {  	_ =	shalt  }
0x7e: {  	_ =	shalt  }
0x7f: {  	_ =	shalt  }
0x80: {  	_ =	shalt  }
0x81: {  	_ =	shalt  }
0x82: {  	_ =	shalt  }
0x83: {  	_ =	shalt  }
0x84: {  	_ =	shalt  }
0x85: {  	_ =	shalt  }
0x86: {  	_ =	shalt  }
0x87: {  	_ =	shalt  }
.Lfunc_end0:
.L_simem_size_0:
called_computation.1_lowered:
.L_overlay_start_0:
0x88: {  	s2 =	sld [smem:$0x3FD9]  }
0x89: {  	s3 =	sld [smem:$0x3FFE];
	_ =	sdelay $0x1  }
0x8a: {  	s1 =	srdreg.scid  }
0x8b: {  	s0 =	sand.u32 $0x1, s1  }
0x8c: {  	s14 =	sshll.u32 s0, $0xA;
	s2 =	sadd.s32 s3, s2  }
0x8d: {  	s2 =	sadd.s32 s2, s14  }
0x8e: {  	[smem:$0x3FB8] =	sst s2  }
0x8f: {  	_ = 	snop  }
0x90: {  	s2 =	sld [smem:$0x3FD0];
	_ =	sdelay $0x2  }
0x91: {  	s15 =	simm.s32 $0xA;
	s4 =	simm.s32 $0x10  }
0x92: {  	[smem:s4], [sflag:s15] =	dma.local [hbm:s2], $0x1  }
0x93: {  	_ =	swait.eq [sflag:s15], $0x1  }
0x94: {  	[sflag:s15] =	ssyncset.done $0x0  }
0x95: {  	[sflag:s15] =	ssyncadd.s32 $0xFFFFFFFF  }
0x96: {  	s16 =	sld [smem:$0x11];
	(tm) =	ssettm $0x1  }
0x97: {  	s17 =	sld [smem:$0x3FFB];
	_ =	sdelay $0x3  }
0x98: {  	_ =	strace s17  }
0x99: {  	s3 =	sld [smem:$0x3FFC];
	_ =	sdelay $0x3  }
0x9a: {  	_ =	strace s3  }
0x9b: {  	s3 =	sld [smem:$0x3FFD];
	_ =	sdelay $0x3  }
0x9c: {  	_ =	strace s3  }
0x9d: {  	_ =	strace $0x8FFFFFFF  }
0x9e: {  	s18 =	sld [smem:$0x3FDB];
	_ =	sdelay $0x1  }
0x9f: {  	s19 =	simm.s32 $_scs_section_size  }
0xa0: {  	s5 =	simm.s32 $_size__tile_overlayer_lowered;
	s6 =	simm.s32 $_tile_overlayer_lowered  }
0xa1: {  	s22 =	simm.s32 $0x1BFF;
	s21 =	sshll.u32 s6, $0x1;
	s3 =	sadd.s32 s19, s18  }
0xa2: {  	s7 =	simm.s32 $0x0;
	s20 =	sshll.u32 s5, $0x1;
	s5 =	sadd.s32 s21, s3  }
0xa3: {  	[timem:s7], [sflag:s22] =	dma.local [hbm:s5], s20  }
0xa4: {  	_ =	swait.ge [sflag:s22], s20  }
0xa5: {  	s4 =	ssub.s32 $0x0, s20;
	[sflag:s22] =	ssyncset.done $0x0  }
0xa6: {  	[sflag:s22] =	ssyncadd.s32 s4;
	_ =	sdelay $0x1  }
0xa7: {  	s23 =	simm.s32 $0x1B8B  }
0xa8: {  	_ =	swait.ge [sflag:s23], $0x1  }
0xa9: {  	[sflag:s23] =	ssyncset.done $0x0  }
0xaa: {  	s25 =	simm.s32 $0x1B8E;
	s24 =	sld [smem:$0x3FFE];
	[sflag:s23] =	ssyncadd.s32 $0xFFFFFFFF  }
0xab: {  	s26 =	simm.s32 $execute0_lowered;
	[smem:$0x3FD2] =	sst s25  }
0xac: {  	s5 =	sshll.u32 s26, $0x1;
	_ =	strace $0x80000049;
	[dreg:$0x1] =	wrdreg $0xFFFFFFFF  }
0xad: {  	s28 =	simm.s32 $_size_execute0_lowered;
	s3 =	sadd.s32 s3, s5;
	[dreg:$0x0] =	wrdreg $0x0  }
0xae: {  	s5 =	sshll.u32 s28, $0x1;
	[dreg:$0x2] =	wrdreg s3  }
0xaf: {  	[dreg:$0x3] =	wrdreg s5  }
0xb0: {  	[dreg:$0x4] =	wrdreg $0xC0  }
0xb1: {  	_ =	task [dreg:s7], $0x5FFFF  }
0xb2: {  	[dreg:$0x1] =	wrdreg $0xFFFFFFFF  }
0xb3: {  	[dreg:$0x0] =	wrdreg $0x60  }
0xb4: {  	[dreg:$0x2] =	wrdreg s16  }
0xb5: {  	[dreg:$0x3] =	wrdreg s24  }
0xb6: {  	[dreg:$0x4] =	wrdreg $0xA0000  }
0xb7: {  	[dreg:$0x5] =	wrdreg $0x9  }
0xb8: {  	_ =	task.clear_ibuf [dreg:s7], $0x6FFFF;
	_ =	strace $0x90000049  }
0xb9: {  	s29 =	simm.s32 $0x9;
	_ =	strace $0x8000004B  }
0xba: {  	_ =	swait.ge [sflag:s29], $0x1  }
0xbb: {  	[sflag:s29] =	ssyncadd.s32 $0xFFFFFFFF  }
0xbc: {  	_ =	strace $0x9000004B  }
0xbd: {  	_ =	sfence  }
0xbe: {  	s30 =	sld [smem:$0x0];
	_ =	sdelay $0x2  }
0xbf: {  	s31 =	sshll.u32 s1, $0xD;
	s1 =	sshrl.u32 s1, $0x2  }
0xc0: {  	s3 =	sand.u32 $0x4000, s31;
	s1 =	sadd.s32 s1, s30  }
0xc1: {  	s0 =	sor.u32 s3, s0;
	s1 =	sshll.u32 s1, $0x11  }
0xc2: {  	s0 =	sor.u32 s1, s0  }
0xc3: {  	s0 =	sadd.s32 $0x8F2B, s0  }
0xc4: {  	[sflag:s0] =	ssyncadd.remote.s32 $0x1  }
0xc5: {  	_ =	sfence.sel $0xFFFF  }
0xc6: {  	[dreg:$0x0] =	wrdreg $0xFFFFFFFF;
	(pc) =	sbr.abs _section_cstart, $3  }
0xc7: {  	[dreg:$0x1] =	wrdreg $0xFFFFFFFF  }
0xc8: {  	_ =	task.clear_ibuf [dreg:s7], $0x2FFFF;
	_ =	strace $0x9FFFFFFF  }
0xc9: {  	(tm) =	ssettm $0x7FFFFFFF  }
tec
execute0_lowered:
.L_overlay_start_1:
0x0: {  	(tag) =	ssettag $0x1  }
0x1: {  	s0 =	rddreg [dreg:$0x0]  }
0x2: {  	s1 =	rddreg [dreg:$0x1]  }
0x3: {  	s2 =	rddreg [dreg:$0x2]  }
0x4: {  	s12 =	stileid.u32;
	s5 =	srdreg.scid  }
0x5: {  	s3 =	simm.s32 $0x0;
	s14 =	simm.s32 $0x80;
	s15 =	simm.s32 $0xC780  }
0x6: {  	s16 =	simm.s32 $0xCF80;
	s18 =	simm.s32 $0xD780;
	s20 =	simm.s32 $0xDF80  }
0x7: {  	s21 =	simm.s32 $0x1;
	s22 =	simm.s32 $0x2;
	s23 =	simm.s32 $0x3  }
0x8: {  	s24 =	simm.s32 $0x4;
	s25 =	simm.s32 $0x5;
	s28 =	simm.s32 $0x7  }
0x9: {  	s29 =	simm.s32 $0x8;
	s31 =	simm.s32 $0x9E80;
	s4 =	smul.u32 $0xA00, s12  }
0xa: {  	s6 =	smul.u32 $0x2780, s12;
	s5 =	sand.u32 $0x1, s5;
	[smem:$0x7FF] =	sst s3  }
0xb: {  	s30 =	sshll.u32 s12, $0x6;
	s7 =	smul.u32 $0x27800, s5;
	_ =	strace $0x8000004A  }
0xc: {  	s5 =	ssub.s32 $0x2, s5;
	s12 =	sor.u32 $0x1C09, s30;
	s8 =	sadd.s32 s4, s1  }
0xd: {  	s9 =	sshrl.u32 s6, $0x3;
	s10 =	sshrl.u32 s5, $0x1;
	s11 =	sadd.s32 s6, s2  }
0xe: {  	s26 =	sadd.s32 s6, s7;
	s9 =	sadd.s32 s9, s1;
	s10 =	ssub.s32 s5, s10  }
0xf: {  	s5 =	sadd.s32 $0x16C00, s8;
	s7 =	sshrl.u32 s7, $0x3;
	s13 =	sshrl.u32 s11, $0x3  }
0x10: {  	s11 =	simm.s32 $0x0;
	s4 =	sshrl.u32 s26, $0x3;
	s6 =	sadd.s32 $0x2AE00, s9  }
0x11: {  	s7 =	sadd.s32 s0, s7;
	s9 =	smax.u32 s10, $0x1;
	s10 =	simm.s32 $0x9  }
0x12: {  	s26 =	simm.s32 $0x6;
	s0 =	simm.s32 $0x9F00;
	s1 =	sadd.s32 s4, s1  }
0x13: {  	s4 =	sadd.s32 $0x20C00, s8;
	s8 =	sadd.s32 $0x2FE00, s1;
	s1 =	simm.s32 $0x9F80  }
.LBB2_1:
0x14: {  	[tilespmem:s3], [sflag:$0x9] =	stream.linear.gather [hbm4b:s4+s3], $0x5000, $0x38;
	[tilespmem:$0xE780] =	vst v63  }
0x15: {  	_ =	swait.ge [sflag:s10], $0x5000  }
0x16: {  	[sflag:s10] =	ssyncset.done $0x0  }
0x17: {  	s17 =	simm.s32 $0x5000;
	[sflag:s10] =	ssyncadd.s32 $0xFFFFB000  }
0x18: {  	[tilespmem:s17], [sflag:$0x9] =	stream.linear.gather [hbm4b:s5+s3], $0x5000, $0x38;
	[tilespmem:$0xE780] =	vst v63  }
0x19: {  	_ =	swait.ge [sflag:s10], $0x5000  }
0x1a: {  	[sflag:s10] =	ssyncset.done $0x0  }
0x1b: {  	[sflag:s10] =	ssyncadd.s32 $0xFFFFB000  }
0x1c: {  	[spmem:s13], [sflag:s12] =	dma.local [hbm:s6], $0x4F0  }
0x1d: {  	_ =	swait.ge [sflag:s10], $0x4F0  }
0x1e: {  	[sflag:s10] =	ssyncset.done $0x0  }
0x1f: {  	[sflag:s10] =	ssyncadd.s32 $0xFFFFFB10  }
0x20: {  	[bflag:$0x0] =	sbarrier.arrive $0xFFFF  }
0x21: {  	[tilespmem:s15], [sflag:$0x1] =	stream.indirect.gather [hbm4b:s7+s14], $0x10, s3, s14, $0xb8;
	[tilespmem:$0xE780] =	vst v63  }
0x22: {  	_ = 	snop  }
0x23: {  	[tilespmem:s16], [sflag:$0x2] =	stream.indirect.gather [hbm4b:s7+s14], $0x10, s14, s14, $0xb8;
	[tilespmem:$0xE780] =	vst v63  }
0x24: {  	s30 =	simm.s32 $0x100  }
0x25: {  	[tilespmem:s18], [sflag:$0x3] =	stream.indirect.gather [hbm4b:s7+s14], $0x10, s30, s14, $0xb8;
	[tilespmem:$0xE780] =	vst v63  }
0x26: {  	s19 =	simm.s32 $0x180  }
0x27: {  	[tilespmem:s20], [sflag:$0x4] =	stream.indirect.gather [hbm4b:s7+s14], $0x10, s19, s14, $0xb8;
	[tilespmem:$0xE780] =	vst v63  }
0x28: {  	_ =	swait.ge [sflag:s21], $0x800  }
0x29: {  	[sflag:s21] =	ssyncset.done $0x0  }
0x2a: {  	s30 =	simm.s32 $0x5000;
	[sflag:s21] =	ssyncadd.s32 $0xFFFFF800  }
0x2b: {  	[spmem:s2] =	stream.indirect.scatter.add.f32 [tilespmem:s15], [sflag:$0x5], $0x10, s30, s14, $0xb8;
	[tilespmem:$0xE780] =	vst v63  }
0x2c: {  	_ =	swait.ge [sflag:s22], $0x800  }
0x2d: {  	[sflag:s22] =	ssyncset.done $0x0  }
0x2e: {  	s19 =	simm.s32 $0x5080;
	[sflag:s22] =	ssyncadd.s32 $0xFFFFF800  }
0x2f: {  	[spmem:s2] =	stream.indirect.scatter.add.f32 [tilespmem:s16], [sflag:$0x6], $0x10, s19, s14, $0xb8;
	[tilespmem:$0xE780] =	vst v63  }
0x30: {  	_ =	swait.ge [sflag:s23], $0x800  }
0x31: {  	[sflag:s23] =	ssyncset.done $0x0  }
0x32: {  	s30 =	simm.s32 $0x5100;
	[sflag:s23] =	ssyncadd.s32 $0xFFFFF800  }
0x33: {  	[spmem:s2] =	stream.indirect.scatter.add.f32 [tilespmem:s18], [sflag:$0x7], $0x10, s30, s14, $0xb8;
	[tilespmem:$0xE780] =	vst v63  }
0x34: {  	_ =	swait.ge [sflag:s24], $0x800  }
0x35: {  	[sflag:s24] =	ssyncset.done $0x0  }
0x36: {  	s19 =	simm.s32 $0x5180;
	[sflag:s24] =	ssyncadd.s32 $0xFFFFF800  }
0x37: {  	[spmem:s2] =	stream.indirect.scatter.add.f32 [tilespmem:s20], [sflag:$0x8], $0x10, s19, s14, $0xb8;
	[tilespmem:$0xE780] =	vst v63  }
0x38: {  	_ =	swait.ge [sflag:s25], $0x800  }
0x39: {  	[sflag:s25] =	ssyncset.done $0x0  }
0x3a: {  	s30 =	simm.s32 $0x200;
	[sflag:s25] =	ssyncadd.s32 $0xFFFFF800  }
0x3b: {  	[tilespmem:s15], [sflag:$0x1] =	stream.indirect.gather [hbm4b:s7+s14], $0x10, s30, s14, $0xb8;
	[tilespmem:$0xE780] =	vst v63  }
0x3c: {  	_ =	swait.ge [sflag:s26], $0x800  }
0x3d: {  	[sflag:s26] =	ssyncset.done $0x0  }
0x3e: {  	s19 =	simm.s32 $0x280;
	[sflag:s26] =	ssyncadd.s32 $0xFFFFF800  }
0x3f: {  	[tilespmem:s16], [sflag:$0x2] =	stream.indirect.gather [hbm4b:s7+s14], $0x10, s19, s14, $0xb8;
	[tilespmem:$0xE780] =	vst v63  }
0x40: {  	_ =	swait.ge [sflag:s28], $0x800  }
0x41: {  	[sflag:s28] =	ssyncset.done $0x0  }
0x42: {  	s30 =	simm.s32 $0x300;
	[sflag:s28] =	ssyncadd.s32 $0xFFFFF800  }
0x43: {  	[tilespmem:s18], [sflag:$0x3] =	stream.indirect.gather [hbm4b:s7+s14], $0x10, s30, s14, $0xb8;
	[tilespmem:$0xE780] =	vst v63  }
0x44: {  	_ =	swait.ge [sflag:s29], $0x800  }
0x45: {  	[sflag:s29] =	ssyncset.done $0x0  }
0x46: {  	s17 =	simm.s32 $0x800;
	s19 =	simm.s32 $0x380;
	[sflag:s29] =	ssyncadd.s32 $0xFFFFF800  }
.LBB2_2:
0x47: {  	[tilespmem:s20], [sflag:$0x4] =	stream.indirect.gather [hbm4b:s7+s14], $0x10, s19, s14, $0xb8;
	[tilespmem:$0xE780] =	vst v63  }
0x48: {  	s19 =	smov.u32 s17  }
0x49: {  	p0 =	sne.s32 s17, $0x13000;
	s17 =	sadd.s32 $0x800, s17;
	_ =	swait.ge [sflag:s21], $0x800  }
0x4a: {  	s19 =	sshra.s32 s19, $0x2;
	[sflag:s21] =	ssyncset.done $0x0  }
0x4b: {  	s30 =	sadd.s32 $0x5000, s19;
	[sflag:s21] =	ssyncadd.s32 $0xFFFFF800  }
0x4c: {  	[spmem:s2] =	stream.indirect.scatter.add.f32 [tilespmem:s15], [sflag:$0x5], $0x10, s30, s14, $0xb8;
	[tilespmem:$0xE780] =	vst v63  }
0x4d: {  	_ =	swait.ge [sflag:s22], $0x800  }
0x4e: {  	[sflag:s22] =	ssyncset.done $0x0  }
0x4f: {  	s30 =	sadd.s32 $0x5080, s19;
	[sflag:s22] =	ssyncadd.s32 $0xFFFFF800  }
0x50: {  	[spmem:s2] =	stream.indirect.scatter.add.f32 [tilespmem:s16], [sflag:$0x6], $0x10, s30, s14, $0xb8;
	[tilespmem:$0xE780] =	vst v63  }
0x51: {  	_ =	swait.ge [sflag:s23], $0x800  }
0x52: {  	[sflag:s23] =	ssyncset.done $0x0  }
0x53: {  	s30 =	sadd.s32 $0x5100, s19;
	[sflag:s23] =	ssyncadd.s32 $0xFFFFF800  }
0x54: {  	[spmem:s2] =	stream.indirect.scatter.add.f32 [tilespmem:s18], [sflag:$0x7], $0x10, s30, s14, $0xb8;
	[tilespmem:$0xE780] =	vst v63  }
0x55: {  	_ =	swait.ge [sflag:s24], $0x800  }
0x56: {  	[sflag:s24] =	ssyncset.done $0x0  }
0x57: {  	s30 =	sadd.s32 $0x5180, s19;
	[sflag:s24] =	ssyncadd.s32 $0xFFFFF800  }
0x58: {  	[spmem:s2] =	stream.indirect.scatter.add.f32 [tilespmem:s20], [sflag:$0x8], $0x10, s30, s14, $0xb8;
	[tilespmem:$0xE780] =	vst v63  }
0x59: {  	_ =	swait.ge [sflag:s25], $0x800  }
0x5a: {  	[sflag:s25] =	ssyncset.done $0x0  }
0x5b: {  	s30 =	sadd.s32 $0x200, s19;
	[sflag:s25] =	ssyncadd.s32 $0xFFFFF800  }
0x5c: {  	[tilespmem:s15], [sflag:$0x1] =	stream.indirect.gather [hbm4b:s7+s14], $0x10, s30, s14, $0xb8;
	[tilespmem:$0xE780] =	vst v63  }
0x5d: {  	_ =	swait.ge [sflag:s26], $0x800  }
0x5e: {  	[sflag:s26] =	ssyncset.done $0x0  }
0x5f: {  	s30 =	sadd.s32 $0x280, s19;
	[sflag:s26] =	ssyncadd.s32 $0xFFFFF800  }
0x60: {  	[tilespmem:s16], [sflag:$0x2] =	stream.indirect.gather [hbm4b:s7+s14], $0x10, s30, s14, $0xb8;
	[tilespmem:$0xE780] =	vst v63  }
0x61: {  	_ =	swait.ge [sflag:s28], $0x800  }
0x62: {  	[sflag:s28] =	ssyncset.done $0x0  }
.Ltmp0:
0x63: {  	s30 =	sadd.s32 $0x300, s19;
	[sflag:s28] =	ssyncadd.s32 $0xFFFFF800;
	(pc) =	sbr.rel @p0 .LBB2_2-.Ltmp0, $4  }
0x64: {  	[tilespmem:s18], [sflag:$0x3] =	stream.indirect.gather [hbm4b:s7+s14], $0x10, s30, s14, $0xb8;
	[tilespmem:$0xE780] =	vst v63  }
0x65: {  	_ =	swait.ge [sflag:s29], $0x800  }
0x66: {  	[sflag:s29] =	ssyncset.done $0x0  }
0x67: {  	s19 =	sadd.s32 $0x380, s19;
	[sflag:s29] =	ssyncadd.s32 $0xFFFFF800  }
0x68: {  	[tilespmem:s20], [sflag:$0x4] =	stream.indirect.gather [hbm4b:s7+s14], $0x10, s19, s14, $0xb8;
	[tilespmem:$0xE780] =	vst v63  }
0x69: {  	_ =	swait.ge [sflag:s21], $0x800  }
0x6a: {  	[sflag:s21] =	ssyncset.done $0x0  }
0x6b: {  	s17 =	simm.s32 $0x9E00;
	[sflag:s21] =	ssyncadd.s32 $0xFFFFF800  }
0x6c: {  	[spmem:s2] =	stream.indirect.scatter.add.f32 [tilespmem:s15], [sflag:$0x5], $0x10, s17, s14, $0xb8;
	[tilespmem:$0xE780] =	vst v63  }
0x6d: {  	_ =	swait.ge [sflag:s22], $0x800  }
0x6e: {  	[sflag:s22] =	ssyncset.done $0x0  }
0x6f: {  	[sflag:s22] =	ssyncadd.s32 $0xFFFFF800  }
0x70: {  	[spmem:s2] =	stream.indirect.scatter.add.f32 [tilespmem:s16], [sflag:$0x6], $0x10, s31, s14, $0xb8;
	[tilespmem:$0xE780] =	vst v63  }
0x71: {  	_ =	swait.ge [sflag:s23], $0x800  }
0x72: {  	[sflag:s23] =	ssyncset.done $0x0  }
0x73: {  	[sflag:s23] =	ssyncadd.s32 $0xFFFFF800  }
0x74: {  	[spmem:s2] =	stream.indirect.scatter.add.f32 [tilespmem:s18], [sflag:$0x7], $0x10, s0, s14, $0xb8;
	[tilespmem:$0xE780] =	vst v63  }
0x75: {  	_ =	swait.ge [sflag:s24], $0x800  }
0x76: {  	[sflag:s24] =	ssyncset.done $0x0  }
0x77: {  	[sflag:s24] =	ssyncadd.s32 $0xFFFFF800  }
0x78: {  	[spmem:s2] =	stream.indirect.scatter.add.f32 [tilespmem:s20], [sflag:$0x8], $0x10, s1, s14, $0xb8;
	[tilespmem:$0xE780] =	vst v63  }
0x79: {  	_ =	swait.ge [sflag:s25], $0x800  }
0x7a: {  	[sflag:s25] =	ssyncset.done $0x0  }
0x7b: {  	[sflag:s25] =	ssyncadd.s32 $0xFFFFF800  }
0x7c: {  	_ =	swait.ge [sflag:s26], $0x800  }
0x7d: {  	[sflag:s26] =	ssyncset.done $0x0  }
0x7e: {  	[sflag:s26] =	ssyncadd.s32 $0xFFFFF800  }
0x7f: {  	_ =	swait.ge [sflag:s28], $0x800  }
0x80: {  	[sflag:s28] =	ssyncset.done $0x0  }
0x81: {  	[sflag:s28] =	ssyncadd.s32 $0xFFFFF800  }
0x82: {  	_ =	swait.ge [sflag:s29], $0x800  }
0x83: {  	s11 =	sadd.s32 $0x1, s11;
	[sflag:s29] =	ssyncset.done $0x0  }
0x84: {  	p0 =	sne.s32 s11, s9;
	[sflag:s29] =	ssyncadd.s32 $0xFFFFF800  }
.Ltmp1:
0x85: {  	[bflag:$0x0] =	sbarrier.arrive $0xFFFF;
	(pc) =	sbr.rel @p0 .LBB2_1-.Ltmp1, $4  }
0x86: {  	[hbm:s8], [sflag:s12] =	dma.local [spmem:s13], $0x4F0  }
0x87: {  	_ =	swait.ge [sflag:s10], $0x4F0  }
0x88: {  	[sflag:s10] =	ssyncset.done $0x0  }
0x89: {  	[sflag:s10] =	ssyncadd.s32 $0xFFFFFB10  }
0x8a: {  	_ =	sfence.sel $0x180000  }
0x8b: {  	[bflag:$0x0] =	sbarrier.arrive $0xFFFF  }
0x8c: {  	_ =	strace $0x9000004A  }
0x8d: {  	s0 =	stileid.u32;
	[bflag:$0x2] =	sbarrier.arrive $0xFFFF  }
0x8e: {  	p0 =	sne.s32 s0, $0x0;
	s0 =	rddreg [dreg:$0x3]  }
0x8f: {  	s0 =	sadd.s32 @!p0 $0x100000, s0  }
0x90: {  	[sflag:s0] =	ssyncadd.tile.s32 @!p0 $0x1;
	_ =	shalt  }
.Lfunc_end2:
_tile_overlayer_lowered:
.L_overlay_start_2:
0x91: {  	(tag) =	ssettag $0x2  }
0x92: {  	s0 =	rddreg [dreg:$0x0];
	s2 =	stileid.u32  }
0x93: {  	s1 =	rddreg [dreg:$0x1];
	p0 =	sne.s32 s2, $0x0  }
0x94: {  	s3 =	rddreg [dreg:$0x2];
	[bflag:$0x3] =	sbarrier.arrive $0xFFFF;
	s2 =	simm.s32 @!p0 $0x1C09  }
0x95: {  	[timem:s3], [sflag:s2] =	dma.local @!p0 [hbm:s0], s1  }
0x96: {  	s0 =	simm.s32 @!p0 $0x9  }
0x97: {  	_ =	swait.ge @!p0 [sflag:s0], s1  }
0x98: {  	s1 =	ssub.s32 @!p0 $0x0, s1;
	[sflag:s0] =	ssyncset.done @!p0 $0x0  }
0x99: {  	[sflag:s0] =	ssyncadd.s32 @!p0 s1  }
0x9a: {  	[bflag:$0x3] =	sbarrier.arrive $0xFFFF  }
0x9b: {  	_ =	shalt  }

// kernel: kernel.15.cloned.1.call-start
scs
__scs_entry_jumppad:
0x0: {  	(pc) =	sbr.rel $0x88, $3  }
0x1: {  	(tag) =	ssettag $0x0;
	lr =	simm.s32 $0x1  }
0x2: {  	[smem:$0x3F91] =	sst lr;
	_ =	strace $0xD0000000  }
0x3: {  	_ = 	snop  }
0x4: {  	_ = 	snop  }
0x5: {  	_ = 	snop  }
0x6: {  	_ = 	snop  }
0x7: {  	_ = 	snop  }
__scs_overlays_trampoline_lowered:
0x8: {  	[smem:$0x3FA0] =	sst s0  }
0x9: {  	[smem:$0x3FA1] =	sst s1  }
0xa: {  	[smem:$0x3FA2] =	sst s2  }
0xb: {  	[smem:$0x3FA3] =	sst s3  }
0xc: {  	[smem:$0x3FA4] =	sst s4  }
0xd: {  	[smem:$0x3FA5] =	sst s5  }
0xe: {  	[smem:$0x3FA6] =	sst s6  }
0xf: {  	[smem:$0x3FA7] =	sst s7  }
0x10: {  	[smem:$0x3FA8] =	sst s8  }
0x11: {  	[smem:$0x3FA9] =	sst s9;
	s0 =	simm.s32 @!p0 $0x0  }
0x12: {  	s1 =	sld [smem:$0x3F8F];
	s0 =	simm.s32 @p0 $0x1  }
0x13: {  	[smem:$0x3FAA] =	sst s0;
	s0 =	simm.s32 @!p1 $0x0  }
0x14: {  	s2 =	sld [smem:$0x3F8E];
	s0 =	simm.s32 @p1 $0x1  }
0x15: {  	[smem:$0x3FAB] =	sst s0;
	s0 =	simm.s32 @!p2 $0x0  }
0x16: {  	s3 =	sld [smem:$0x3FDB];
	s0 =	simm.s32 @p2 $0x1  }
0x17: {  	s4 =	simm.s32 $0x1BF5;
	[smem:$0x3FAD] =	sst s0  }
0x18: {  	s0 =	sld [smem:$0x3F90];
	_ =	swait.ge [sflag:s4], $0x0  }
0x19: {  	s7 =	sld [smem:$0x3F91]  }
0x1a: {  	s8 =	sadd.s32 $0xFFFFE003, lr  }
0x1b: {  	s9 =	sadd.s32 $0xFFFFFEF7, lr;
	s5 =	simm.s32 $0xFFFFFFFF;
	p2 =	slt.u32 s8, $0xFFFFF086  }
0x1c: {  	p1 =	slt.u32 s9, $0xF7A;
	s5 =	simm.s32 @!p2 $0x0  }
0x1d: {  	s5 =	simm.s32 @p1 $0x1;
	p0 =	seq.s32 s7, s2  }
0x1e: {  	s7 =	smul.u32 @!p0 $0xF7A, s2;
	p2 =	seq.s32 @!p0 s5, $0x0  }
0x1f: {  	s9 =	smul.u32 $0xF7A, s1;
	s8 =	simm.s32 @!p0 $0x1BF5;
	p2 =	por !p2, p0  }
0x20: {  	[sflag:s8] =	ssyncset.s32 @!p0 $0xFFFFF086;
	s6 =	sadd.s32 @!p0 s3, s7;
	s7 =	simm.s32 @!p0 $0x108  }
0x21: {  	s3 =	sadd.s32 s3, s9;
	s6 =	sadd.s32 @!p0 $0x88, s6;
	s7 =	simm.s32 @p2 $0x1082  }
0x22: {  	[simem:s7], [sflag:s8] =	dma.local @!p0 [hbm:s6], $0xF7A  }
0x23: {  	s9 =	sor.u32 $0xD0000000, s2;
	s6 =	simm.s32 $0x108;
	_ =	swait.ge @!p0 [sflag:s8], $0x0  }
0x24: {  	s3 =	sadd.s32 $0x88, s3;
	s6 =	simm.s32 @!p1 $0x1082;
	[sflag:s4] =	ssyncset.s32 $0xFFFFF086  }
0x25: {  	[simem:s6], [sflag:s4] =	dma.local [hbm:s3], $0xF7A  }
0x26: {  	[smem:$0x3F91] =	sst s1;
	(tag) =	ssettag s2;
	_ =	strace s9  }
0x27: {  	s1 =	sld [smem:$0x3FA1]  }
0x28: {  	s2 =	sld [smem:$0x3FA2]  }
0x29: {  	s4 =	sld [smem:$0x3FA4]  }
0x2a: {  	p0 =	seq.s32 s5, $0x0;
	s5 =	sld [smem:$0x3FA5]  }
0x2b: {  	s6 =	sld [smem:$0x3FA6]  }
0x2c: {  	s7 =	sld [smem:$0x3FA7]  }
0x2d: {  	s3 =	simm.s32 $0x108;
	s8 =	sld [smem:$0x3FA8]  }
0x2e: {  	s3 =	simm.s32 @!p0 $0x1082;
	s9 =	sld [smem:$0x3FA9]  }
0x2f: {  	lr =	sadd.s32 s0, s3;
	s0 =	sld [smem:$0x3FA0]  }
0x30: {  	s3 =	sld [smem:$0x3FA3]  }
0x31: {  	[smem:$0x3FAC] =	sst s10  }
0x32: {  	s10 =	sld [smem:$0x3FAA];
	_ =	sdelay $0x3  }
0x33: {  	p0 =	seq.s32 s10, $0x1;
	s10 =	sld [smem:$0x3FAC];
	_ =	sdelay $0x3  }
0x34: {  	[smem:$0x3FAC] =	sst s10  }
0x35: {  	s10 =	sld [smem:$0x3FAB];
	_ =	sdelay $0x3  }
0x36: {  	p1 =	seq.s32 s10, $0x1;
	s10 =	sld [smem:$0x3FAC];
	_ =	sdelay $0x3  }
0x37: {  	[smem:$0x3FAC] =	sst s10  }
0x38: {  	s10 =	sld [smem:$0x3FAD]  }
0x39: {  	_ = 	snop;
	(pc) =	sbr.ind lr, $3  }
0x3a: {  	_ = 	snop  }
0x3b: {  	_ = 	snop  }
0x3c: {  	p2 =	seq.s32 s10, $0x1;
	s10 =	sld [smem:$0x3FAC]  }
0x3d: {  	_ =	shalt  }
0x3e: {  	_ =	shalt  }
0x3f: {  	_ =	shalt  }
0x40: {  	_ =	shalt  }
0x41: {  	_ =	shalt  }
0x42: {  	_ =	shalt  }
0x43: {  	_ =	shalt  }
0x44: {  	_ =	shalt  }
0x45: {  	_ =	shalt  }
0x46: {  	_ =	shalt  }
0x47: {  	_ =	shalt  }
0x48: {  	_ =	shalt  }
0x49: {  	_ =	shalt  }
0x4a: {  	_ =	shalt  }
0x4b: {  	_ =	shalt  }
0x4c: {  	_ =	shalt  }
0x4d: {  	_ =	shalt  }
0x4e: {  	_ =	shalt  }
0x4f: {  	_ =	shalt  }
0x50: {  	_ =	shalt  }
0x51: {  	_ =	shalt  }
0x52: {  	_ =	shalt  }
0x53: {  	_ =	shalt  }
0x54: {  	_ =	shalt  }
0x55: {  	_ =	shalt  }
0x56: {  	_ =	shalt  }
0x57: {  	_ =	shalt  }
0x58: {  	_ =	shalt  }
0x59: {  	_ =	shalt  }
0x5a: {  	_ =	shalt  }
0x5b: {  	_ =	shalt  }
0x5c: {  	_ =	shalt  }
0x5d: {  	_ =	shalt  }
0x5e: {  	_ =	shalt  }
0x5f: {  	_ =	shalt  }
0x60: {  	_ =	shalt  }
0x61: {  	_ =	shalt  }
0x62: {  	_ =	shalt  }
0x63: {  	_ =	shalt  }
0x64: {  	_ =	shalt  }
0x65: {  	_ =	shalt  }
0x66: {  	_ =	shalt  }
0x67: {  	_ =	shalt  }
0x68: {  	_ =	shalt  }
0x69: {  	_ =	shalt  }
0x6a: {  	_ =	shalt  }
0x6b: {  	_ =	shalt  }
0x6c: {  	_ =	shalt  }
0x6d: {  	_ =	shalt  }
0x6e: {  	_ =	shalt  }
0x6f: {  	_ =	shalt  }
0x70: {  	_ =	shalt  }
0x71: {  	_ =	shalt  }
0x72: {  	_ =	shalt  }
0x73: {  	_ =	shalt  }
0x74: {  	_ =	shalt  }
0x75: {  	_ =	shalt  }
0x76: {  	_ =	shalt  }
0x77: {  	_ =	shalt  }
0x78: {  	_ =	shalt  }
0x79: {  	_ =	shalt  }
0x7a: {  	_ =	shalt  }
0x7b: {  	_ =	shalt  }
0x7c: {  	_ =	shalt  }
0x7d: {  	_ =	shalt  }
0x7e: {  	_ =	shalt  }
0x7f: {  	_ =	shalt  }
0x80: {  	_ =	shalt  }
0x81: {  	_ =	shalt  }
0x82: {  	_ =	shalt  }
0x83: {  	_ =	shalt  }
0x84: {  	_ =	shalt  }
0x85: {  	_ =	shalt  }
0x86: {  	_ =	shalt  }
0x87: {  	_ =	shalt  }
.Lfunc_end0:
.L_simem_size_0:
called_computation.2_lowered:
.L_overlay_start_0:
0x88: {  	s2 =	sld [smem:$0x3FD9]  }
0x89: {  	s3 =	sld [smem:$0x3FFE];
	_ =	sdelay $0x1  }
0x8a: {  	s1 =	srdreg.scid  }
0x8b: {  	s0 =	sand.u32 $0x1, s1  }
0x8c: {  	s14 =	sshll.u32 s0, $0xA;
	s2 =	sadd.s32 s3, s2  }
0x8d: {  	s2 =	sadd.s32 s2, s14  }
0x8e: {  	[smem:$0x3FB8] =	sst s2  }
0x8f: {  	_ = 	snop  }
0x90: {  	s2 =	sld [smem:$0x3FD0];
	_ =	sdelay $0x2  }
0x91: {  	s15 =	simm.s32 $0xA;
	s4 =	simm.s32 $0x10  }
0x92: {  	[smem:s4], [sflag:s15] =	dma.local [hbm:s2], $0x1  }
0x93: {  	_ =	swait.eq [sflag:s15], $0x1  }
0x94: {  	[sflag:s15] =	ssyncset.done $0x0  }
0x95: {  	[sflag:s15] =	ssyncadd.s32 $0xFFFFFFFF  }
0x96: {  	s16 =	sld [smem:$0x10];
	(tm) =	ssettm $0x1  }
0x97: {  	s17 =	sld [smem:$0x3FFB];
	_ =	sdelay $0x3  }
0x98: {  	_ =	strace s17  }
0x99: {  	s3 =	sld [smem:$0x3FFC];
	_ =	sdelay $0x3  }
0x9a: {  	_ =	strace s3  }
0x9b: {  	s3 =	sld [smem:$0x3FFD];
	_ =	sdelay $0x3  }
0x9c: {  	_ =	strace s3  }
0x9d: {  	_ =	strace $0x8FFFFFFF  }
0x9e: {  	s18 =	sld [smem:$0x3FDB];
	_ =	sdelay $0x1  }
0x9f: {  	s19 =	simm.s32 $_scs_section_size  }
0xa0: {  	s5 =	simm.s32 $_size__tile_overlayer_lowered;
	s6 =	simm.s32 $_tile_overlayer_lowered  }
0xa1: {  	s22 =	simm.s32 $0x1BFF;
	s21 =	sshll.u32 s6, $0x1;
	s3 =	sadd.s32 s19, s18  }
0xa2: {  	s7 =	simm.s32 $0x0;
	s20 =	sshll.u32 s5, $0x1;
	s5 =	sadd.s32 s21, s3  }
0xa3: {  	[timem:s7], [sflag:s22] =	dma.local [hbm:s5], s20  }
0xa4: {  	_ =	swait.ge [sflag:s22], s20  }
0xa5: {  	s4 =	ssub.s32 $0x0, s20;
	[sflag:s22] =	ssyncset.done $0x0  }
0xa6: {  	[sflag:s22] =	ssyncadd.s32 s4;
	_ =	sdelay $0x1  }
0xa7: {  	s23 =	simm.s32 $0x1B8B  }
0xa8: {  	_ =	swait.ge [sflag:s23], $0x1  }
0xa9: {  	[sflag:s23] =	ssyncset.done $0x0  }
0xaa: {  	s25 =	simm.s32 $0x1B8E;
	s24 =	sld [smem:$0x3FFE];
	[sflag:s23] =	ssyncadd.s32 $0xFFFFFFFF  }
0xab: {  	s26 =	simm.s32 $execute0_lowered;
	[smem:$0x3FD2] =	sst s25  }
0xac: {  	s5 =	sshll.u32 s26, $0x1;
	_ =	strace $0x8000004C;
	[dreg:$0x1] =	wrdreg $0xFFFFFFFF  }
0xad: {  	s28 =	simm.s32 $_size_execute0_lowered;
	s3 =	sadd.s32 s3, s5;
	[dreg:$0x0] =	wrdreg $0x0  }
0xae: {  	s5 =	sshll.u32 s28, $0x1;
	[dreg:$0x2] =	wrdreg s3  }
0xaf: {  	[dreg:$0x3] =	wrdreg s5  }
0xb0: {  	[dreg:$0x4] =	wrdreg $0xC0  }
0xb1: {  	_ =	task [dreg:s7], $0x5FFFF  }
0xb2: {  	[dreg:$0x1] =	wrdreg $0xFFFFFFFF  }
0xb3: {  	[dreg:$0x0] =	wrdreg $0x60  }
0xb4: {  	[dreg:$0x2] =	wrdreg s16  }
0xb5: {  	[dreg:$0x3] =	wrdreg s24  }
0xb6: {  	[dreg:$0x4] =	wrdreg $0x9  }
0xb7: {  	_ =	task.clear_ibuf [dreg:s7], $0x5FFFF;
	_ =	strace $0x9000004C  }
0xb8: {  	s29 =	simm.s32 $0x9;
	_ =	strace $0x8000004E  }
0xb9: {  	_ =	swait.ge [sflag:s29], $0x1  }
0xba: {  	[sflag:s29] =	ssyncadd.s32 $0xFFFFFFFF  }
0xbb: {  	_ =	strace $0x9000004E  }
0xbc: {  	_ =	sfence  }
0xbd: {  	s30 =	sld [smem:$0x0];
	_ =	sdelay $0x2  }
0xbe: {  	s31 =	sshll.u32 s1, $0xD;
	s1 =	sshrl.u32 s1, $0x2  }
0xbf: {  	s3 =	sand.u32 $0x4000, s31;
	s1 =	sadd.s32 s1, s30  }
0xc0: {  	s0 =	sor.u32 s3, s0;
	s1 =	sshll.u32 s1, $0x11  }
0xc1: {  	s0 =	sor.u32 s1, s0  }
0xc2: {  	s0 =	sadd.s32 $0x8F2B, s0  }
0xc3: {  	[sflag:s0] =	ssyncadd.remote.s32 $0x1  }
0xc4: {  	_ =	sfence.sel $0xFFFF  }
0xc5: {  	[dreg:$0x0] =	wrdreg $0xFFFFFFFF;
	(pc) =	sbr.abs _section_cstart, $3  }
0xc6: {  	[dreg:$0x1] =	wrdreg $0xFFFFFFFF  }
0xc7: {  	_ =	task.clear_ibuf [dreg:s7], $0x2FFFF;
	_ =	strace $0x9FFFFFFF  }
0xc8: {  	(tm) =	ssettm $0x7FFFFFFF  }
0xc9: {  	_ =	shalt  }
tec
execute0_lowered:
.L_overlay_start_1:
0x0: {  	(tag) =	ssettag $0x1  }
0x1: {  	s2 =	rddreg [dreg:$0x0];
	s1 =	srdreg.scid  }
0x2: {  	s0 =	stileid.u32;
	s4 =	rddreg [dreg:$0x1]  }
0x3: {  	s3 =	simm.s32 $0x0;
	s12 =	simm.s32 $0x80;
	s13 =	simm.s32 $0x4E20  }
0x4: {  	s14 =	simm.s32 $0x5E20;
	s15 =	simm.s32 $0x1;
	s16 =	simm.s32 $0x10  }
0x5: {  	s17 =	simm.s32 $0x20;
	s18 =	simm.s32 $0x3;
	s19 =	simm.s32 $0x2700  }
0x6: {  	s20 =	simm.s32 $0x5620;
	s21 =	simm.s32 $0x4E10;
	s22 =	simm.s32 $0x6620  }
0x7: {  	s23 =	simm.s32 $0x2;
	s24 =	simm.s32 $0x4;
	s25 =	simm.s32 $0x0  }
0x8: {  	s6 =	sand.u32 $0x1, s1;
	s5 =	sshll.u32 s0, $0x1;
	s1 =	rddreg [dreg:$0x2]  }
0x9: {  	[smem:$0x7FF] =	sst s3;
	s11 =	smul.u32 $0x13880, s0;
	s5 =	sor.u32 s6, s5  }
0xa: {  	s10 =	sadd.s32 $0x16C00, s4;
	s8 =	ssub.s32 $0x2, s6;
	s7 =	smul.u32 $0x2710, s5  }
0xb: {  	_ =	strace $0x8000004D;
	s9 =	sshrl.u32 s8, $0x1;
	s5 =	smul.u32 $0x4E200, s5  }
0xc: {  	s31 =	smul.u32 $0x9C40, s6;
	s8 =	ssub.s32 s8, s9;
	s7 =	sshrl.u32 s7, $0x3  }
0xd: {  	s29 =	sshrl.u32 s5, $0x3;
	s8 =	smax.u32 s8, $0x1;
	s7 =	sadd.s32 s7, s4  }
0xe: {  	s30 =	sadd.s32 s10, s29;
	s10 =	sadd.s32 s11, s10;
	s11 =	simm.s32 $0x2710  }
0xf: {  	s4 =	sadd.s32 $0xCE00, s7;
	s5 =	sadd.s32 $0x3000, s7;
	s6 =	sadd.s32 $0x9C00, s30  }
0x10: {  	s7 =	sadd.s32 $0x9C02, s30;
	s9 =	sadd.s32 s31, s10;
	s10 =	simm.s32 $0x5  }
.LBB2_1:
0x11: {  	[tilespmem:s3], [sflag:$0x5] =	stream.linear.gather [hbm4b:s4+s3], $0x2710, $0x38;
	[tilespmem:$0x6E20] =	vst v63  }
0x12: {  	_ =	swait.ge [sflag:s10], $0x2710  }
0x13: {  	[sflag:s10] =	ssyncset.done $0x0  }
0x14: {  	[sflag:s10] =	ssyncadd.s32 $0xFFFFD8F0  }
0x15: {  	[tilespmem:s11], [sflag:$0x5] =	stream.linear.gather [hbm4b:s5+s3], $0x2710, $0x38;
	[tilespmem:$0x6E20] =	vst v63  }
0x16: {  	_ =	swait.ge [sflag:s10], $0x2710  }
0x17: {  	[sflag:s10] =	ssyncset.done $0x0  }
0x18: {  	s26 =	simm.s32 $0x0;
	[sflag:s10] =	ssyncadd.s32 $0xFFFFD8F0  }
0x19: {  	[tilespmem:s13], [sflag:$0x1] =	stream.indirect.gather [hbm4b:s2+s12], $0x10, s26, s12, $0xb8;
	[tilespmem:$0x6E20] =	vst v63  }
0x1a: {  	s30 =	simm.s32 $0x2710  }
0x1b: {  	[tilespmem:s14], [sflag:$0x3] =	stream.indirect.gather [hbm4b:s2+s12], $0x10, s30, s12, $0xb8;
	[tilespmem:$0x6E20] =	vst v63  }
0x1c: {  	_ =	swait.ge [sflag:s15], $0x800  }
0x1d: {  	[sflag:s15] =	ssyncset.done $0x0  }
0x1e: {  	s31 =	sadd.s32 $0x0, s9;
	[sflag:s15] =	ssyncadd.s32 $0xFFFFF800  }
0x1f: {  	[hbm4b:s31+s16] =	stream.strided.scatter [tilespmem:s13], [sflag:$0x5], $0x800, s17, s16, $0x38;
	[tilespmem:$0x6E20] =	vst v63  }
0x20: {  	_ =	swait.ge [sflag:s10], $0x800  }
0x21: {  	[sflag:s10] =	ssyncset.done $0x0  }
0x22: {  	[sflag:s10] =	ssyncadd.s32 $0xFFFFF800  }
0x23: {  	_ =	swait.ge [sflag:s18], $0x800  }
0x24: {  	[sflag:s18] =	ssyncset.done $0x0  }
0x25: {  	s26 =	sadd.s32 $0x2, s31;
	[sflag:s18] =	ssyncadd.s32 $0xFFFFF800  }
0x26: {  	[hbm4b:s26+s16] =	stream.strided.scatter [tilespmem:s14], [sflag:$0x5], $0x800, s17, s16, $0x38;
	[tilespmem:$0x6E20] =	vst v63  }
0x27: {  	_ =	swait.ge [sflag:s10], $0x800  }
0x28: {  	s28 =	simm.s32 $0x400;
	s26 =	simm.s32 $0x200;
	[sflag:s10] =	ssyncset.done $0x0  }
.LBB2_2:
0x29: {  	s29 =	sshra.s32 s26, $0x2  }
0x2a: {  	[sflag:s10] =	ssyncadd.s32 $0xFFFFF800;
	s30 =	smov.u32 s28;
	s31 =	sadd.s32 $0x200, s28  }
0x2b: {  	[tilespmem:s13], [sflag:$0x1] =	stream.indirect.gather [hbm4b:s2+s12], $0x10, s29, s12, $0xb8;
	[tilespmem:$0x6E20] =	vst v63  }
0x2c: {  	p0 =	sne.s32 s28, $0x9A00;
	s28 =	sadd.s32 $0x2710, s29  }
0x2d: {  	[tilespmem:s14], [sflag:$0x3] =	stream.indirect.gather [hbm4b:s2+s12], $0x10, s28, s12, $0xb8;
	[tilespmem:$0x6E20] =	vst v63  }
0x2e: {  	_ =	swait.ge [sflag:s15], $0x800  }
0x2f: {  	[sflag:s15] =	ssyncset.done $0x0  }
0x30: {  	s28 =	sadd.s32 s26, s9;
	s26 =	smov.u32 s30;
	[sflag:s15] =	ssyncadd.s32 $0xFFFFF800  }
0x31: {  	[hbm4b:s28+s16] =	stream.strided.scatter [tilespmem:s13], [sflag:$0x5], $0x800, s17, s16, $0x38;
	[tilespmem:$0x6E20] =	vst v63  }
0x32: {  	_ =	swait.ge [sflag:s10], $0x800  }
0x33: {  	[sflag:s10] =	ssyncset.done $0x0  }
0x34: {  	[sflag:s10] =	ssyncadd.s32 $0xFFFFF800  }
0x35: {  	_ =	swait.ge [sflag:s18], $0x800  }
.Ltmp0:
0x36: {  	[sflag:s18] =	ssyncset.done $0x0;
	(pc) =	sbr.rel @p0 .LBB2_2-.Ltmp0, $4  }
0x37: {  	s28 =	sadd.s32 $0x2, s28;
	[sflag:s18] =	ssyncadd.s32 $0xFFFFF800  }
0x38: {  	[hbm4b:s28+s16] =	stream.strided.scatter [tilespmem:s14], [sflag:$0x5], $0x800, s17, s16, $0x38;
	[tilespmem:$0x6E20] =	vst v63  }
0x39: {  	_ =	swait.ge [sflag:s10], $0x800  }
0x3a: {  	s28 =	smov.u32 s31;
	[sflag:s10] =	ssyncset.done $0x0  }
0x3b: {  	s28 =	sshra.s32 s26, $0x2;
	[sflag:s10] =	ssyncadd.s32 $0xFFFFF800  }
0x3c: {  	[tilespmem:s13], [sflag:$0x1] =	stream.indirect.gather [hbm4b:s2+s12], $0x10, s28, s12, $0xb8;
	[tilespmem:$0x6E20] =	vst v63  }
0x3d: {  	s28 =	sadd.s32 $0x2710, s28  }
0x3e: {  	[tilespmem:s14], [sflag:$0x3] =	stream.indirect.gather [hbm4b:s2+s12], $0x10, s28, s12, $0xb8;
	[tilespmem:$0x6E20] =	vst v63  }
0x3f: {  	_ =	swait.ge [sflag:s15], $0x800  }
0x40: {  	[sflag:s15] =	ssyncset.done $0x0  }
0x41: {  	s31 =	sadd.s32 s26, s9;
	[sflag:s15] =	ssyncadd.s32 $0xFFFFF800  }
0x42: {  	[hbm4b:s31+s16] =	stream.strided.scatter [tilespmem:s13], [sflag:$0x5], $0x800, s17, s16, $0x38;
	[tilespmem:$0x6E20] =	vst v63  }
0x43: {  	_ =	swait.ge [sflag:s10], $0x800  }
0x44: {  	[sflag:s10] =	ssyncset.done $0x0  }
0x45: {  	[sflag:s10] =	ssyncadd.s32 $0xFFFFF800  }
0x46: {  	_ =	swait.ge [sflag:s18], $0x800  }
0x47: {  	[sflag:s18] =	ssyncset.done $0x0  }
0x48: {  	s26 =	sadd.s32 $0x2, s31;
	[sflag:s18] =	ssyncadd.s32 $0xFFFFF800  }
0x49: {  	[hbm4b:s26+s16] =	stream.strided.scatter [tilespmem:s14], [sflag:$0x5], $0x800, s17, s16, $0x38;
	[tilespmem:$0x6E20] =	vst v63  }
0x4a: {  	_ =	swait.ge [sflag:s10], $0x800  }
0x4b: {  	[sflag:s10] =	ssyncset.done $0x0  }
0x4c: {  	[sflag:s10] =	ssyncadd.s32 $0xFFFFF800  }
0x4d: {  	[tilespmem:s20], [sflag:$0x2] =	stream.indirect.gather [hbm4b:s2+s16], $0x10, s19, s16, $0xb8;
	[tilespmem:$0x6E20] =	vst v63  }
0x4e: {  	_ = 	snop  }
0x4f: {  	[tilespmem:s22], [sflag:$0x4] =	stream.indirect.gather [hbm4b:s2+s16], $0x10, s21, s16, $0xb8;
	[tilespmem:$0x6E20] =	vst v63  }
0x50: {  	_ =	swait.ge [sflag:s23], $0x100  }
0x51: {  	[sflag:s23] =	ssyncset.done $0x0  }
0x52: {  	[sflag:s23] =	ssyncadd.s32 $0xFFFFFF00  }
0x53: {  	[hbm4b:s6+s16] =	stream.strided.scatter [tilespmem:s20], [sflag:$0x5], $0x100, s17, s16, $0x38;
	[tilespmem:$0x6E20] =	vst v63  }
0x54: {  	_ =	swait.ge [sflag:s10], $0x100  }
0x55: {  	[sflag:s10] =	ssyncset.done $0x0  }
0x56: {  	[sflag:s10] =	ssyncadd.s32 $0xFFFFFF00  }
0x57: {  	s25 =	sadd.s32 $0x1, s25;
	_ =	swait.ge [sflag:s24], $0x100  }
0x58: {  	p0 =	sne.s32 s25, s8;
	[sflag:s24] =	ssyncset.done $0x0  }
.Ltmp1:
0x59: {  	[sflag:s24] =	ssyncadd.s32 $0xFFFFFF00;
	(pc) =	sbr.rel @p0 .LBB2_1-.Ltmp1, $4  }
0x5a: {  	[hbm4b:s7+s16] =	stream.strided.scatter [tilespmem:s22], [sflag:$0x5], $0x100, s17, s16, $0x38;
	[tilespmem:$0x6E20] =	vst v63  }
0x5b: {  	_ =	swait.ge [sflag:s10], $0x100  }
0x5c: {  	[sflag:s10] =	ssyncset.done $0x0  }
0x5d: {  	[sflag:s10] =	ssyncadd.s32 $0xFFFFFF00  }
0x5e: {  	_ =	sfence.sel $0x180000  }
0x5f: {  	[bflag:$0x0] =	sbarrier.arrive $0xFFFF  }
0x60: {  	p0 =	sne.s32 s0, $0x0;
	_ =	strace $0x9000004D  }
0x61: {  	s0 =	sadd.s32 @!p0 $0x100000, s1;
	[bflag:$0x2] =	sbarrier.arrive $0xFFFF  }
0x62: {  	[sflag:s0] =	ssyncadd.tile.s32 @!p0 $0x1;
	_ =	shalt  }
.Lfunc_end2:
_tile_overlayer_lowered:
.L_overlay_start_2:
0x63: {  	(tag) =	ssettag $0x2  }
0x64: {  	s0 =	rddreg [dreg:$0x0];
	s2 =	stileid.u32  }
0x65: {  	s1 =	rddreg [dreg:$0x1];
	p0 =	sne.s32 s2, $0x0  }
0x66: {  	s3 =	rddreg [dreg:$0x2];
	[bflag:$0x3] =	sbarrier.arrive $0xFFFF;
	s2 =	simm.s32 @!p0 $0x1C05  }
0x67: {  	[timem:s3], [sflag:s2] =	dma.local @!p0 [hbm:s0], s1  }
0x68: {  	s0 =	simm.s32 @!p0 $0x5  }
0x69: {  	_ =	swait.ge @!p0 [sflag:s0], s1  }
0x6a: {  	s1 =	ssub.s32 @!p0 $0x0, s1;
	[sflag:s0] =	ssyncset.done @!p0 $0x0  }
0x6b: {  	[sflag:s0] =	ssyncadd.s32 @!p0 s1  }
0x6c: {  	[bflag:$0x3] =	sbarrier.arrive $0xFFFF  }
0x6d: {  	_ =	shalt  }

// kernel: kernel.9.cloned.1.call-start
scs
__scs_entry_jumppad:
0x0: {  	(pc) =	sbr.rel $0x88, $3  }
0x1: {  	(tag) =	ssettag $0x0;
	lr =	simm.s32 $0x1  }
0x2: {  	[smem:$0x3F91] =	sst lr;
	_ =	strace $0xD0000000  }
0x3: {  	_ = 	snop  }
0x4: {  	_ = 	snop  }
0x5: {  	_ = 	snop  }
0x6: {  	_ = 	snop  }
0x7: {  	_ = 	snop  }
__scs_overlays_trampoline_lowered:
0x8: {  	[smem:$0x3FA0] =	sst s0  }
0x9: {  	[smem:$0x3FA1] =	sst s1  }
0xa: {  	[smem:$0x3FA2] =	sst s2  }
0xb: {  	[smem:$0x3FA3] =	sst s3  }
0xc: {  	[smem:$0x3FA4] =	sst s4  }
0xd: {  	[smem:$0x3FA5] =	sst s5  }
0xe: {  	[smem:$0x3FA6] =	sst s6  }
0xf: {  	[smem:$0x3FA7] =	sst s7  }
0x10: {  	[smem:$0x3FA8] =	sst s8  }
0x11: {  	[smem:$0x3FA9] =	sst s9;
	s0 =	simm.s32 @!p0 $0x0  }
0x12: {  	s1 =	sld [smem:$0x3F8F];
	s0 =	simm.s32 @p0 $0x1  }
0x13: {  	[smem:$0x3FAA] =	sst s0;
	s0 =	simm.s32 @!p1 $0x0  }
0x14: {  	s2 =	sld [smem:$0x3F8E];
	s0 =	simm.s32 @p1 $0x1  }
0x15: {  	[smem:$0x3FAB] =	sst s0;
	s0 =	simm.s32 @!p2 $0x0  }
0x16: {  	s3 =	sld [smem:$0x3FDB];
	s0 =	simm.s32 @p2 $0x1  }
0x17: {  	s4 =	simm.s32 $0x1BF5;
	[smem:$0x3FAD] =	sst s0  }
0x18: {  	s0 =	sld [smem:$0x3F90];
	_ =	swait.ge [sflag:s4], $0x0  }
0x19: {  	s7 =	sld [smem:$0x3F91]  }
0x1a: {  	s8 =	sadd.s32 $0xFFFFE003, lr  }
0x1b: {  	s9 =	sadd.s32 $0xFFFFFEF7, lr;
	s5 =	simm.s32 $0xFFFFFFFF;
	p2 =	slt.u32 s8, $0xFFFFF086  }
0x1c: {  	p1 =	slt.u32 s9, $0xF7A;
	s5 =	simm.s32 @!p2 $0x0  }
0x1d: {  	s5 =	simm.s32 @p1 $0x1;
	p0 =	seq.s32 s7, s2  }
0x1e: {  	s7 =	smul.u32 @!p0 $0xF7A, s2;
	p2 =	seq.s32 @!p0 s5, $0x0  }
0x1f: {  	s9 =	smul.u32 $0xF7A, s1;
	s8 =	simm.s32 @!p0 $0x1BF5;
	p2 =	por !p2, p0  }
0x20: {  	[sflag:s8] =	ssyncset.s32 @!p0 $0xFFFFF086;
	s6 =	sadd.s32 @!p0 s3, s7;
	s7 =	simm.s32 @!p0 $0x108  }
0x21: {  	s3 =	sadd.s32 s3, s9;
	s6 =	sadd.s32 @!p0 $0x88, s6;
	s7 =	simm.s32 @p2 $0x1082  }
0x22: {  	[simem:s7], [sflag:s8] =	dma.local @!p0 [hbm:s6], $0xF7A  }
0x23: {  	s9 =	sor.u32 $0xD0000000, s2;
	s6 =	simm.s32 $0x108;
	_ =	swait.ge @!p0 [sflag:s8], $0x0  }
0x24: {  	s3 =	sadd.s32 $0x88, s3;
	s6 =	simm.s32 @!p1 $0x1082;
	[sflag:s4] =	ssyncset.s32 $0xFFFFF086  }
0x25: {  	[simem:s6], [sflag:s4] =	dma.local [hbm:s3], $0xF7A  }
0x26: {  	[smem:$0x3F91] =	sst s1;
	(tag) =	ssettag s2;
	_ =	strace s9  }
0x27: {  	s1 =	sld [smem:$0x3FA1]  }
0x28: {  	s2 =	sld [smem:$0x3FA2]  }
0x29: {  	s4 =	sld [smem:$0x3FA4]  }
0x2a: {  	p0 =	seq.s32 s5, $0x0;
	s5 =	sld [smem:$0x3FA5]  }
0x2b: {  	s6 =	sld [smem:$0x3FA6]  }
0x2c: {  	s7 =	sld [smem:$0x3FA7]  }
0x2d: {  	s3 =	simm.s32 $0x108;
	s8 =	sld [smem:$0x3FA8]  }
0x2e: {  	s3 =	simm.s32 @!p0 $0x1082;
	s9 =	sld [smem:$0x3FA9]  }
0x2f: {  	lr =	sadd.s32 s0, s3;
	s0 =	sld [smem:$0x3FA0]  }
0x30: {  	s3 =	sld [smem:$0x3FA3]  }
0x31: {  	[smem:$0x3FAC] =	sst s10  }
0x32: {  	s10 =	sld [smem:$0x3FAA];
	_ =	sdelay $0x3  }
0x33: {  	p0 =	seq.s32 s10, $0x1;
	s10 =	sld [smem:$0x3FAC];
	_ =	sdelay $0x3  }
0x34: {  	[smem:$0x3FAC] =	sst s10  }
0x35: {  	s10 =	sld [smem:$0x3FAB];
	_ =	sdelay $0x3  }
0x36: {  	p1 =	seq.s32 s10, $0x1;
	s10 =	sld [smem:$0x3FAC];
	_ =	sdelay $0x3  }
0x37: {  	[smem:$0x3FAC] =	sst s10  }
0x38: {  	s10 =	sld [smem:$0x3FAD]  }
0x39: {  	_ = 	snop;
	(pc) =	sbr.ind lr, $3  }
0x3a: {  	_ = 	snop  }
0x3b: {  	_ = 	snop  }
0x3c: {  	p2 =	seq.s32 s10, $0x1;
	s10 =	sld [smem:$0x3FAC]  }
0x3d: {  	_ =	shalt  }
0x3e: {  	_ =	shalt  }
0x3f: {  	_ =	shalt  }
0x40: {  	_ =	shalt  }
0x41: {  	_ =	shalt  }
0x42: {  	_ =	shalt  }
0x43: {  	_ =	shalt  }
0x44: {  	_ =	shalt  }
0x45: {  	_ =	shalt  }
0x46: {  	_ =	shalt  }
0x47: {  	_ =	shalt  }
0x48: {  	_ =	shalt  }
0x49: {  	_ =	shalt  }
0x4a: {  	_ =	shalt  }
0x4b: {  	_ =	shalt  }
0x4c: {  	_ =	shalt  }
0x4d: {  	_ =	shalt  }
0x4e: {  	_ =	shalt  }
0x4f: {  	_ =	shalt  }
0x50: {  	_ =	shalt  }
0x51: {  	_ =	shalt  }
0x52: {  	_ =	shalt  }
0x53: {  	_ =	shalt  }
0x54: {  	_ =	shalt  }
0x55: {  	_ =	shalt  }
0x56: {  	_ =	shalt  }
0x57: {  	_ =	shalt  }
0x58: {  	_ =	shalt  }
0x59: {  	_ =	shalt  }
0x5a: {  	_ =	shalt  }
0x5b: {  	_ =	shalt  }
0x5c: {  	_ =	shalt  }
0x5d: {  	_ =	shalt  }
0x5e: {  	_ =	shalt  }
0x5f: {  	_ =	shalt  }
0x60: {  	_ =	shalt  }
0x61: {  	_ =	shalt  }
0x62: {  	_ =	shalt  }
0x63: {  	_ =	shalt  }
0x64: {  	_ =	shalt  }
0x65: {  	_ =	shalt  }
0x66: {  	_ =	shalt  }
0x67: {  	_ =	shalt  }
0x68: {  	_ =	shalt  }
0x69: {  	_ =	shalt  }
0x6a: {  	_ =	shalt  }
0x6b: {  	_ =	shalt  }
0x6c: {  	_ =	shalt  }
0x6d: {  	_ =	shalt  }
0x6e: {  	_ =	shalt  }
0x6f: {  	_ =	shalt  }
0x70: {  	_ =	shalt  }
0x71: {  	_ =	shalt  }
0x72: {  	_ =	shalt  }
0x73: {  	_ =	shalt  }
0x74: {  	_ =	shalt  }
0x75: {  	_ =	shalt  }
0x76: {  	_ =	shalt  }
0x77: {  	_ =	shalt  }
0x78: {  	_ =	shalt  }
0x79: {  	_ =	shalt  }
0x7a: {  	_ =	shalt  }
0x7b: {  	_ =	shalt  }
0x7c: {  	_ =	shalt  }
0x7d: {  	_ =	shalt  }
0x7e: {  	_ =	shalt  }
0x7f: {  	_ =	shalt  }
0x80: {  	_ =	shalt  }
0x81: {  	_ =	shalt  }
0x82: {  	_ =	shalt  }
0x83: {  	_ =	shalt  }
0x84: {  	_ =	shalt  }
0x85: {  	_ =	shalt  }
0x86: {  	_ =	shalt  }
0x87: {  	_ =	shalt  }
.Lfunc_end0:
.L_simem_size_0:
called_computation_lowered:
.L_overlay_start_0:
0x88: {  	s2 =	sld [smem:$0x3FD9]  }
0x89: {  	s3 =	sld [smem:$0x3FFE];
	_ =	sdelay $0x1  }
0x8a: {  	s1 =	srdreg.scid  }
0x8b: {  	s0 =	sand.u32 $0x1, s1  }
0x8c: {  	s14 =	sshll.u32 s0, $0xA;
	s2 =	sadd.s32 s3, s2  }
0x8d: {  	s2 =	sadd.s32 s2, s14  }
0x8e: {  	[smem:$0x3FB8] =	sst s2  }
0x8f: {  	_ = 	snop  }
0x90: {  	s2 =	sld [smem:$0x3FD0];
	_ =	sdelay $0x2  }
0x91: {  	s15 =	simm.s32 $0xA;
	s4 =	simm.s32 $0x10  }
0x92: {  	[smem:s4], [sflag:s15] =	dma.local [hbm:s2], $0x1  }
0x93: {  	_ =	swait.eq [sflag:s15], $0x1  }
0x94: {  	[sflag:s15] =	ssyncset.done $0x0  }
0x95: {  	s16 =	sld [smem:$0x10];
	[sflag:s15] =	ssyncadd.s32 $0xFFFFFFFF  }
0x96: {  	s17 =	sld [smem:$0x11];
	(tm) =	ssettm $0x1  }
0x97: {  	s18 =	sld [smem:$0x3FFB];
	_ =	sdelay $0x3  }
0x98: {  	_ =	strace s18  }
0x99: {  	s4 =	sld [smem:$0x3FFC];
	_ =	sdelay $0x3  }
0x9a: {  	_ =	strace s4  }
0x9b: {  	s4 =	sld [smem:$0x3FFD];
	_ =	sdelay $0x3  }
0x9c: {  	_ =	strace s4  }
0x9d: {  	_ =	strace $0x8FFFFFFF  }
0x9e: {  	s19 =	sld [smem:$0x3FDB];
	_ =	sdelay $0x1  }
0x9f: {  	s5 =	simm.s32 $_scs_section_size  }
0xa0: {  	s6 =	simm.s32 $_size__tile_overlayer_lowered;
	s7 =	simm.s32 $_tile_overlayer_lowered  }
0xa1: {  	s22 =	simm.s32 $0x1BFF;
	s21 =	sshll.u32 s7, $0x1;
	s4 =	sadd.s32 s5, s19  }
0xa2: {  	s8 =	simm.s32 $0x0;
	s20 =	sshll.u32 s6, $0x1;
	s6 =	sadd.s32 s21, s4  }
0xa3: {  	[timem:s8], [sflag:s22] =	dma.local [hbm:s6], s20  }
0xa4: {  	_ =	swait.ge [sflag:s22], s20  }
0xa5: {  	s5 =	ssub.s32 $0x0, s20;
	[sflag:s22] =	ssyncset.done $0x0  }
0xa6: {  	[sflag:s22] =	ssyncadd.s32 s5;
	_ =	sdelay $0x1  }
0xa7: {  	s23 =	simm.s32 $0x1B8B  }
0xa8: {  	_ =	swait.ge [sflag:s23], $0x1  }
0xa9: {  	[sflag:s23] =	ssyncset.done $0x0  }
0xaa: {  	s25 =	simm.s32 $0x1B8E;
	s24 =	sld [smem:$0x3FFE];
	[sflag:s23] =	ssyncadd.s32 $0xFFFFFFFF  }
0xab: {  	s26 =	simm.s32 $execute0_lowered;
	[smem:$0x3FD2] =	sst s25  }
0xac: {  	s6 =	sshll.u32 s26, $0x1;
	_ =	strace $0x80000046;
	[dreg:$0x1] =	wrdreg $0xFFFFFFFF  }
0xad: {  	s28 =	simm.s32 $_size_execute0_lowered;
	s4 =	sadd.s32 s4, s6;
	[dreg:$0x0] =	wrdreg $0x0  }
0xae: {  	s6 =	sshll.u32 s28, $0x1;
	[dreg:$0x2] =	wrdreg s4  }
0xaf: {  	[dreg:$0x3] =	wrdreg s6  }
0xb0: {  	[dreg:$0x4] =	wrdreg $0xC0  }
0xb1: {  	_ =	task [dreg:s8], $0x5FFFF  }
0xb2: {  	[dreg:$0x1] =	wrdreg $0xFFFFFFFF  }
0xb3: {  	[dreg:$0x0] =	wrdreg $0x60  }
0xb4: {  	[dreg:$0x2] =	wrdreg s16  }
0xb5: {  	[dreg:$0x3] =	wrdreg s24  }
0xb6: {  	[dreg:$0x4] =	wrdreg s17  }
0xb7: {  	[dreg:$0x5] =	wrdreg $0x11E900  }
0xb8: {  	[dreg:$0x6] =	wrdreg $0x9  }
0xb9: {  	_ =	task.clear_ibuf [dreg:s8], $0x7FFFF;
	_ =	strace $0x90000046  }
0xba: {  	s29 =	simm.s32 $0x9;
	_ =	strace $0x80000048  }
0xbb: {  	_ =	swait.ge [sflag:s29], $0x1  }
0xbc: {  	[sflag:s29] =	ssyncadd.s32 $0xFFFFFFFF  }
0xbd: {  	_ =	strace $0x90000048  }
0xbe: {  	_ =	sfence  }
0xbf: {  	s30 =	sld [smem:$0x0];
	_ =	sdelay $0x2  }
0xc0: {  	s31 =	sshll.u32 s1, $0xD;
	s1 =	sshrl.u32 s1, $0x2  }
0xc1: {  	s3 =	sand.u32 $0x4000, s31;
	s1 =	sadd.s32 s1, s30  }
0xc2: {  	s0 =	sor.u32 s3, s0;
	s1 =	sshll.u32 s1, $0x11  }
0xc3: {  	s0 =	sor.u32 s1, s0  }
0xc4: {  	s0 =	sadd.s32 $0x8F2B, s0  }
0xc5: {  	[sflag:s0] =	ssyncadd.remote.s32 $0x1  }
0xc6: {  	_ =	sfence.sel $0xFFFF  }
0xc7: {  	[dreg:$0x0] =	wrdreg $0xFFFFFFFF;
	(pc) =	sbr.abs _section_cstart, $3  }
0xc8: {  	[dreg:$0x1] =	wrdreg $0xFFFFFFFF  }
0xc9: {  	_ =	task.clear_ibuf [dreg:s8], $0x2FFFF;
	_ =	strace $0x9FFFFFFF  }
0xca: {  	(tm) =	ssettm $0x7FFFFFFF  }
0xcb: {  	_ =	shalt  }
tec
execute0_lowered:
.L_overlay_start_1:
0x0: {  	(tag) =	ssettag $0x1  }
0x1: {  	s0 =	rddreg [dreg:$0x0]  }
0x2: {  	s1 =	rddreg [dreg:$0x1]  }
0x3: {  	s4 =	rddreg [dreg:$0x2]  }
0x4: {  	s2 =	rddreg [dreg:$0x3];
	s3 =	simm.s32 $0x0  }
0x5: {  	s7 =	stileid.u32;
	s6 =	srdreg.scid;
	s28 =	simm.s32 $0x14E10  }
0x6: {  	s30 =	simm.s32 $0x15610;
	s14 =	simm.s32 $0x9F80;
	s16 =	simm.s32 $0xF700  }
0x7: {  	[smem:$0x7FF] =	sst s3;
	s5 =	smul.u32 $0xA00, s7;
	s6 =	sand.u32 $0x1, s6  }
0x8: {  	s7 =	smul.u32 $0x2780, s7;
	s8 =	sadd.s32 $0x2AC00, s1;
	s11 =	sadd.s32 $0x3EC00, s1  }
0x9: {  	_ =	strace $0x80000047;
	[dreg:$0x5] =	wrdreg s8;
	s18 =	sshll.u32 s6, $0x1  }
0xa: {  	s10 =	ssub.s32 $0x2, s6;
	s13 =	smul.u32 $0x27800, s6;
	p0 =	sne.s32 s6, $0x0  }
0xb: {  	s6 =	simm.s32 $0x7;
	s5 =	sadd.s32 s5, s1;
	s8 =	sadd.s32 s18, s1  }
0xc: {  	s9 =	sshrl.u32 s7, $0x3;
	s19 =	sshrl.u32 s10, $0x1;
	s18 =	simm.s32 $0xA  }
0xd: {  	s12 =	sadd.s32 s9, s1;
	s1 =	sadd.s32 $0x2FE00, s1;
	s10 =	ssub.s32 s10, s19  }
0xe: {  	s20 =	sadd.s32 $0x20C00, s5;
	s5 =	sadd.s32 $0x16C00, s5;
	s21 =	sadd.s32 $0x2E00, s8  }
0xf: {  	s8 =	sadd.s32 s7, s2;
	s22 =	sadd.s32 s7, s13;
	[dreg:$0x6] =	wrdreg s20  }
0x10: {  	s24 =	sshrl.u32 s13, $0x3;
	s19 =	simm.s32 $0x1;
	[dreg:$0x7] =	wrdreg s5  }
0x11: {  	s7 =	simm.s32 $0x8;
	[dreg:$0x8] =	wrdreg s21;
	s9 =	sadd.s32 $0x2AE00, s12  }
0x12: {  	s23 =	sadd.s32 $0x39C00, s12;
	s5 =	sshrl.u32 s22, $0x3;
	s13 =	sadd.s32 s1, s24  }
0x13: {  	s15 =	sadd.s32 s11, s24;
	s31 =	smax.u32 s10, $0x1;
	s20 =	simm.s32 $0xA000  }
0x14: {  	s22 =	simm.s32 $0x80;
	s21 =	simm.s32 $0x2;
	[dreg:$0x9] =	wrdreg s23  }
0x15: {  	s24 =	simm.s32 $0x3;
	s0 =	sadd.s32 s0, s5;
	[dreg:$0xe] =	wrdreg s31  }
0x16: {  	s12 =	simm.s32 $0x9F00;
	s25 =	sadd.s32 s1, s5;
	[dreg:$0xa] =	wrdreg s0  }
0x17: {  	s26 =	sadd.s32 s11, s5;
	s29 =	sadd.s32 s4, s5;
	[dreg:$0xb] =	wrdreg s25  }
0x18: {  	s23 =	simm.s32 $0x9;
	s1 =	simm.s32 $0x4;
	[dreg:$0xc] =	wrdreg s26  }
0x19: {  	s4 =	simm.s32 $0x5;
	s5 =	simm.s32 $0x6;
	[dreg:$0xd] =	wrdreg s29  }
0x1a: {  	s26 =	simm.s32 $0x14610;
	s0 =	simm.s32 $0x15E10;
	s25 =	simm.s32 $0x0  }
.LBB2_1:
0x1b: {  	s10 =	rddreg [dreg:$0x6]  }
0x1c: {  	[tilespmem:s3], [sflag:$0xA] =	stream.linear.gather [hbm4b:s10+s3], $0x5000, $0x38;
	[tilespmem:$0x16610] =	vst v63  }
0x1d: {  	_ =	swait.ge [sflag:s18], $0x5000  }
0x1e: {  	[sflag:s18] =	ssyncset.done $0x0  }
0x1f: {  	s11 =	simm.s32 $0x5000;
	s17 =	rddreg [dreg:$0x7];
	[sflag:s18] =	ssyncadd.s32 $0xFFFFB000  }
0x20: {  	[tilespmem:s11], [sflag:$0xA] =	stream.linear.gather [hbm4b:s17+s3], $0x5000, $0x38;
	[tilespmem:$0x16610] =	vst v63  }
0x21: {  	_ =	swait.ge [sflag:s18], $0x5000  }
0x22: {  	[sflag:s18] =	ssyncset.done $0x0  }
0x23: {  	s31 =	rddreg [dreg:$0x5];
	[sflag:s18] =	ssyncadd.s32 $0xFFFFB000  }
0x24: {  	[tilespmem:s20], [sflag:$0xA] =	stream.linear.gather [hbm4b:s31+s3], $0x800, $0x38;
	[tilespmem:$0x16610] =	vst v63  }
0x25: {  	_ =	swait.ge [sflag:s18], $0x800  }
0x26: {  	[sflag:s18] =	ssyncset.done $0x0  }
0x27: {  	s17 =	simm.s32 $0x11E80;
	s11 =	rddreg [dreg:$0x8];
	[sflag:s18] =	ssyncadd.s32 $0xFFFFF800  }
0x28: {  	[tilespmem:s17], [sflag:$0xA] =	stream.linear.gather [hbm4b:s11+s3], $0x10, $0x38;
	[tilespmem:$0x16610] =	vst v63  }
0x29: {  	s31 =	stileid.u32;
	_ =	swait.ge [sflag:s18], $0x10  }
0x2a: {  	s10 =	sshll.u32 s31, $0x6;
	[sflag:s18] =	ssyncset.done $0x0  }
0x2b: {  	s29 =	sshrl.u32 s8, $0x3;
	s17 =	sor.u32 $0x1C0A, s10;
	[sflag:s18] =	ssyncadd.s32 $0xFFFFFFF0  }
0x2c: {  	[spmem:s29], [sflag:s17] =	dma.local [hbm:s9], $0x4F0  }
0x2d: {  	_ =	swait.ge [sflag:s18], $0x4F0  }
0x2e: {  	[sflag:s18] =	ssyncset.done $0x0  }
0x2f: {  	[sflag:s18] =	ssyncadd.s32 $0xFFFFFB10  }
0x30: {  	s10 =	simm.s32 $0x0;
	[bflag:$0x0] =	sbarrier.arrive $0xFFFF  }
.LBB2_2:
0x31: {  	p1 =	sne.s32 s10, $0x13E00  }
.Ltmp0:
0x32: {  	_ = 	snop;
	(pc) =	sbr.rel @p1 .LBB2_2-.Ltmp0, $4  }
0x33: {  	_ = 	snop  }
0x34: {  	s31 =	sshra.s32 s10, $0x2  }
0x35: {  	s10 =	sadd.s32 $0x200, s10;
	s31 =	sadd.s32 $0x5000, s31  }
0x36: {  	[spmem:s2] =	stream.indirect.scatter.add.f32 [tilespmem:s20], [sflag:$0x9], $0x10, s31, s22, $0xb8;
	[tilespmem:$0x16610] =	vst v63  }
0x37: {  	_ =	swait.ge [sflag:s23], $0x800  }
0x38: {  	s10 =	simm.s32 $0x9F;
	[sflag:s23] =	ssyncset.done $0x0  }
.LBB2_4:
0x39: {  	p1 =	sne.s32 s10, $0x1;
	s10 =	sadd.s32 $0xFFFFFFFF, s10;
	[sflag:s23] =	ssyncadd.s32 $0xFFFFF800  }
.Ltmp1:
0x3a: {  	(pc) =	sbr.rel @p1 .LBB2_4-.Ltmp1, $3  }
0x3b: {  	_ =	sdelay $0x1  }
0x3c: {  	_ =	swait.ge [sflag:s23], $0x800  }
0x3d: {  	[sflag:s23] =	ssyncset.done $0x0  }
0x3e: {  	[sflag:s23] =	ssyncadd.s32 $0xFFFFF800  }
0x3f: {  	s10 =	simm.s32 $0xA800;
	[bflag:$0x0] =	sbarrier.arrive $0xFFFF  }
0x40: {  	[tilespmem:s10], [sflag:$0xA] =	stream.linear.gather [spmem:s8], $0x2780, $0x38;
	[tilespmem:$0x16610] =	vst v63  }
0x41: {  	_ =	swait.ge [sflag:s18], $0x2780  }
0x42: {  	[sflag:s18] =	ssyncset.done $0x0  }
0x43: {  	s31 =	simm.s32 $0x0;
	s10 =	simm.s32 $0x40;
	[sflag:s18] =	ssyncadd.s32 $0xFFFFD880  }
.LBB2_6:
0x44: {  	p1 =	sne.s32 s10, $0x9DC0;
	v0 =	vld [tilespmem:s31+$0xA800];
	_ =	sdelay $0x4  }
0x45: {  	v0 =	vadd.f32 $1.000000000e+00, v0;
	_ =	sdelay $0x1  }
0x46: {  	v1 =	vmul.f32 $5.000000000e-01, v0;
	v0 =	vshra.s32 v0, $0x1  }
0x47: {  	v0 =	vsub.s32 $0x5F3759DF, v0  }
0x48: {  	v2 =	vmul.f32 v0, v1;
	_ =	sdelay $0x1  }
0x49: {  	v2 =	vmul.f32 v0, v2;
	_ =	sdelay $0x1  }
0x4a: {  	v2 =	vsub.f32 $1.500000000e+00, v2;
	_ =	sdelay $0x1  }
0x4b: {  	v0 =	vmul.f32 v0, v2;
	_ =	sdelay $0x1  }
0x4c: {  	v2 =	vmul.f32 v0, v1;
	_ =	sdelay $0x1  }
0x4d: {  	v2 =	vmul.f32 v2, v0;
	_ =	sdelay $0x1  }
0x4e: {  	v2 =	vsub.f32 $1.500000000e+00, v2;
	_ =	sdelay $0x1  }
0x4f: {  	v0 =	vmul.f32 v2, v0;
	_ =	sdelay $0x1  }
0x50: {  	v1 =	vmul.f32 v0, v1;
	_ =	sdelay $0x1  }
0x51: {  	v1 =	vmul.f32 v1, v0;
	_ =	sdelay $0x1  }
.Ltmp2:
0x52: {  	v1 =	vsub.f32 $1.500000000e+00, v1;
	(pc) =	sbr.rel @p1 .LBB2_6-.Ltmp2, $3  }
0x53: {  	_ = 	snop  }
0x54: {  	v0 =	vmul.f32 v1, v0;
	_ =	sdelay $0x1  }
0x55: {  	[tilespmem:s31+$0xA800] =	vst v0;
	s31 =	sshra.s32 s10, $0x2;
	s10 =	sadd.s32 $0x40, s10  }
0x56: {  	v0 =	vld [tilespmem:s31+$0xA800];
	_ =	sdelay $0x4  }
0x57: {  	v0 =	vadd.f32 $1.000000000e+00, v0;
	_ =	sdelay $0x1  }
0x58: {  	v1 =	vmul.f32 $5.000000000e-01, v0;
	v0 =	vshra.s32 v0, $0x1  }
0x59: {  	v0 =	vsub.s32 $0x5F3759DF, v0  }
0x5a: {  	v2 =	vmul.f32 v0, v1;
	_ =	sdelay $0x1  }
0x5b: {  	v2 =	vmul.f32 v0, v2;
	_ =	sdelay $0x1  }
0x5c: {  	v2 =	vsub.f32 $1.500000000e+00, v2;
	_ =	sdelay $0x1  }
0x5d: {  	v0 =	vmul.f32 v0, v2;
	_ =	sdelay $0x1  }
0x5e: {  	v2 =	vmul.f32 v0, v1;
	_ =	sdelay $0x1  }
0x5f: {  	v2 =	vmul.f32 v2, v0;
	_ =	sdelay $0x1  }
0x60: {  	v2 =	vsub.f32 $1.500000000e+00, v2;
	_ =	sdelay $0x1  }
0x61: {  	v0 =	vmul.f32 v2, v0;
	_ =	sdelay $0x1  }
0x62: {  	v1 =	vmul.f32 v0, v1;
	_ =	sdelay $0x1  }
0x63: {  	v1 =	vmul.f32 v1, v0;
	_ =	sdelay $0x1  }
0x64: {  	v1 =	vsub.f32 $1.500000000e+00, v1;
	_ =	sdelay $0x1  }
0x65: {  	v0 =	vmul.f32 v1, v0;
	_ =	sdelay $0x1  }
0x66: {  	s10 =	simm.s32 @!p0 $0x0;
	s11 =	rddreg [dreg:$0x9];
	[tilespmem:s31+$0xA800] =	vst v0;
	s31 =	simm.s32 @!p0 $0xA800  }
0x67: {  	[hbm4b:s11+s10] =	stream.linear.scatter @!p0 [tilespmem:s31], [sflag:$0xA], $0x2780, $0x38;
	[tilespmem:$0x16610] =	vst v63  }
0x68: {  	s10 =	simm.s32 @!p0 $0xA  }
0x69: {  	_ =	swait.ge @!p0 [sflag:s10], $0x2780  }
0x6a: {  	s31 =	simm.s32 $0xCF80;
	[sflag:s10] =	ssyncset.done @!p0 $0x0  }
0x6b: {  	s11 =	rddreg [dreg:$0xa];
	[sflag:s10] =	ssyncadd.s32 @!p0 $0xFFFFD880;
	s10 =	simm.s32 $0x0  }
0x6c: {  	[tilespmem:s31], [sflag:$0xA] =	stream.linear.gather [hbm4b:s11+s10], $0x2780, $0x38;
	[tilespmem:$0x16610] =	vst v63  }
0x6d: {  	_ =	swait.ge [sflag:s18], $0x2780  }
0x6e: {  	[sflag:s18] =	ssyncset.done $0x0  }
0x6f: {  	s10 =	simm.s32 $0x0;
	[sflag:s18] =	ssyncadd.s32 $0xFFFFD880  }
0x70: {  	s31 =	simm.s32 $0x40;
	v0 =	vld [tilespmem:s10+$0xA800]  }
.LBB2_8:
0x71: {  	p1 =	sne.s32 s31, $0x9DC0;
	v1 =	vld [tilespmem:s10+$0xCF80];
	_ =	sdelay $0x2  }
.Ltmp3:
0x72: {  	(pc) =	sbr.rel @p1 .LBB2_8-.Ltmp3, $4  }
0x73: {  	_ = 	snop  }
0x74: {  	v1 =	vmul.f32 v0, v1  }
0x75: {  	s11 =	sshra.s32 s31, $0x2  }
0x76: {  	s31 =	sadd.s32 $0x40, s31;
	v0 =	vld [tilespmem:s11+$0xA800];
	[tilespmem:s10+$0xCF80] =	vst v1;
	s10 =	smov.u32 s11  }
0x77: {  	v1 =	vld [tilespmem:s10+$0xCF80];
	_ =	sdelay $0x4  }
0x78: {  	v0 =	vmul.f32 v0, v1;
	_ =	sdelay $0x1  }
0x79: {  	s11 =	rddreg [dreg:$0xb];
	s31 =	simm.s32 $0xCF80;
	[tilespmem:s10+$0xCF80] =	vst v0;
	s10 =	simm.s32 $0x0  }
0x7a: {  	[hbm4b:s11+s10] =	stream.linear.scatter [tilespmem:s31], [sflag:$0xA], $0x2780, $0x38;
	[tilespmem:$0x16610] =	vst v63  }
0x7b: {  	_ =	swait.ge [sflag:s18], $0x2780  }
0x7c: {  	[sflag:s18] =	ssyncset.done $0x0  }
0x7d: {  	[sflag:s18] =	ssyncadd.s32 $0xFFFFD880  }
0x7e: {  	[spmem:s29], [sflag:s17] =	dma.local [hbm:s9], $0x4F0  }
0x7f: {  	_ =	swait.ge [sflag:s18], $0x4F0  }
0x80: {  	[sflag:s18] =	ssyncset.done $0x0  }
0x81: {  	[sflag:s18] =	ssyncadd.s32 $0xFFFFFB10  }
0x82: {  	[bflag:$0x0] =	sbarrier.arrive $0xFFFF  }
0x83: {  	[tilespmem:s26], [sflag:$0x1] =	stream.indirect.gather [hbm4b:s13+s22], $0x10, s10, s22, $0xb8;
	[tilespmem:$0x16610] =	vst v63  }
0x84: {  	_ = 	snop  }
0x85: {  	[tilespmem:s28], [sflag:$0x2] =	stream.indirect.gather [hbm4b:s13+s22], $0x10, s22, s22, $0xb8;
	[tilespmem:$0x16610] =	vst v63  }
0x86: {  	s11 =	simm.s32 $0x100  }
0x87: {  	[tilespmem:s30], [sflag:$0x3] =	stream.indirect.gather [hbm4b:s13+s22], $0x10, s11, s22, $0xb8;
	[tilespmem:$0x16610] =	vst v63  }
0x88: {  	s11 =	simm.s32 $0x180  }
0x89: {  	[tilespmem:s0], [sflag:$0x4] =	stream.indirect.gather [hbm4b:s13+s22], $0x10, s11, s22, $0xb8;
	[tilespmem:$0x16610] =	vst v63  }
0x8a: {  	_ =	swait.ge [sflag:s19], $0x800  }
0x8b: {  	[sflag:s19] =	ssyncset.done $0x0  }
0x8c: {  	s11 =	simm.s32 $0x5000;
	[sflag:s19] =	ssyncadd.s32 $0xFFFFF800  }
0x8d: {  	[spmem:s2] =	stream.indirect.scatter.add.f32 [tilespmem:s26], [sflag:$0x5], $0x10, s11, s22, $0xb8;
	[tilespmem:$0x16610] =	vst v63  }
0x8e: {  	_ =	swait.ge [sflag:s21], $0x800  }
0x8f: {  	[sflag:s21] =	ssyncset.done $0x0  }
0x90: {  	s11 =	simm.s32 $0x5080;
	[sflag:s21] =	ssyncadd.s32 $0xFFFFF800  }
0x91: {  	[spmem:s2] =	stream.indirect.scatter.add.f32 [tilespmem:s28], [sflag:$0x6], $0x10, s11, s22, $0xb8;
	[tilespmem:$0x16610] =	vst v63  }
0x92: {  	_ =	swait.ge [sflag:s24], $0x800  }
0x93: {  	[sflag:s24] =	ssyncset.done $0x0  }
0x94: {  	s11 =	simm.s32 $0x5100;
	[sflag:s24] =	ssyncadd.s32 $0xFFFFF800  }
0x95: {  	[spmem:s2] =	stream.indirect.scatter.add.f32 [tilespmem:s30], [sflag:$0x7], $0x10, s11, s22, $0xb8;
	[tilespmem:$0x16610] =	vst v63  }
0x96: {  	_ =	swait.ge [sflag:s1], $0x800  }
0x97: {  	[sflag:s1] =	ssyncset.done $0x0  }
0x98: {  	s11 =	simm.s32 $0x5180;
	[sflag:s1] =	ssyncadd.s32 $0xFFFFF800  }
0x99: {  	[spmem:s2] =	stream.indirect.scatter.add.f32 [tilespmem:s0], [sflag:$0x8], $0x10, s11, s22, $0xb8;
	[tilespmem:$0x16610] =	vst v63  }
0x9a: {  	_ =	swait.ge [sflag:s4], $0x800  }
0x9b: {  	[sflag:s4] =	ssyncset.done $0x0  }
0x9c: {  	s11 =	simm.s32 $0x200;
	[sflag:s4] =	ssyncadd.s32 $0xFFFFF800  }
0x9d: {  	[tilespmem:s26], [sflag:$0x1] =	stream.indirect.gather [hbm4b:s13+s22], $0x10, s11, s22, $0xb8;
	[tilespmem:$0x16610] =	vst v63  }
0x9e: {  	_ =	swait.ge [sflag:s5], $0x800  }
0x9f: {  	[sflag:s5] =	ssyncset.done $0x0  }
0xa0: {  	s11 =	simm.s32 $0x280;
	[sflag:s5] =	ssyncadd.s32 $0xFFFFF800  }
0xa1: {  	[tilespmem:s28], [sflag:$0x2] =	stream.indirect.gather [hbm4b:s13+s22], $0x10, s11, s22, $0xb8;
	[tilespmem:$0x16610] =	vst v63  }
0xa2: {  	_ =	swait.ge [sflag:s6], $0x800  }
0xa3: {  	[sflag:s6] =	ssyncset.done $0x0  }
0xa4: {  	s11 =	simm.s32 $0x300;
	[sflag:s6] =	ssyncadd.s32 $0xFFFFF800  }
0xa5: {  	[tilespmem:s30], [sflag:$0x3] =	stream.indirect.gather [hbm4b:s13+s22], $0x10, s11, s22, $0xb8;
	[tilespmem:$0x16610] =	vst v63  }
0xa6: {  	_ =	swait.ge [sflag:s7], $0x800  }
0xa7: {  	[sflag:s7] =	ssyncset.done $0x0  }
0xa8: {  	s31 =	simm.s32 $0x800;
	s10 =	simm.s32 $0x380;
	[sflag:s7] =	ssyncadd.s32 $0xFFFFF800  }
.LBB2_10:
0xa9: {  	[tilespmem:s0], [sflag:$0x4] =	stream.indirect.gather [hbm4b:s13+s22], $0x10, s10, s22, $0xb8;
	[tilespmem:$0x16610] =	vst v63  }
0xaa: {  	s10 =	smov.u32 s31  }
0xab: {  	p1 =	sne.s32 s31, $0x13000;
	s31 =	sadd.s32 $0x800, s31;
	_ =	swait.ge [sflag:s19], $0x800  }
0xac: {  	s10 =	sshra.s32 s10, $0x2;
	[sflag:s19] =	ssyncset.done $0x0  }
0xad: {  	s11 =	sadd.s32 $0x5000, s10;
	[sflag:s19] =	ssyncadd.s32 $0xFFFFF800  }
0xae: {  	[spmem:s2] =	stream.indirect.scatter.add.f32 [tilespmem:s26], [sflag:$0x5], $0x10, s11, s22, $0xb8;
	[tilespmem:$0x16610] =	vst v63  }
0xaf: {  	_ =	swait.ge [sflag:s21], $0x800  }
0xb0: {  	[sflag:s21] =	ssyncset.done $0x0  }
0xb1: {  	s11 =	sadd.s32 $0x5080, s10;
	[sflag:s21] =	ssyncadd.s32 $0xFFFFF800  }
0xb2: {  	[spmem:s2] =	stream.indirect.scatter.add.f32 [tilespmem:s28], [sflag:$0x6], $0x10, s11, s22, $0xb8;
	[tilespmem:$0x16610] =	vst v63  }
0xb3: {  	_ =	swait.ge [sflag:s24], $0x800  }
0xb4: {  	[sflag:s24] =	ssyncset.done $0x0  }
0xb5: {  	s11 =	sadd.s32 $0x5100, s10;
	[sflag:s24] =	ssyncadd.s32 $0xFFFFF800  }
0xb6: {  	[spmem:s2] =	stream.indirect.scatter.add.f32 [tilespmem:s30], [sflag:$0x7], $0x10, s11, s22, $0xb8;
	[tilespmem:$0x16610] =	vst v63  }
0xb7: {  	_ =	swait.ge [sflag:s1], $0x800  }
0xb8: {  	[sflag:s1] =	ssyncset.done $0x0  }
0xb9: {  	s11 =	sadd.s32 $0x5180, s10;
	[sflag:s1] =	ssyncadd.s32 $0xFFFFF800  }
0xba: {  	[spmem:s2] =	stream.indirect.scatter.add.f32 [tilespmem:s0], [sflag:$0x8], $0x10, s11, s22, $0xb8;
	[tilespmem:$0x16610] =	vst v63  }
0xbb: {  	_ =	swait.ge [sflag:s4], $0x800  }
0xbc: {  	[sflag:s4] =	ssyncset.done $0x0  }
0xbd: {  	s11 =	sadd.s32 $0x200, s10;
	[sflag:s4] =	ssyncadd.s32 $0xFFFFF800  }
0xbe: {  	[tilespmem:s26], [sflag:$0x1] =	stream.indirect.gather [hbm4b:s13+s22], $0x10, s11, s22, $0xb8;
	[tilespmem:$0x16610] =	vst v63  }
0xbf: {  	_ =	swait.ge [sflag:s5], $0x800  }
0xc0: {  	[sflag:s5] =	ssyncset.done $0x0  }
0xc1: {  	s11 =	sadd.s32 $0x280, s10;
	[sflag:s5] =	ssyncadd.s32 $0xFFFFF800  }
0xc2: {  	[tilespmem:s28], [sflag:$0x2] =	stream.indirect.gather [hbm4b:s13+s22], $0x10, s11, s22, $0xb8;
	[tilespmem:$0x16610] =	vst v63  }
0xc3: {  	_ =	swait.ge [sflag:s6], $0x800  }
0xc4: {  	[sflag:s6] =	ssyncset.done $0x0  }
.Ltmp4:
0xc5: {  	s11 =	sadd.s32 $0x300, s10;
	[sflag:s6] =	ssyncadd.s32 $0xFFFFF800;
	(pc) =	sbr.rel @p1 .LBB2_10-.Ltmp4, $4  }
0xc6: {  	[tilespmem:s30], [sflag:$0x3] =	stream.indirect.gather [hbm4b:s13+s22], $0x10, s11, s22, $0xb8;
	[tilespmem:$0x16610] =	vst v63  }
0xc7: {  	_ =	swait.ge [sflag:s7], $0x800  }
0xc8: {  	[sflag:s7] =	ssyncset.done $0x0  }
0xc9: {  	s10 =	sadd.s32 $0x380, s10;
	[sflag:s7] =	ssyncadd.s32 $0xFFFFF800  }
0xca: {  	[tilespmem:s0], [sflag:$0x4] =	stream.indirect.gather [hbm4b:s13+s22], $0x10, s10, s22, $0xb8;
	[tilespmem:$0x16610] =	vst v63  }
0xcb: {  	_ =	swait.ge [sflag:s19], $0x800  }
0xcc: {  	[sflag:s19] =	ssyncset.done $0x0  }
0xcd: {  	s11 =	simm.s32 $0x9E00;
	[sflag:s19] =	ssyncadd.s32 $0xFFFFF800  }
0xce: {  	[spmem:s2] =	stream.indirect.scatter.add.f32 [tilespmem:s26], [sflag:$0x5], $0x10, s11, s22, $0xb8;
	[tilespmem:$0x16610] =	vst v63  }
0xcf: {  	_ =	swait.ge [sflag:s21], $0x800  }
0xd0: {  	[sflag:s21] =	ssyncset.done $0x0  }
0xd1: {  	s11 =	simm.s32 $0x9E80;
	[sflag:s21] =	ssyncadd.s32 $0xFFFFF800  }
0xd2: {  	[spmem:s2] =	stream.indirect.scatter.add.f32 [tilespmem:s28], [sflag:$0x6], $0x10, s11, s22, $0xb8;
	[tilespmem:$0x16610] =	vst v63  }
0xd3: {  	_ =	swait.ge [sflag:s24], $0x800  }
0xd4: {  	[sflag:s24] =	ssyncset.done $0x0  }
0xd5: {  	[sflag:s24] =	ssyncadd.s32 $0xFFFFF800  }
0xd6: {  	[spmem:s2] =	stream.indirect.scatter.add.f32 [tilespmem:s30], [sflag:$0x7], $0x10, s12, s22, $0xb8;
	[tilespmem:$0x16610] =	vst v63  }
0xd7: {  	_ =	swait.ge [sflag:s1], $0x800  }
0xd8: {  	[sflag:s1] =	ssyncset.done $0x0  }
0xd9: {  	[sflag:s1] =	ssyncadd.s32 $0xFFFFF800  }
0xda: {  	[spmem:s2] =	stream.indirect.scatter.add.f32 [tilespmem:s0], [sflag:$0x8], $0x10, s14, s22, $0xb8;
	[tilespmem:$0x16610] =	vst v63  }
0xdb: {  	_ =	swait.ge [sflag:s4], $0x800  }
0xdc: {  	[sflag:s4] =	ssyncset.done $0x0  }
0xdd: {  	[sflag:s4] =	ssyncadd.s32 $0xFFFFF800  }
0xde: {  	_ =	swait.ge [sflag:s5], $0x800  }
0xdf: {  	[sflag:s5] =	ssyncset.done $0x0  }
0xe0: {  	[sflag:s5] =	ssyncadd.s32 $0xFFFFF800  }
0xe1: {  	_ =	swait.ge [sflag:s6], $0x800  }
0xe2: {  	[sflag:s6] =	ssyncset.done $0x0  }
0xe3: {  	[sflag:s6] =	ssyncadd.s32 $0xFFFFF800  }
0xe4: {  	_ =	swait.ge [sflag:s7], $0x800  }
0xe5: {  	[sflag:s7] =	ssyncset.done $0x0  }
0xe6: {  	[sflag:s7] =	ssyncadd.s32 $0xFFFFF800  }
0xe7: {  	[bflag:$0x0] =	sbarrier.arrive $0xFFFF  }
0xe8: {  	v0 =	vld [tilespmem:$0x11E80];
	[tilespmem:s16], [sflag:$0xA] =	stream.linear.gather [spmem:s8], $0x2780, $0x38  }
0xe9: {  	_ =	swait.ge [sflag:s18], $0x2780  }
0xea: {  	[sflag:s18] =	ssyncset.done $0x0  }
0xeb: {  	s31 =	simm.s32 $0x0;
	[sflag:s18] =	ssyncadd.s32 $0xFFFFD880  }
0xec: {  	s10 =	simm.s32 $0x40;
	v1 =	vld [tilespmem:s31+$0xCF80]  }
.LBB2_12:
0xed: {  	p1 =	sne.s32 s10, $0x9DC0;
	v2 =	vld [tilespmem:s31+$0xF700];
	_ =	sdelay $0x1  }
0xee: {  	v3 =	vld [tilespmem:s31+$0xA800];
	_ =	sdelay $0x2  }
0xef: {  	v1 =	vadd.f32 v1, v2;
	_ =	sdelay $0x1  }
0xf0: {  	v1 =	vmul.f32 v1, v3;
	_ =	sdelay $0x1  }
0xf1: {  	v1 =	vadd.f32 v1, v0;
	_ =	sdelay $0x1  }
0xf2: {  	v1 =	vadd.f32 v1, v1;
	_ =	sdelay $0x1  }
0xf3: {  	v1 =	vmul.f32 $1.442695020e+00, v1;
	_ =	sdelay $0x1  }
0xf4: {  	(erf) = vpow2.f32 v1;
	_ =	sdelay $0x8  }
0xf5: {  	v1 =	vpop (erf)  }
0xf6: {  	v1 =	vadd.f32 $1.000000000e+00, v1;
	_ =	sdelay $0x1  }
0xf7: {  	(erf) = vrcp.f32 v1;
	_ =	sdelay $0x8  }
0xf8: {  	v1 =	vpop (erf)  }
0xf9: {  	v1 =	vadd.f32 v1, v1;
	_ =	sdelay $0x1  }
.Ltmp5:
0xfa: {  	v1 =	vsub.f32 $1.000000000e+00, v1;
	(pc) =	sbr.rel @p1 .LBB2_12-.Ltmp5, $4  }
0xfb: {  	_ = 	snop  }
0xfc: {  	v2 =	vmul.f32 v1, v3  }
0xfd: {  	s11 =	sshra.s32 s10, $0x2  }
0xfe: {  	s10 =	sadd.s32 $0x40, s10;
	v1 =	vld [tilespmem:s11+$0xCF80];
	[tilespmem:s31+$0xF700] =	vst v2;
	s31 =	smov.u32 s11  }
0xff: {  	v2 =	vld [tilespmem:s31+$0xF700];
	_ =	sdelay $0x1  }
0x100: {  	v3 =	vld [tilespmem:s31+$0xA800];
	_ =	sdelay $0x2  }
0x101: {  	v1 =	vadd.f32 v1, v2;
	_ =	sdelay $0x1  }
0x102: {  	v1 =	vmul.f32 v1, v3;
	_ =	sdelay $0x1  }
0x103: {  	v0 =	vadd.f32 v1, v0;
	_ =	sdelay $0x1  }
0x104: {  	v0 =	vadd.f32 v0, v0;
	_ =	sdelay $0x1  }
0x105: {  	v0 =	vmul.f32 $1.442695020e+00, v0;
	_ =	sdelay $0x1  }
0x106: {  	(erf) = vpow2.f32 v0;
	_ =	sdelay $0x8  }
0x107: {  	v0 =	vpop (erf)  }
0x108: {  	v0 =	vadd.f32 $1.000000000e+00, v0;
	_ =	sdelay $0x1  }
0x109: {  	(erf) = vrcp.f32 v0;
	_ =	sdelay $0x8  }
0x10a: {  	v0 =	vpop (erf)  }
0x10b: {  	v0 =	vadd.f32 v0, v0;
	_ =	sdelay $0x1  }
0x10c: {  	v0 =	vsub.f32 $1.000000000e+00, v0;
	_ =	sdelay $0x1  }
0x10d: {  	v0 =	vmul.f32 v0, v3;
	_ =	sdelay $0x1  }
0x10e: {  	s10 =	simm.s32 $0x0;
	s11 =	rddreg [dreg:$0xc];
	[tilespmem:s31+$0xF700] =	vst v0  }
0x10f: {  	[hbm4b:s11+s10] =	stream.linear.scatter [tilespmem:s16], [sflag:$0xA], $0x2780, $0x38;
	[tilespmem:$0x16610] =	vst v63  }
0x110: {  	_ =	swait.ge [sflag:s18], $0x2780  }
0x111: {  	[sflag:s18] =	ssyncset.done $0x0  }
0x112: {  	[sflag:s18] =	ssyncadd.s32 $0xFFFFD880  }
0x113: {  	[spmem:s29], [sflag:s17] =	dma.local [hbm:s9], $0x4F0  }
0x114: {  	_ =	swait.ge [sflag:s18], $0x4F0  }
0x115: {  	[sflag:s18] =	ssyncset.done $0x0  }
0x116: {  	[sflag:s18] =	ssyncadd.s32 $0xFFFFFB10  }
0x117: {  	[bflag:$0x0] =	sbarrier.arrive $0xFFFF  }
0x118: {  	[tilespmem:s26], [sflag:$0x1] =	stream.indirect.gather [hbm4b:s15+s22], $0x10, s10, s22, $0xb8;
	[tilespmem:$0x16610] =	vst v63  }
0x119: {  	_ = 	snop  }
0x11a: {  	[tilespmem:s28], [sflag:$0x2] =	stream.indirect.gather [hbm4b:s15+s22], $0x10, s22, s22, $0xb8;
	[tilespmem:$0x16610] =	vst v63  }
0x11b: {  	s11 =	simm.s32 $0x100  }
0x11c: {  	[tilespmem:s30], [sflag:$0x3] =	stream.indirect.gather [hbm4b:s15+s22], $0x10, s11, s22, $0xb8;
	[tilespmem:$0x16610] =	vst v63  }
0x11d: {  	s11 =	simm.s32 $0x180  }
0x11e: {  	[tilespmem:s0], [sflag:$0x4] =	stream.indirect.gather [hbm4b:s15+s22], $0x10, s11, s22, $0xb8;
	[tilespmem:$0x16610] =	vst v63  }
0x11f: {  	_ =	swait.ge [sflag:s19], $0x800  }
0x120: {  	[sflag:s19] =	ssyncset.done $0x0  }
0x121: {  	s11 =	simm.s32 $0x5000;
	[sflag:s19] =	ssyncadd.s32 $0xFFFFF800  }
0x122: {  	[spmem:s2] =	stream.indirect.scatter.add.f32 [tilespmem:s26], [sflag:$0x5], $0x10, s11, s22, $0xb8;
	[tilespmem:$0x16610] =	vst v63  }
0x123: {  	_ =	swait.ge [sflag:s21], $0x800  }
0x124: {  	[sflag:s21] =	ssyncset.done $0x0  }
0x125: {  	s11 =	simm.s32 $0x5080;
	[sflag:s21] =	ssyncadd.s32 $0xFFFFF800  }
0x126: {  	[spmem:s2] =	stream.indirect.scatter.add.f32 [tilespmem:s28], [sflag:$0x6], $0x10, s11, s22, $0xb8;
	[tilespmem:$0x16610] =	vst v63  }
0x127: {  	_ =	swait.ge [sflag:s24], $0x800  }
0x128: {  	[sflag:s24] =	ssyncset.done $0x0  }
0x129: {  	s11 =	simm.s32 $0x5100;
	[sflag:s24] =	ssyncadd.s32 $0xFFFFF800  }
0x12a: {  	[spmem:s2] =	stream.indirect.scatter.add.f32 [tilespmem:s30], [sflag:$0x7], $0x10, s11, s22, $0xb8;
	[tilespmem:$0x16610] =	vst v63  }
0x12b: {  	_ =	swait.ge [sflag:s1], $0x800  }
0x12c: {  	[sflag:s1] =	ssyncset.done $0x0  }
0x12d: {  	s11 =	simm.s32 $0x5180;
	[sflag:s1] =	ssyncadd.s32 $0xFFFFF800  }
0x12e: {  	[spmem:s2] =	stream.indirect.scatter.add.f32 [tilespmem:s0], [sflag:$0x8], $0x10, s11, s22, $0xb8;
	[tilespmem:$0x16610] =	vst v63  }
0x12f: {  	_ =	swait.ge [sflag:s4], $0x800  }
0x130: {  	[sflag:s4] =	ssyncset.done $0x0  }
0x131: {  	s11 =	simm.s32 $0x200;
	[sflag:s4] =	ssyncadd.s32 $0xFFFFF800  }
0x132: {  	[tilespmem:s26], [sflag:$0x1] =	stream.indirect.gather [hbm4b:s15+s22], $0x10, s11, s22, $0xb8;
	[tilespmem:$0x16610] =	vst v63  }
0x133: {  	_ =	swait.ge [sflag:s5], $0x800  }
0x134: {  	[sflag:s5] =	ssyncset.done $0x0  }
0x135: {  	s11 =	simm.s32 $0x280;
	[sflag:s5] =	ssyncadd.s32 $0xFFFFF800  }
0x136: {  	[tilespmem:s28], [sflag:$0x2] =	stream.indirect.gather [hbm4b:s15+s22], $0x10, s11, s22, $0xb8;
	[tilespmem:$0x16610] =	vst v63  }
0x137: {  	_ =	swait.ge [sflag:s6], $0x800  }
0x138: {  	[sflag:s6] =	ssyncset.done $0x0  }
0x139: {  	s11 =	simm.s32 $0x300;
	[sflag:s6] =	ssyncadd.s32 $0xFFFFF800  }
0x13a: {  	[tilespmem:s30], [sflag:$0x3] =	stream.indirect.gather [hbm4b:s15+s22], $0x10, s11, s22, $0xb8;
	[tilespmem:$0x16610] =	vst v63  }
0x13b: {  	_ =	swait.ge [sflag:s7], $0x800  }
0x13c: {  	[sflag:s7] =	ssyncset.done $0x0  }
0x13d: {  	s31 =	simm.s32 $0x800;
	s10 =	simm.s32 $0x380;
	[sflag:s7] =	ssyncadd.s32 $0xFFFFF800  }
.LBB2_14:
0x13e: {  	[tilespmem:s0], [sflag:$0x4] =	stream.indirect.gather [hbm4b:s15+s22], $0x10, s10, s22, $0xb8;
	[tilespmem:$0x16610] =	vst v63  }
0x13f: {  	s10 =	smov.u32 s31  }
0x140: {  	p1 =	sne.s32 s31, $0x13000;
	s31 =	sadd.s32 $0x800, s31;
	_ =	swait.ge [sflag:s19], $0x800  }
0x141: {  	s10 =	sshra.s32 s10, $0x2;
	[sflag:s19] =	ssyncset.done $0x0  }
0x142: {  	s11 =	sadd.s32 $0x5000, s10;
	[sflag:s19] =	ssyncadd.s32 $0xFFFFF800  }
0x143: {  	[spmem:s2] =	stream.indirect.scatter.add.f32 [tilespmem:s26], [sflag:$0x5], $0x10, s11, s22, $0xb8;
	[tilespmem:$0x16610] =	vst v63  }
0x144: {  	_ =	swait.ge [sflag:s21], $0x800  }
0x145: {  	[sflag:s21] =	ssyncset.done $0x0  }
0x146: {  	s11 =	sadd.s32 $0x5080, s10;
	[sflag:s21] =	ssyncadd.s32 $0xFFFFF800  }
0x147: {  	[spmem:s2] =	stream.indirect.scatter.add.f32 [tilespmem:s28], [sflag:$0x6], $0x10, s11, s22, $0xb8;
	[tilespmem:$0x16610] =	vst v63  }
0x148: {  	_ =	swait.ge [sflag:s24], $0x800  }
0x149: {  	[sflag:s24] =	ssyncset.done $0x0  }
0x14a: {  	s11 =	sadd.s32 $0x5100, s10;
	[sflag:s24] =	ssyncadd.s32 $0xFFFFF800  }
0x14b: {  	[spmem:s2] =	stream.indirect.scatter.add.f32 [tilespmem:s30], [sflag:$0x7], $0x10, s11, s22, $0xb8;
	[tilespmem:$0x16610] =	vst v63  }
0x14c: {  	_ =	swait.ge [sflag:s1], $0x800  }
0x14d: {  	[sflag:s1] =	ssyncset.done $0x0  }
0x14e: {  	s11 =	sadd.s32 $0x5180, s10;
	[sflag:s1] =	ssyncadd.s32 $0xFFFFF800  }
0x14f: {  	[spmem:s2] =	stream.indirect.scatter.add.f32 [tilespmem:s0], [sflag:$0x8], $0x10, s11, s22, $0xb8;
	[tilespmem:$0x16610] =	vst v63  }
0x150: {  	_ =	swait.ge [sflag:s4], $0x800  }
0x151: {  	[sflag:s4] =	ssyncset.done $0x0  }
0x152: {  	s11 =	sadd.s32 $0x200, s10;
	[sflag:s4] =	ssyncadd.s32 $0xFFFFF800  }
0x153: {  	[tilespmem:s26], [sflag:$0x1] =	stream.indirect.gather [hbm4b:s15+s22], $0x10, s11, s22, $0xb8;
	[tilespmem:$0x16610] =	vst v63  }
0x154: {  	_ =	swait.ge [sflag:s5], $0x800  }
0x155: {  	[sflag:s5] =	ssyncset.done $0x0  }
0x156: {  	s11 =	sadd.s32 $0x280, s10;
	[sflag:s5] =	ssyncadd.s32 $0xFFFFF800  }
0x157: {  	[tilespmem:s28], [sflag:$0x2] =	stream.indirect.gather [hbm4b:s15+s22], $0x10, s11, s22, $0xb8;
	[tilespmem:$0x16610] =	vst v63  }
0x158: {  	_ =	swait.ge [sflag:s6], $0x800  }
0x159: {  	[sflag:s6] =	ssyncset.done $0x0  }
.Ltmp6:
0x15a: {  	s11 =	sadd.s32 $0x300, s10;
	[sflag:s6] =	ssyncadd.s32 $0xFFFFF800;
	(pc) =	sbr.rel @p1 .LBB2_14-.Ltmp6, $4  }
0x15b: {  	[tilespmem:s30], [sflag:$0x3] =	stream.indirect.gather [hbm4b:s15+s22], $0x10, s11, s22, $0xb8;
	[tilespmem:$0x16610] =	vst v63  }
0x15c: {  	_ =	swait.ge [sflag:s7], $0x800  }
0x15d: {  	[sflag:s7] =	ssyncset.done $0x0  }
0x15e: {  	s10 =	sadd.s32 $0x380, s10;
	[sflag:s7] =	ssyncadd.s32 $0xFFFFF800  }
0x15f: {  	[tilespmem:s0], [sflag:$0x4] =	stream.indirect.gather [hbm4b:s15+s22], $0x10, s10, s22, $0xb8;
	[tilespmem:$0x16610] =	vst v63  }
0x160: {  	_ =	swait.ge [sflag:s19], $0x800  }
0x161: {  	[sflag:s19] =	ssyncset.done $0x0  }
0x162: {  	s11 =	simm.s32 $0x9E00;
	[sflag:s19] =	ssyncadd.s32 $0xFFFFF800  }
0x163: {  	[spmem:s2] =	stream.indirect.scatter.add.f32 [tilespmem:s26], [sflag:$0x5], $0x10, s11, s22, $0xb8;
	[tilespmem:$0x16610] =	vst v63  }
0x164: {  	_ =	swait.ge [sflag:s21], $0x800  }
0x165: {  	[sflag:s21] =	ssyncset.done $0x0  }
0x166: {  	s31 =	simm.s32 $0x9E80;
	[sflag:s21] =	ssyncadd.s32 $0xFFFFF800  }
0x167: {  	[spmem:s2] =	stream.indirect.scatter.add.f32 [tilespmem:s28], [sflag:$0x6], $0x10, s31, s22, $0xb8;
	[tilespmem:$0x16610] =	vst v63  }
0x168: {  	_ =	swait.ge [sflag:s24], $0x800  }
0x169: {  	[sflag:s24] =	ssyncset.done $0x0  }
0x16a: {  	[sflag:s24] =	ssyncadd.s32 $0xFFFFF800  }
0x16b: {  	[spmem:s2] =	stream.indirect.scatter.add.f32 [tilespmem:s30], [sflag:$0x7], $0x10, s12, s22, $0xb8;
	[tilespmem:$0x16610] =	vst v63  }
0x16c: {  	_ =	swait.ge [sflag:s1], $0x800  }
0x16d: {  	[sflag:s1] =	ssyncset.done $0x0  }
0x16e: {  	[sflag:s1] =	ssyncadd.s32 $0xFFFFF800  }
0x16f: {  	[spmem:s2] =	stream.indirect.scatter.add.f32 [tilespmem:s0], [sflag:$0x8], $0x10, s14, s22, $0xb8;
	[tilespmem:$0x16610] =	vst v63  }
0x170: {  	_ =	swait.ge [sflag:s4], $0x800  }
0x171: {  	[sflag:s4] =	ssyncset.done $0x0  }
0x172: {  	[sflag:s4] =	ssyncadd.s32 $0xFFFFF800  }
0x173: {  	_ =	swait.ge [sflag:s5], $0x800  }
0x174: {  	[sflag:s5] =	ssyncset.done $0x0  }
0x175: {  	[sflag:s5] =	ssyncadd.s32 $0xFFFFF800  }
0x176: {  	_ =	swait.ge [sflag:s6], $0x800  }
0x177: {  	[sflag:s6] =	ssyncset.done $0x0  }
0x178: {  	[sflag:s6] =	ssyncadd.s32 $0xFFFFF800  }
0x179: {  	_ =	swait.ge [sflag:s7], $0x800  }
0x17a: {  	[sflag:s7] =	ssyncset.done $0x0  }
0x17b: {  	[sflag:s7] =	ssyncadd.s32 $0xFFFFF800  }
0x17c: {  	[bflag:$0x0] =	sbarrier.arrive $0xFFFF  }
0x17d: {  	s11 =	rddreg [dreg:$0xd]  }
0x17e: {  	[hbm:s11], [sflag:s17] =	dma.local [spmem:s29], $0x4F0  }
0x17f: {  	_ =	swait.ge [sflag:s18], $0x4F0  }
0x180: {  	s25 =	sadd.s32 $0x1, s25;
	s31 =	rddreg [dreg:$0xe]  }
0x181: {  	p1 =	sne.s32 s25, s31  }
.Ltmp7:
0x182: {  	_ = 	snop;
	(pc) =	sbr.rel @p1 .LBB2_1-.Ltmp7, $3  }
0x183: {  	_ =	sdelay $0x1  }
0x184: {  	[sflag:s18] =	ssyncset.done $0x0  }
0x185: {  	[sflag:s18] =	ssyncadd.s32 $0xFFFFFB10  }
0x186: {  	_ =	sfence.sel $0x180000  }
0x187: {  	[bflag:$0x0] =	sbarrier.arrive $0xFFFF  }
0x188: {  	_ =	strace $0x90000047  }
0x189: {  	s0 =	stileid.u32;
	[bflag:$0x2] =	sbarrier.arrive $0xFFFF  }
0x18a: {  	p0 =	sne.s32 s0, $0x0;
	s0 =	rddreg [dreg:$0x4]  }
0x18b: {  	s0 =	sadd.s32 @!p0 $0x100000, s0  }
0x18c: {  	[sflag:s0] =	ssyncadd.tile.s32 @!p0 $0x1;
	_ =	shalt  }
.Lfunc_end2:
_tile_overlayer_lowered:
.L_overlay_start_2:
0x18d: {  	(tag) =	ssettag $0x2  }
0x18e: {  	s0 =	rddreg [dreg:$0x0];
	s2 =	stileid.u32  }
0x18f: {  	s1 =	rddreg [dreg:$0x1];
	p0 =	sne.s32 s2, $0x0  }
0x190: {  	s3 =	rddreg [dreg:$0x2];
	[bflag:$0x3] =	sbarrier.arrive $0xFFFF;
	s2 =	simm.s32 @!p0 $0x1C0A  }
0x191: {  	[timem:s3], [sflag:s2] =	dma.local @!p0 [hbm:s0], s1  }
0x192: {  	s0 =	simm.s32 @!p0 $0xA  }
0x193: {  	_ =	swait.ge @!p0 [sflag:s0], s1  }
0x194: {  	s1 =	ssub.s32 @!p0 $0x0, s1;
	[sflag:s0] =	ssyncset.done @!p0 $0x0  }
0x195: {  	[sflag:s0] =	ssyncadd.s32 @!p0 s1  }
0x196: {  	[bflag:$0x3] =	sbarrier.arrive $0xFFFF  }
0x197: {  	_ =	shalt  }

</sc_bundles>
